<compile_context>
chip_gen: v7x
topology: tpu7x:2x2x1
jax: 0.10.2.dev20260603
libtpu: 0.0.44.dev20260713+nightly
codegen_flags: <defaults>
</compile_context>

<pallas_src>
import functools

import jax
import jax.numpy as jnp
from jax import lax
from jax.experimental import pallas as pl
from jax.experimental.pallas import tpu as pltpu
from jax.experimental.pallas import tpu_sc as plsc

D_MODEL = 768
N_HEADS = 12
D_HEAD = 64
N_CLUSTERS = 8
B_SZ = 2
SEQ = 2048
BS = 256
BQ = 256
BK = 256
BIAS = 1024.0
CHUNK = 128
I32_PER_ROW = D_MODEL // 2


def _route_kernel(q_ref, k_ref, wr_ref, qa_ref, ka_ref):
    def assign(blk):
        logits = jnp.dot(blk, wr_ref[...], preferred_element_type=jnp.float32)
        idx = lax.broadcasted_iota(jnp.int32, logits.shape, 1)
        mx = jnp.max(logits, axis=-1, keepdims=True)
        am = jnp.min(jnp.where(logits == mx, idx, N_CLUSTERS), axis=-1,
                     keepdims=True)
        return am.astype(jnp.float32)

    qa_ref[0] = assign(q_ref[0])
    ka_ref[0] = assign(k_ref[0])


def _proj_kernel(k_ref, v_ref, wk_ref, wv_ref, kp_ref, vp_ref):
    kblk = k_ref[0]
    vblk = v_ref[0]
    for h in range(N_HEADS):
        kp_ref[0, h] = jnp.dot(kblk, wk_ref[h],
                               preferred_element_type=jnp.float32
                               ).astype(jnp.bfloat16)
        vp_ref[0, h] = jnp.dot(vblk, wv_ref[h],
                               preferred_element_type=jnp.float32
                               ).astype(jnp.bfloat16)


def _sort_kernel(qa_ref, ka_ref, pq_ref, pk_ref, offs_ref):
    S = SEQ
    M = N_CLUSTERS
    row_i = lax.broadcasted_iota(jnp.int32, (S, 1), 0)
    col_j = lax.broadcasted_iota(jnp.int32, (1, S), 1)
    tril = (col_j < row_i).astype(jnp.bfloat16)
    ioc = lax.broadcasted_iota(jnp.int32, (1, M), 1).astype(jnp.float32)
    tri8 = (lax.broadcasted_iota(jnp.int32, (M, 1), 0)
            < lax.broadcasted_iota(jnp.int32, (1, M), 1)).astype(jnp.float32)
    pcol = lax.broadcasted_iota(jnp.int32, (1, S), 1).astype(jnp.float32)
    idx_i = lax.broadcasted_iota(jnp.int32, (S, 1), 0)
    idx_hi = (idx_i // 8).astype(jnp.float32)
    idx_lo = (idx_i - (idx_i // 8) * 8).astype(jnp.float32)

    def side(asg):
        oh = (asg == ioc).astype(jnp.bfloat16)
        ranks = jnp.dot(tril, oh, preferred_element_type=jnp.float32)
        ohf = oh.astype(jnp.float32)
        counts = jnp.sum(ohf, axis=0, keepdims=True)
        offs = jnp.dot(counts, tri8, preferred_element_type=jnp.float32,
                       precision=lax.Precision.HIGHEST)
        pos = jnp.sum((ranks + offs) * ohf, axis=1, keepdims=True)
        ind = (pos == pcol).astype(jnp.bfloat16)
        perm = (8.0 * lax.dot_general(ind, idx_hi.astype(jnp.bfloat16),
                                      (((0,), (0,)), ((), ())),
                                      preferred_element_type=jnp.float32)
                + lax.dot_general(ind, idx_lo.astype(jnp.bfloat16),
                                  (((0,), (0,)), ((), ())),
                                  preferred_element_type=jnp.float32))
        return perm, offs

    pq, oq = side(qa_ref[0])
    pk, ok = side(ka_ref[0])
    pq_ref[0] = pq
    pk_ref[0] = pk
    pad = jnp.full((1, 16 - M), float(S), dtype=jnp.float32)
    offs_ref[0] = jnp.concatenate(
        [jnp.concatenate([oq, pad], axis=1),
         jnp.concatenate([ok, pad], axis=1)], axis=0)


def _attn_kernel(qs_ref, wq_ref, kps_ref, vps_ref, offs_ref, wo_ref,
                 out_ref):
    b = pl.program_id(0)
    i = pl.program_id(1)
    h = pl.program_id(2)
    S = SEQ
    M = N_CLUSTERS
    qlo = i * BQ

    def scan_offs(c, carry):
        c_lo, c_hi = carry
        qc = offs_ref[b, 0, c]
        c_lo = c_lo + jnp.where(qc <= qlo, 1, 0)
        c_hi = c_hi + jnp.where(qc < qlo + BQ, 1, 0)
        return c_lo, c_hi

    c_lo, c_hi = lax.fori_loop(1, M, scan_offs, (0, 0))
    kstart = offs_ref[b, 1, c_lo]
    kend = offs_ref[b, 1, c_hi + 1]
    t0 = kstart // BK
    t1 = (kend + BK - 1) // BK

    qpos = qlo + lax.broadcasted_iota(jnp.int32, (BQ, 1), 0)

    def cl_of(pos, kside):
        def body(c, acc):
            return acc + jnp.where(pos >= offs_ref[b, kside, c], 1, 0)
        return lax.fori_loop(1, M, body, jnp.zeros(pos.shape, jnp.int32))

    qcl = cl_of(qpos, 0)
    ioc_row = lax.broadcasted_iota(jnp.int32, (1, M), 1)
    qoh = (qcl == ioc_row).astype(jnp.bfloat16) * jnp.bfloat16(BIAS)

    qh = jnp.dot(qs_ref[0], wq_ref[0], preferred_element_type=jnp.float32)
    qa = jnp.concatenate([(qh * 0.125).astype(jnp.bfloat16), qoh], axis=1)

    def tile(t, carry):
        ctx_un, denom = carry
        off = t * BK
        kh = kps_ref[0, h, pl.ds(off, BK), :]
        vh = vps_ref[0, h, pl.ds(off, BK), :]
        kpos = off + lax.broadcasted_iota(jnp.int32, (BK, 1), 0)
        kcl = cl_of(kpos, 1)
        koh = (kcl == ioc_row).astype(jnp.bfloat16)
        ka = jnp.concatenate([kh, koh], axis=1)
        s = lax.dot_general(qa, ka, (((1,), (1,)), ((), ())),
                            preferred_element_type=jnp.float32)
        e = jnp.exp(s - BIAS)
        denom = denom + jnp.sum(e, axis=-1, keepdims=True)
        ctx_un = ctx_un + jnp.dot(e.astype(jnp.bfloat16), vh,
                                  preferred_element_type=jnp.float32)
        return ctx_un, denom

    ctx_un, denom = lax.fori_loop(
        t0, t1, tile,
        (jnp.zeros((BQ, D_HEAD), jnp.float32), jnp.zeros((BQ, 1),
                                                         jnp.float32)))
    r = jnp.where(denom > 0.0, 1.0 / denom, jnp.float32(0.0))
    ctx = ctx_un * r
    contrib = jnp.dot(ctx.astype(jnp.bfloat16), wo_ref[...],
                      preferred_element_type=jnp.float32)

    @pl.when(h == 0)
    def _():
        out_ref[0] = contrib

    @pl.when(h != 0)
    def _():
        out_ref[0] += contrib


def _chunk_affine(src_ref, dst_ref, scale, offset):
    for j in range(CHUNK // 16):
        sl = pl.ds(j * 16, 16)
        dst_ref[sl] = src_ref[sl] * scale + offset


def _sc_gather(qflat, kflat, vflat, permq, permk):
    B, S = B_SZ, SEQ
    W = I32_PER_ROW
    mesh = plsc.VectorSubcoreMesh(core_axis_name="c", subcore_axis_name="s")

    @functools.partial(
        pl.kernel, mesh=mesh,
        out_type=[
            jax.ShapeDtypeStruct((B * S, W), jnp.int32),
            jax.ShapeDtypeStruct((B * S, W), jnp.int32),
            jax.ShapeDtypeStruct((B * S, W), jnp.int32),
        ],
        scratch_types=[
            pltpu.VMEM((CHUNK,), jnp.int32),
            pltpu.VMEM((CHUNK,), jnp.int32),
            pltpu.VMEM((CHUNK, W), jnp.int32),
            pltpu.SemaphoreType.DMA,
        ],
    )
    def gather_kernel(q_hbm, k_hbm, v_hbm, pq_hbm, pk_hbm,
                      qs_hbm, ks_hbm, vs_hbm,
                      idx_v, idx2_v, rows_v, sem):
        b = lax.axis_index("c")
        w = lax.axis_index("s")
        base = w * CHUNK
        pltpu.sync_copy(pq_hbm.at[pl.ds(b * S + base, CHUNK)], idx_v)
        _chunk_affine(idx_v, idx2_v, 1, b * S)
        pltpu.async_copy(q_hbm.at[idx2_v], rows_v, sem).wait()
        pltpu.sync_copy(rows_v, qs_hbm.at[pl.ds(b * S + base, CHUNK)])
        pltpu.sync_copy(pk_hbm.at[pl.ds(b * S + base, CHUNK)], idx_v)
        _chunk_affine(idx_v, idx2_v, 1, b * S)
        pltpu.async_copy(k_hbm.at[idx2_v], rows_v, sem).wait()
        pltpu.sync_copy(rows_v, ks_hbm.at[pl.ds(b * S + base, CHUNK)])
        pltpu.async_copy(v_hbm.at[idx2_v], rows_v, sem).wait()
        pltpu.sync_copy(rows_v, vs_hbm.at[pl.ds(b * S + base, CHUNK)])

    return gather_kernel(qflat, kflat, vflat, permq, permk)


def _sc_scatter(outs_flat, permq):
    B, S = B_SZ, SEQ
    mesh = plsc.VectorSubcoreMesh(core_axis_name="c", subcore_axis_name="s")

    @functools.partial(
        pl.kernel, mesh=mesh,
        out_type=jax.ShapeDtypeStruct((B * S, D_MODEL), jnp.float32),
        scratch_types=[
            pltpu.VMEM((CHUNK,), jnp.int32),
            pltpu.VMEM((CHUNK,), jnp.int32),
            pltpu.VMEM((CHUNK, D_MODEL), jnp.float32),
            pltpu.SemaphoreType.DMA,
        ],
    )
    def scatter_kernel(src_hbm, pq_hbm, out_hbm, idx_v, idx2_v, rows_v,
                       sem):
        b = lax.axis_index("c")
        w = lax.axis_index("s")
        base = w * CHUNK
        pltpu.sync_copy(pq_hbm.at[pl.ds(b * S + base, CHUNK)], idx_v)
        _chunk_affine(idx_v, idx2_v, 1, b * S)
        pltpu.sync_copy(src_hbm.at[pl.ds(b * S + base, CHUNK)], rows_v)
        pltpu.async_copy(rows_v, out_hbm.at[idx2_v], sem).wait()

    return scatter_kernel(outs_flat, permq)


def _bitcast_to_i32(x16):
    shp = x16.shape
    return lax.bitcast_convert_type(
        x16.reshape(shp[:-1] + (shp[-1] // 2, 2)), jnp.int32)


def kernel(q, k, v, Wq, Wk, Wv, Wo, Wr):
    B, Sq, D = q.shape
    Sk = k.shape[1]
    H, dh, M = N_HEADS, D_HEAD, N_CLUSTERS

    WqT = Wq.reshape(D, H, dh).transpose(1, 0, 2).astype(jnp.bfloat16)
    WkT = Wk.reshape(D, H, dh).transpose(1, 0, 2).astype(jnp.bfloat16)
    WvT = Wv.reshape(D, H, dh).transpose(1, 0, 2).astype(jnp.bfloat16)
    Wo16 = Wo.astype(jnp.bfloat16)

    nb = Sk // BS
    qasg, kasg = pl.pallas_call(
        _route_kernel,
        grid=(B, nb),
        in_specs=[
            pl.BlockSpec((1, BS, D), lambda b, i: (b, i, 0)),
            pl.BlockSpec((1, BS, D), lambda b, i: (b, i, 0)),
            pl.BlockSpec((D, M), lambda b, i: (0, 0)),
        ],
        out_specs=[
            pl.BlockSpec((1, BS, 1), lambda b, i: (b, i, 0)),
            pl.BlockSpec((1, BS, 1), lambda b, i: (b, i, 0)),
        ],
        out_shape=[
            jax.ShapeDtypeStruct((B, Sq, 1), jnp.float32),
            jax.ShapeDtypeStruct((B, Sk, 1), jnp.float32),
        ],
    )(q, k, Wr)

    permq_f, permk_f, offs_f = pl.pallas_call(
        _sort_kernel,
        grid=(B,),
        in_specs=[
            pl.BlockSpec((1, Sq, 1), lambda b: (b, 0, 0)),
            pl.BlockSpec((1, Sk, 1), lambda b: (b, 0, 0)),
        ],
        out_specs=[
            pl.BlockSpec((1, Sq, 1), lambda b: (b, 0, 0)),
            pl.BlockSpec((1, Sk, 1), lambda b: (b, 0, 0)),
            pl.BlockSpec((1, 2, 16), lambda b: (b, 0, 0)),
        ],
        out_shape=[
            jax.ShapeDtypeStruct((B, Sq, 1), jnp.float32),
            jax.ShapeDtypeStruct((B, Sk, 1), jnp.float32),
            jax.ShapeDtypeStruct((B, 2, 16), jnp.float32),
        ],
    )(qasg, kasg)

    permq = permq_f.reshape(B * Sq).astype(jnp.int32)
    permk = permk_f.reshape(B * Sk).astype(jnp.int32)
    offs = offs_f.astype(jnp.int32)

    q16 = q.astype(jnp.bfloat16)
    k16 = k.astype(jnp.bfloat16)
    v16 = v.astype(jnp.bfloat16)
    qflat = _bitcast_to_i32(q16.reshape(B * Sq, D))
    kflat = _bitcast_to_i32(k16.reshape(B * Sk, D))
    vflat = _bitcast_to_i32(v16.reshape(B * Sk, D))

    qs_i, ks_i, vs_i = _sc_gather(qflat, kflat, vflat, permq, permk)

    qs = lax.bitcast_convert_type(qs_i, jnp.bfloat16).reshape(B, Sq, D)
    ks = lax.bitcast_convert_type(ks_i, jnp.bfloat16).reshape(B, Sk, D)
    vs = lax.bitcast_convert_type(vs_i, jnp.bfloat16).reshape(B, Sk, D)

    kps, vps = pl.pallas_call(
        _proj_kernel,
        grid=(B, nb),
        in_specs=[
            pl.BlockSpec((1, BS, D), lambda b, i: (b, i, 0)),
            pl.BlockSpec((1, BS, D), lambda b, i: (b, i, 0)),
            pl.BlockSpec((H, D, dh), lambda b, i: (0, 0, 0)),
            pl.BlockSpec((H, D, dh), lambda b, i: (0, 0, 0)),
        ],
        out_specs=[
            pl.BlockSpec((1, H, BS, dh), lambda b, i: (b, 0, i, 0)),
            pl.BlockSpec((1, H, BS, dh), lambda b, i: (b, 0, i, 0)),
        ],
        out_shape=[
            jax.ShapeDtypeStruct((B, H, Sk, dh), jnp.bfloat16),
            jax.ShapeDtypeStruct((B, H, Sk, dh), jnp.bfloat16),
        ],
    )(ks, vs, WkT, WvT)

    nq = Sq // BQ
    outs = pl.pallas_call(
        _attn_kernel,
        grid=(B, nq, H),
        in_specs=[
            pl.BlockSpec((1, BQ, D), lambda b, i, h: (b, i, 0)),
            pl.BlockSpec((1, D, dh), lambda b, i, h: (h, 0, 0)),
            pl.BlockSpec((1, H, Sk, dh), lambda b, i, h: (b, 0, 0, 0)),
            pl.BlockSpec((1, H, Sk, dh), lambda b, i, h: (b, 0, 0, 0)),
            pl.BlockSpec(memory_space=pltpu.SMEM),
            pl.BlockSpec((dh, D), lambda b, i, h: (h, 0)),
        ],
        out_specs=pl.BlockSpec((1, BQ, D), lambda b, i, h: (b, i, 0)),
        out_shape=jax.ShapeDtypeStruct((B, Sq, D), jnp.float32),
    )(qs, WqT, kps, vps, offs, Wo16)

    out = _sc_scatter(outs.reshape(B * Sq, D), permq).reshape(B, Sq, D)
    return out

# --- scband reference (transcript-rebuilt; emitter-appended) ---
"""Pipeline reference for scband-mo-eclustered-attention-40089224741574 (READ-ONLY COPY).

The authoritative reference and input builder live on the scoring server;
editing this copy changes nothing except your own understanding.
"""

import jax, jax.numpy as jnp
import numpy as np

D_MODEL = 768
N_HEADS = 12
N_CLUSTERS = 8
B = 2
SQ = 2048
SK = 2048


def setup_inputs(seed: int = 0) -> dict:
    key = jax.random.key(seed)
    ks = jax.random.split(key, 8)
    q = jax.random.normal(ks[0], (B, SQ, D_MODEL), dtype=jnp.float32)
    k = jax.random.normal(ks[1], (B, SK, D_MODEL), dtype=jnp.float32)
    v = jax.random.normal(ks[2], (B, SK, D_MODEL), dtype=jnp.float32)
    scale = 1.0 / np.sqrt(D_MODEL)
    Wq = jax.random.normal(ks[3], (D_MODEL, D_MODEL), dtype=jnp.float32) * scale
    Wk = jax.random.normal(ks[4], (D_MODEL, D_MODEL), dtype=jnp.float32) * scale
    Wv = jax.random.normal(ks[5], (D_MODEL, D_MODEL), dtype=jnp.float32) * scale
    Wo = jax.random.normal(ks[6], (D_MODEL, D_MODEL), dtype=jnp.float32) * scale
    Wr = jax.random.normal(ks[7], (D_MODEL, N_CLUSTERS), dtype=jnp.float32) * scale
    return {"q": q, "k": k, "v": v, "Wq": Wq, "Wk": Wk, "Wv": Wv, "Wo": Wo, "Wr": Wr}


def reference(q, k, v, Wq, Wk, Wv, Wo, Wr):
    B_, Sq, D = q.shape
    Sk = k.shape[1]
    H = N_HEADS
    dh = D // H
    # Router: assign every token (queries then keys) to one of M clusters
    tokens = jnp.concatenate([q, k], axis=1)  # [B, Sq+Sk, D]
    router_logits = tokens @ Wr               # [B, Sq+Sk, M]
    assignments = jnp.argmax(router_logits, axis=-1)  # [B, Sq+Sk] int
    q_assign = assignments[:, :Sq]            # [B, Sq]
    k_assign = assignments[:, Sq:Sq + Sk]     # [B, Sk]
    # Same-cluster connectivity mask
    mask = q_assign[:, :, None] == k_assign[:, None, :]  # [B, Sq, Sk] bool
    # Multi-head projections
    qh = (q @ Wq).reshape(B_, Sq, H, dh).transpose(0, 2, 1, 3)  # [B, H, Sq, dh]
    kh = (k @ Wk).reshape(B_, Sk, H, dh).transpose(0, 2, 1, 3)  # [B, H, Sk, dh]
    vh = (v @ Wv).reshape(B_, Sk, H, dh).transpose(0, 2, 1, 3)  # [B, H, Sk, dh]
    scores = jnp.einsum('bhqd,bhkd->bhqk', qh, kh) / jnp.sqrt(jnp.float32(dh))
    neg = jnp.float32(-1e9)
    scores = jnp.where(mask[:, None, :, :], scores, neg)
    attn = jax.nn.softmax(scores, axis=-1)
    # zero out rows whose query cluster has no keys at all
    has_any = jnp.any(mask, axis=-1)  # [B, Sq]
    attn = attn * has_any[:, None, :, None].astype(attn.dtype)
    ctx = jnp.einsum('bhqk,bhkd->bhqd', attn, vh)  # [B, H, Sq, dh]
    ctx = ctx.transpose(0, 2, 1, 3).reshape(B_, Sq, D)
    out = ctx @ Wo
    return out

if __name__ == "__main__":
    import jax
    _d = setup_inputs()
    print(jax.jit(kernel)(*tuple(_d.values())))

</pallas_src>

<mosaic_0001>
#map = affine_map<(d0, d1) -> (0, 0)>
#map1 = affine_map<(d0, d1) -> (0)>
module attributes {stable_mosaic.version = 14 : i64} {
  func.func @gather_kernel(%arg0: i32, %arg1: i32, %arg2: memref<4096x384xi32, #tpu.memory_space<hbm>>, %arg3: memref<4096x384xi32, #tpu.memory_space<hbm>>, %arg4: memref<4096x384xi32, #tpu.memory_space<hbm>>, %arg5: memref<4096xi32, #tpu.memory_space<hbm>>, %arg6: memref<4096xi32, #tpu.memory_space<hbm>>, %arg7: memref<4096x384xi32, #tpu.memory_space<hbm>>, %arg8: memref<4096x384xi32, #tpu.memory_space<hbm>>, %arg9: memref<4096x384xi32, #tpu.memory_space<hbm>>, %arg10: memref<128xi32, #tpu.memory_space<vmem>>, %arg11: memref<128xi32, #tpu.memory_space<vmem>>, %arg12: memref<128x384xi32, #tpu.memory_space<vmem>>, %arg13: memref<!tpu.dma_semaphore, #tpu.memory_space<semaphore_mem>>) attributes {dimension_semantics = [#tpu.dimension_semantics<core_parallel>, #tpu.dimension_semantics<subcore_parallel>], iteration_bounds = array<i64: 2, 16>, scalar_prefetch = 0 : i64, scratch_operands = 4 : i64, tpu.core_type = #tpu.core_type<sc_vector_subcore>, window_params = [{transform_indices = #map}, {transform_indices = #map}, {transform_indices = #map}, {transform_indices = #map1}, {transform_indices = #map1}, {transform_indices = #map}, {transform_indices = #map}, {transform_indices = #map}]} {
    %mul3A = arith.constant 128 : i32
    %mul3A_0 = arith.muli %arg1, %mul3A : i32
    %mul3A_1 = arith.constant 2048 : i32
    %mul3A_2 = arith.muli %arg0, %mul3A_1 : i32
    %add3A = arith.addi %mul3A_2, %mul3A_0 : i32
    "tpu.region"() ({
      %run_scoped3A = tpu.sem_alloc : memref<!tpu.dma_semaphore, #tpu.memory_space<semaphore_mem>>
      %dma_start3A_225 = tpu.memref_slice %arg5[%add3A] : memref<4096xi32, #tpu.memory_space<hbm>> -> memref<128xi32, #tpu.memory_space<hbm>>
      %dma_start3A_226 = tpu.memref_slice %arg5[%add3A] : memref<4096xi32, #tpu.memory_space<hbm>> -> memref<128xi32, #tpu.memory_space<hbm>>
      tpu.enqueue_dma source(%dma_start3A_226 : memref<128xi32, #tpu.memory_space<hbm>>) target(%arg10 : memref<128xi32, #tpu.memory_space<vmem>>) target_semaphore(%run_scoped3A : memref<!tpu.dma_semaphore, #tpu.memory_space<semaphore_mem>>)
      %dma_wait3A_227 = tpu.memref_slice %arg5[%add3A] : memref<4096xi32, #tpu.memory_space<hbm>> -> memref<128xi32, #tpu.memory_space<hbm>>
      %dma_wait3A_228 = tpu.memref_slice %arg5[%add3A] : memref<4096xi32, #tpu.memory_space<hbm>> -> memref<128xi32, #tpu.memory_space<hbm>>
      tpu.wait_dma2 semaphore(%run_scoped3A : memref<!tpu.dma_semaphore, #tpu.memory_space<semaphore_mem>>) src(%dma_wait3A_228 : memref<128xi32, #tpu.memory_space<hbm>>) dst(%arg10 : memref<128xi32, #tpu.memory_space<vmem>>)
      tpu.yield
    }) : () -> ()
    %mul3A_3 = arith.constant 2048 : i32
    %mul3A_4 = arith.muli %arg0, %mul3A_3 : i32
    %get3A = arith.constant 0 : index
    %get3A_5 = tpu.vector_load %arg10[%get3A] {strides = array<i32>} : memref<128xi32, #tpu.memory_space<vmem>>, vector<16xi32>,
    %get3A_6 = vector.shape_cast %get3A_5 : vector<16xi32> to vector<16xi32>
    %mul3A_7 = arith.constant 1 : i32
    %mul3A_8 = vector.broadcast %mul3A_7 : i32 to vector<16xi32>
    %mul3A_9 = arith.muli %get3A_6, %mul3A_8 : vector<16xi32>
    %add3A_10 = vector.broadcast %mul3A_4 : i32 to vector<16xi32>
    %add3A_11 = arith.addi %mul3A_9, %add3A_10 : vector<16xi32>
    %swap3A = arith.constant 0 : index
    %swap3A_12 = tpu.vector_load %arg11[%swap3A] {strides = array<i32>} : memref<128xi32, #tpu.memory_space<vmem>>, vector<16xi32>,
    %swap3A_13 = vector.shape_cast %swap3A_12 : vector<16xi32> to vector<16xi32>
    %swap3A_14 = vector.shape_cast %add3A_11 : vector<16xi32> to vector<16xi32>
    tpu.vector_store %arg11[%swap3A], %swap3A_14 {strides = array<i32>} : memref<128xi32, #tpu.memory_space<vmem>>, vector<16xi32>,
    %get3A_15 = arith.constant 16 : index
    %get3A_16 = tpu.vector_load %arg10[%get3A_15] {strides = array<i32>} : memref<128xi32, #tpu.memory_space<vmem>>, vector<16xi32>,
    %get3A_17 = vector.shape_cast %get3A_16 : vector<16xi32> to vector<16xi32>
    %mul3A_18 = arith.constant 1 : i32
    %mul3A_19 = vector.broadcast %mul3A_18 : i32 to vector<16xi32>
    %mul3A_20 = arith.muli %get3A_17, %mul3A_19 : vector<16xi32>
    %add3A_21 = vector.broadcast %mul3A_4 : i32 to vector<16xi32>
    %add3A_22 = arith.addi %mul3A_20, %add3A_21 : vector<16xi32>
    %swap3A_23 = arith.constant 16 : index
    %swap3A_24 = tpu.vector_load %arg11[%swap3A_23] {strides = array<i32>} : memref<128xi32, #tpu.memory_space<vmem>>, vector<16xi32>,
    %swap3A_25 = vector.shape_cast %swap3A_24 : vector<16xi32> to vector<16xi32>
    %swap3A_26 = vector.shape_cast %add3A_22 : vector<16xi32> to vector<16xi32>
    tpu.vector_store %arg11[%swap3A_23], %swap3A_26 {strides = array<i32>} : memref<128xi32, #tpu.memory_space<vmem>>, vector<16xi32>,
    %get3A_27 = arith.constant 32 : index
    %get3A_28 = tpu.vector_load %arg10[%get3A_27] {strides = array<i32>} : memref<128xi32, #tpu.memory_space<vmem>>, vector<16xi32>,
    %get3A_29 = vector.shape_cast %get3A_28 : vector<16xi32> to vector<16xi32>
    %mul3A_30 = arith.constant 1 : i32
    %mul3A_31 = vector.broadcast %mul3A_30 : i32 to vector<16xi32>
    %mul3A_32 = arith.muli %get3A_29, %mul3A_31 : vector<16xi32>
    %add3A_33 = vector.broadcast %mul3A_4 : i32 to vector<16xi32>
    %add3A_34 = arith.addi %mul3A_32, %add3A_33 : vector<16xi32>
    %swap3A_35 = arith.constant 32 : index
    %swap3A_36 = tpu.vector_load %arg11[%swap3A_35] {strides = array<i32>} : memref<128xi32, #tpu.memory_space<vmem>>, vector<16xi32>,
    %swap3A_37 = vector.shape_cast %swap3A_36 : vector<16xi32> to vector<16xi32>
    %swap3A_38 = vector.shape_cast %add3A_34 : vector<16xi32> to vector<16xi32>
    tpu.vector_store %arg11[%swap3A_35], %swap3A_38 {strides = array<i32>} : memref<128xi32, #tpu.memory_space<vmem>>, vector<16xi32>,
    %get3A_39 = arith.constant 48 : index
    %get3A_40 = tpu.vector_load %arg10[%get3A_39] {strides = array<i32>} : memref<128xi32, #tpu.memory_space<vmem>>, vector<16xi32>,
    %get3A_41 = vector.shape_cast %get3A_40 : vector<16xi32> to vector<16xi32>
    %mul3A_42 = arith.constant 1 : i32
    %mul3A_43 = vector.broadcast %mul3A_42 : i32 to vector<16xi32>
    %mul3A_44 = arith.muli %get3A_41, %mul3A_43 : vector<16xi32>
    %add3A_45 = vector.broadcast %mul3A_4 : i32 to vector<16xi32>
    %add3A_46 = arith.addi %mul3A_44, %add3A_45 : vector<16xi32>
    %swap3A_47 = arith.constant 48 : index
    %swap3A_48 = tpu.vector_load %arg11[%swap3A_47] {strides = array<i32>} : memref<128xi32, #tpu.memory_space<vmem>>, vector<16xi32>,
    %swap3A_49 = vector.shape_cast %swap3A_48 : vector<16xi32> to vector<16xi32>
    %swap3A_50 = vector.shape_cast %add3A_46 : vector<16xi32> to vector<16xi32>
    tpu.vector_store %arg11[%swap3A_47], %swap3A_50 {strides = array<i32>} : memref<128xi32, #tpu.memory_space<vmem>>, vector<16xi32>,
    %get3A_51 = arith.constant 64 : index
    %get3A_52 = tpu.vector_load %arg10[%get3A_51] {strides = array<i32>} : memref<128xi32, #tpu.memory_space<vmem>>, vector<16xi32>,
    %get3A_53 = vector.shape_cast %get3A_52 : vector<16xi32> to vector<16xi32>
    %mul3A_54 = arith.constant 1 : i32
    %mul3A_55 = vector.broadcast %mul3A_54 : i32 to vector<16xi32>
    %mul3A_56 = arith.muli %get3A_53, %mul3A_55 : vector<16xi32>
    %add3A_57 = vector.broadcast %mul3A_4 : i32 to vector<16xi32>
    %add3A_58 = arith.addi %mul3A_56, %add3A_57 : vector<16xi32>
    %swap3A_59 = arith.constant 64 : index
    %swap3A_60 = tpu.vector_load %arg11[%swap3A_59] {strides = array<i32>} : memref<128xi32, #tpu.memory_space<vmem>>, vector<16xi32>,
    %swap3A_61 = vector.shape_cast %swap3A_60 : vector<16xi32> to vector<16xi32>
    %swap3A_62 = vector.shape_cast %add3A_58 : vector<16xi32> to vector<16xi32>
    tpu.vector_store %arg11[%swap3A_59], %swap3A_62 {strides = array<i32>} : memref<128xi32, #tpu.memory_space<vmem>>, vector<16xi32>,
    %get3A_63 = arith.constant 80 : index
    %get3A_64 = tpu.vector_load %arg10[%get3A_63] {strides = array<i32>} : memref<128xi32, #tpu.memory_space<vmem>>, vector<16xi32>,
    %get3A_65 = vector.shape_cast %get3A_64 : vector<16xi32> to vector<16xi32>
    %mul3A_66 = arith.constant 1 : i32
    %mul3A_67 = vector.broadcast %mul3A_66 : i32 to vector<16xi32>
    %mul3A_68 = arith.muli %get3A_65, %mul3A_67 : vector<16xi32>
    %add3A_69 = vector.broadcast %mul3A_4 : i32 to vector<16xi32>
    %add3A_70 = arith.addi %mul3A_68, %add3A_69 : vector<16xi32>
    %swap3A_71 = arith.constant 80 : index
    %swap3A_72 = tpu.vector_load %arg11[%swap3A_71] {strides = array<i32>} : memref<128xi32, #tpu.memory_space<vmem>>, vector<16xi32>,
    %swap3A_73 = vector.shape_cast %swap3A_72 : vector<16xi32> to vector<16xi32>
    %swap3A_74 = vector.shape_cast %add3A_70 : vector<16xi32> to vector<16xi32>
    tpu.vector_store %arg11[%swap3A_71], %swap3A_74 {strides = array<i32>} : memref<128xi32, #tpu.memory_space<vmem>>, vector<16xi32>,
    %get3A_75 = arith.constant 96 : index
    %get3A_76 = tpu.vector_load %arg10[%get3A_75] {strides = array<i32>} : memref<128xi32, #tpu.memory_space<vmem>>, vector<16xi32>,
    %get3A_77 = vector.shape_cast %get3A_76 : vector<16xi32> to vector<16xi32>
    %mul3A_78 = arith.constant 1 : i32
    %mul3A_79 = vector.broadcast %mul3A_78 : i32 to vector<16xi32>
    %mul3A_80 = arith.muli %get3A_77, %mul3A_79 : vector<16xi32>
    %add3A_81 = vector.broadcast %mul3A_4 : i32 to vector<16xi32>
    %add3A_82 = arith.addi %mul3A_80, %add3A_81 : vector<16xi32>
    %swap3A_83 = arith.constant 96 : index
    %swap3A_84 = tpu.vector_load %arg11[%swap3A_83] {strides = array<i32>} : memref<128xi32, #tpu.memory_space<vmem>>, vector<16xi32>,
    %swap3A_85 = vector.shape_cast %swap3A_84 : vector<16xi32> to vector<16xi32>
    %swap3A_86 = vector.shape_cast %add3A_82 : vector<16xi32> to vector<16xi32>
    tpu.vector_store %arg11[%swap3A_83], %swap3A_86 {strides = array<i32>} : memref<128xi32, #tpu.memory_space<vmem>>, vector<16xi32>,
    %get3A_87 = arith.constant 112 : index
    %get3A_88 = tpu.vector_load %arg10[%get3A_87] {strides = array<i32>} : memref<128xi32, #tpu.memory_space<vmem>>, vector<16xi32>,
    %get3A_89 = vector.shape_cast %get3A_88 : vector<16xi32> to vector<16xi32>
    %mul3A_90 = arith.constant 1 : i32
    %mul3A_91 = vector.broadcast %mul3A_90 : i32 to vector<16xi32>
    %mul3A_92 = arith.muli %get3A_89, %mul3A_91 : vector<16xi32>
    %add3A_93 = vector.broadcast %mul3A_4 : i32 to vector<16xi32>
    %add3A_94 = arith.addi %mul3A_92, %add3A_93 : vector<16xi32>
    %swap3A_95 = arith.constant 112 : index
    %swap3A_96 = tpu.vector_load %arg11[%swap3A_95] {strides = array<i32>} : memref<128xi32, #tpu.memory_space<vmem>>, vector<16xi32>,
    %swap3A_97 = vector.shape_cast %swap3A_96 : vector<16xi32> to vector<16xi32>
    %swap3A_98 = vector.shape_cast %add3A_94 : vector<16xi32> to vector<16xi32>
    tpu.vector_store %arg11[%swap3A_95], %swap3A_98 {strides = array<i32>} : memref<128xi32, #tpu.memory_space<vmem>>, vector<16xi32>,
    %dma_start3A = arith.constant 0 : i32
    %dma_start3A_99 = arith.constant 0 : i32
    %dma_start3A_100 = tpu.memref_slice %arg2[%dma_start3A, %dma_start3A_99] : memref<4096x384xi32, #tpu.memory_space<hbm>> -> memref<4096x384xi32, #tpu.memory_space<hbm>>
    tpu.enqueue_indirect_dma source(%dma_start3A_100 : memref<4096x384xi32, #tpu.memory_space<hbm>>) target(%arg12 : memref<128x384xi32, #tpu.memory_space<vmem>>) offsets(%arg11 : memref<128xi32, #tpu.memory_space<vmem>>) semaphore(%arg13 : memref<!tpu.dma_semaphore, #tpu.memory_space<semaphore_mem>>)
    %dma_wait3A = arith.constant 0 : i32
    %dma_wait3A_101 = arith.constant 0 : i32
    %dma_wait3A_102 = tpu.memref_slice %arg2[%dma_wait3A, %dma_wait3A_101] : memref<4096x384xi32, #tpu.memory_space<hbm>> -> memref<4096x384xi32, #tpu.memory_space<hbm>>
    tpu.wait_indirect_dma semaphore(%arg13 : memref<!tpu.dma_semaphore, #tpu.memory_space<semaphore_mem>>) src(%dma_wait3A_102 : memref<4096x384xi32, #tpu.memory_space<hbm>>) dst(%arg12 : memref<128x384xi32, #tpu.memory_space<vmem>>)
    %mul3A_103 = arith.constant 2048 : i32
    %mul3A_104 = arith.muli %arg0, %mul3A_103 : i32
    %add3A_105 = arith.addi %mul3A_104, %mul3A_0 : i32
    "tpu.region"() ({
      %run_scoped3A = tpu.sem_alloc : memref<!tpu.dma_semaphore, #tpu.memory_space<semaphore_mem>>
      %dma_start3A_225 = arith.constant 0 : i32
      %dma_start3A_226 = tpu.memref_slice %arg7[%add3A_105, %dma_start3A_225] : memref<4096x384xi32, #tpu.memory_space<hbm>> -> memref<128x384xi32, #tpu.memory_space<hbm>>
      %dma_start3A_227 = arith.constant 0 : i32
      %dma_start3A_228 = tpu.memref_slice %arg7[%add3A_105, %dma_start3A_227] : memref<4096x384xi32, #tpu.memory_space<hbm>> -> memref<128x384xi32, #tpu.memory_space<hbm>>
      tpu.enqueue_dma source(%arg12 : memref<128x384xi32, #tpu.memory_space<vmem>>) target(%dma_start3A_228 : memref<128x384xi32, #tpu.memory_space<hbm>>) target_semaphore(%run_scoped3A : memref<!tpu.dma_semaphore, #tpu.memory_space<semaphore_mem>>)
      %dma_wait3A_229 = arith.constant 0 : i32
      %dma_wait3A_230 = tpu.memref_slice %arg7[%add3A_105, %dma_wait3A_229] : memref<4096x384xi32, #tpu.memory_space<hbm>> -> memref<128x384xi32, #tpu.memory_space<hbm>>
      %dma_wait3A_231 = arith.constant 0 : i32
      %dma_wait3A_232 = tpu.memref_slice %arg7[%add3A_105, %dma_wait3A_231] : memref<4096x384xi32, #tpu.memory_space<hbm>> -> memref<128x384xi32, #tpu.memory_space<hbm>>
      tpu.wait_dma2 semaphore(%run_scoped3A : memref<!tpu.dma_semaphore, #tpu.memory_space<semaphore_mem>>) src(%arg12 : memref<128x384xi32, #tpu.memory_space<vmem>>) dst(%dma_wait3A_232 : memref<128x384xi32, #tpu.memory_space<hbm>>)
      tpu.yield
    }) : () -> ()
    %mul3A_106 = arith.constant 2048 : i32
    %mul3A_107 = arith.muli %arg0, %mul3A_106 : i32
    %add3A_108 = arith.addi %mul3A_107, %mul3A_0 : i32
    "tpu.region"() ({
      %run_scoped3A = tpu.sem_alloc : memref<!tpu.dma_semaphore, #tpu.memory_space<semaphore_mem>>
      %dma_start3A_225 = tpu.memref_slice %arg6[%add3A_108] : memref<4096xi32, #tpu.memory_space<hbm>> -> memref<128xi32, #tpu.memory_space<hbm>>
      %dma_start3A_226 = tpu.memref_slice %arg6[%add3A_108] : memref<4096xi32, #tpu.memory_space<hbm>> -> memref<128xi32, #tpu.memory_space<hbm>>
      tpu.enqueue_dma source(%dma_start3A_226 : memref<128xi32, #tpu.memory_space<hbm>>) target(%arg10 : memref<128xi32, #tpu.memory_space<vmem>>) target_semaphore(%run_scoped3A : memref<!tpu.dma_semaphore, #tpu.memory_space<semaphore_mem>>)
      %dma_wait3A_227 = tpu.memref_slice %arg6[%add3A_108] : memref<4096xi32, #tpu.memory_space<hbm>> -> memref<128xi32, #tpu.memory_space<hbm>>
      %dma_wait3A_228 = tpu.memref_slice %arg6[%add3A_108] : memref<4096xi32, #tpu.memory_space<hbm>> -> memref<128xi32, #tpu.memory_space<hbm>>
      tpu.wait_dma2 semaphore(%run_scoped3A : memref<!tpu.dma_semaphore, #tpu.memory_space<semaphore_mem>>) src(%dma_wait3A_228 : memref<128xi32, #tpu.memory_space<hbm>>) dst(%arg10 : memref<128xi32, #tpu.memory_space<vmem>>)
      tpu.yield
    }) : () -> ()
    %mul3A_109 = arith.constant 2048 : i32
    %mul3A_110 = arith.muli %arg0, %mul3A_109 : i32
    %get3A_111 = arith.constant 0 : index
    %get3A_112 = tpu.vector_load %arg10[%get3A_111] {strides = array<i32>} : memref<128xi32, #tpu.memory_space<vmem>>, vector<16xi32>,
    %get3A_113 = vector.shape_cast %get3A_112 : vector<16xi32> to vector<16xi32>
    %mul3A_114 = arith.constant 1 : i32
    %mul3A_115 = vector.broadcast %mul3A_114 : i32 to vector<16xi32>
    %mul3A_116 = arith.muli %get3A_113, %mul3A_115 : vector<16xi32>
    %add3A_117 = vector.broadcast %mul3A_110 : i32 to vector<16xi32>
    %add3A_118 = arith.addi %mul3A_116, %add3A_117 : vector<16xi32>
    %swap3A_119 = arith.constant 0 : index
    %swap3A_120 = tpu.vector_load %arg11[%swap3A_119] {strides = array<i32>} : memref<128xi32, #tpu.memory_space<vmem>>, vector<16xi32>,
    %swap3A_121 = vector.shape_cast %swap3A_120 : vector<16xi32> to vector<16xi32>
    %swap3A_122 = vector.shape_cast %add3A_118 : vector<16xi32> to vector<16xi32>
    tpu.vector_store %arg11[%swap3A_119], %swap3A_122 {strides = array<i32>} : memref<128xi32, #tpu.memory_space<vmem>>, vector<16xi32>,
    %get3A_123 = arith.constant 16 : index
    %get3A_124 = tpu.vector_load %arg10[%get3A_123] {strides = array<i32>} : memref<128xi32, #tpu.memory_space<vmem>>, vector<16xi32>,
    %get3A_125 = vector.shape_cast %get3A_124 : vector<16xi32> to vector<16xi32>
    %mul3A_126 = arith.constant 1 : i32
    %mul3A_127 = vector.broadcast %mul3A_126 : i32 to vector<16xi32>
    %mul3A_128 = arith.muli %get3A_125, %mul3A_127 : vector<16xi32>
    %add3A_129 = vector.broadcast %mul3A_110 : i32 to vector<16xi32>
    %add3A_130 = arith.addi %mul3A_128, %add3A_129 : vector<16xi32>
    %swap3A_131 = arith.constant 16 : index
    %swap3A_132 = tpu.vector_load %arg11[%swap3A_131] {strides = array<i32>} : memref<128xi32, #tpu.memory_space<vmem>>, vector<16xi32>,
    %swap3A_133 = vector.shape_cast %swap3A_132 : vector<16xi32> to vector<16xi32>
    %swap3A_134 = vector.shape_cast %add3A_130 : vector<16xi32> to vector<16xi32>
    tpu.vector_store %arg11[%swap3A_131], %swap3A_134 {strides = array<i32>} : memref<128xi32, #tpu.memory_space<vmem>>, vector<16xi32>,
    %get3A_135 = arith.constant 32 : index
    %get3A_136 = tpu.vector_load %arg10[%get3A_135] {strides = array<i32>} : memref<128xi32, #tpu.memory_space<vmem>>, vector<16xi32>,
    %get3A_137 = vector.shape_cast %get3A_136 : vector<16xi32> to vector<16xi32>
    %mul3A_138 = arith.constant 1 : i32
    %mul3A_139 = vector.broadcast %mul3A_138 : i32 to vector<16xi32>
    %mul3A_140 = arith.muli %get3A_137, %mul3A_139 : vector<16xi32>
    %add3A_141 = vector.broadcast %mul3A_110 : i32 to vector<16xi32>
    %add3A_142 = arith.addi %mul3A_140, %add3A_141 : vector<16xi32>
    %swap3A_143 = arith.constant 32 : index
    %swap3A_144 = tpu.vector_load %arg11[%swap3A_143] {strides = array<i32>} : memref<128xi32, #tpu.memory_space<vmem>>, vector<16xi32>,
    %swap3A_145 = vector.shape_cast %swap3A_144 : vector<16xi32> to vector<16xi32>
    %swap3A_146 = vector.shape_cast %add3A_142 : vector<16xi32> to vector<16xi32>
    tpu.vector_store %arg11[%swap3A_143], %swap3A_146 {strides = array<i32>} : memref<128xi32, #tpu.memory_space<vmem>>, vector<16xi32>,
    %get3A_147 = arith.constant 48 : index
    %get3A_148 = tpu.vector_load %arg10[%get3A_147] {strides = array<i32>} : memref<128xi32, #tpu.memory_space<vmem>>, vector<16xi32>,
    %get3A_149 = vector.shape_cast %get3A_148 : vector<16xi32> to vector<16xi32>
    %mul3A_150 = arith.constant 1 : i32
    %mul3A_151 = vector.broadcast %mul3A_150 : i32 to vector<16xi32>
    %mul3A_152 = arith.muli %get3A_149, %mul3A_151 : vector<16xi32>
    %add3A_153 = vector.broadcast %mul3A_110 : i32 to vector<16xi32>
    %add3A_154 = arith.addi %mul3A_152, %add3A_153 : vector<16xi32>
    %swap3A_155 = arith.constant 48 : index
    %swap3A_156 = tpu.vector_load %arg11[%swap3A_155] {strides = array<i32>} : memref<128xi32, #tpu.memory_space<vmem>>, vector<16xi32>,
    %swap3A_157 = vector.shape_cast %swap3A_156 : vector<16xi32> to vector<16xi32>
    %swap3A_158 = vector.shape_cast %add3A_154 : vector<16xi32> to vector<16xi32>
    tpu.vector_store %arg11[%swap3A_155], %swap3A_158 {strides = array<i32>} : memref<128xi32, #tpu.memory_space<vmem>>, vector<16xi32>,
    %get3A_159 = arith.constant 64 : index
    %get3A_160 = tpu.vector_load %arg10[%get3A_159] {strides = array<i32>} : memref<128xi32, #tpu.memory_space<vmem>>, vector<16xi32>,
    %get3A_161 = vector.shape_cast %get3A_160 : vector<16xi32> to vector<16xi32>
    %mul3A_162 = arith.constant 1 : i32
    %mul3A_163 = vector.broadcast %mul3A_162 : i32 to vector<16xi32>
    %mul3A_164 = arith.muli %get3A_161, %mul3A_163 : vector<16xi32>
    %add3A_165 = vector.broadcast %mul3A_110 : i32 to vector<16xi32>
    %add3A_166 = arith.addi %mul3A_164, %add3A_165 : vector<16xi32>
    %swap3A_167 = arith.constant 64 : index
    %swap3A_168 = tpu.vector_load %arg11[%swap3A_167] {strides = array<i32>} : memref<128xi32, #tpu.memory_space<vmem>>, vector<16xi32>,
    %swap3A_169 = vector.shape_cast %swap3A_168 : vector<16xi32> to vector<16xi32>
    %swap3A_170 = vector.shape_cast %add3A_166 : vector<16xi32> to vector<16xi32>
    tpu.vector_store %arg11[%swap3A_167], %swap3A_170 {strides = array<i32>} : memref<128xi32, #tpu.memory_space<vmem>>, vector<16xi32>,
    %get3A_171 = arith.constant 80 : index
    %get3A_172 = tpu.vector_load %arg10[%get3A_171] {strides = array<i32>} : memref<128xi32, #tpu.memory_space<vmem>>, vector<16xi32>,
    %get3A_173 = vector.shape_cast %get3A_172 : vector<16xi32> to vector<16xi32>
    %mul3A_174 = arith.constant 1 : i32
    %mul3A_175 = vector.broadcast %mul3A_174 : i32 to vector<16xi32>
    %mul3A_176 = arith.muli %get3A_173, %mul3A_175 : vector<16xi32>
    %add3A_177 = vector.broadcast %mul3A_110 : i32 to vector<16xi32>
    %add3A_178 = arith.addi %mul3A_176, %add3A_177 : vector<16xi32>
    %swap3A_179 = arith.constant 80 : index
    %swap3A_180 = tpu.vector_load %arg11[%swap3A_179] {strides = array<i32>} : memref<128xi32, #tpu.memory_space<vmem>>, vector<16xi32>,
    %swap3A_181 = vector.shape_cast %swap3A_180 : vector<16xi32> to vector<16xi32>
    %swap3A_182 = vector.shape_cast %add3A_178 : vector<16xi32> to vector<16xi32>
    tpu.vector_store %arg11[%swap3A_179], %swap3A_182 {strides = array<i32>} : memref<128xi32, #tpu.memory_space<vmem>>, vector<16xi32>,
    %get3A_183 = arith.constant 96 : index
    %get3A_184 = tpu.vector_load %arg10[%get3A_183] {strides = array<i32>} : memref<128xi32, #tpu.memory_space<vmem>>, vector<16xi32>,
    %get3A_185 = vector.shape_cast %get3A_184 : vector<16xi32> to vector<16xi32>
    %mul3A_186 = arith.constant 1 : i32
    %mul3A_187 = vector.broadcast %mul3A_186 : i32 to vector<16xi32>
    %mul3A_188 = arith.muli %get3A_185, %mul3A_187 : vector<16xi32>
    %add3A_189 = vector.broadcast %mul3A_110 : i32 to vector<16xi32>
    %add3A_190 = arith.addi %mul3A_188, %add3A_189 : vector<16xi32>
    %swap3A_191 = arith.constant 96 : index
    %swap3A_192 = tpu.vector_load %arg11[%swap3A_191] {strides = array<i32>} : memref<128xi32, #tpu.memory_space<vmem>>, vector<16xi32>,
    %swap3A_193 = vector.shape_cast %swap3A_192 : vector<16xi32> to vector<16xi32>
    %swap3A_194 = vector.shape_cast %add3A_190 : vector<16xi32> to vector<16xi32>
    tpu.vector_store %arg11[%swap3A_191], %swap3A_194 {strides = array<i32>} : memref<128xi32, #tpu.memory_space<vmem>>, vector<16xi32>,
    %get3A_195 = arith.constant 112 : index
    %get3A_196 = tpu.vector_load %arg10[%get3A_195] {strides = array<i32>} : memref<128xi32, #tpu.memory_space<vmem>>, vector<16xi32>,
    %get3A_197 = vector.shape_cast %get3A_196 : vector<16xi32> to vector<16xi32>
    %mul3A_198 = arith.constant 1 : i32
    %mul3A_199 = vector.broadcast %mul3A_198 : i32 to vector<16xi32>
    %mul3A_200 = arith.muli %get3A_197, %mul3A_199 : vector<16xi32>
    %add3A_201 = vector.broadcast %mul3A_110 : i32 to vector<16xi32>
    %add3A_202 = arith.addi %mul3A_200, %add3A_201 : vector<16xi32>
    %swap3A_203 = arith.constant 112 : index
    %swap3A_204 = tpu.vector_load %arg11[%swap3A_203] {strides = array<i32>} : memref<128xi32, #tpu.memory_space<vmem>>, vector<16xi32>,
    %swap3A_205 = vector.shape_cast %swap3A_204 : vector<16xi32> to vector<16xi32>
    %swap3A_206 = vector.shape_cast %add3A_202 : vector<16xi32> to vector<16xi32>
    tpu.vector_store %arg11[%swap3A_203], %swap3A_206 {strides = array<i32>} : memref<128xi32, #tpu.memory_space<vmem>>, vector<16xi32>,
    %dma_start3A_207 = arith.constant 0 : i32
    %dma_start3A_208 = arith.constant 0 : i32
    %dma_start3A_209 = tpu.memref_slice %arg3[%dma_start3A_207, %dma_start3A_208] : memref<4096x384xi32, #tpu.memory_space<hbm>> -> memref<4096x384xi32, #tpu.memory_space<hbm>>
    tpu.enqueue_indirect_dma source(%dma_start3A_209 : memref<4096x384xi32, #tpu.memory_space<hbm>>) target(%arg12 : memref<128x384xi32, #tpu.memory_space<vmem>>) offsets(%arg11 : memref<128xi32, #tpu.memory_space<vmem>>) semaphore(%arg13 : memref<!tpu.dma_semaphore, #tpu.memory_space<semaphore_mem>>)
    %dma_wait3A_210 = arith.constant 0 : i32
    %dma_wait3A_211 = arith.constant 0 : i32
    %dma_wait3A_212 = tpu.memref_slice %arg3[%dma_wait3A_210, %dma_wait3A_211] : memref<4096x384xi32, #tpu.memory_space<hbm>> -> memref<4096x384xi32, #tpu.memory_space<hbm>>
    tpu.wait_indirect_dma semaphore(%arg13 : memref<!tpu.dma_semaphore, #tpu.memory_space<semaphore_mem>>) src(%dma_wait3A_212 : memref<4096x384xi32, #tpu.memory_space<hbm>>) dst(%arg12 : memref<128x384xi32, #tpu.memory_space<vmem>>)
    %mul3A_213 = arith.constant 2048 : i32
    %mul3A_214 = arith.muli %arg0, %mul3A_213 : i32
    %add3A_215 = arith.addi %mul3A_214, %mul3A_0 : i32
    "tpu.region"() ({
      %run_scoped3A = tpu.sem_alloc : memref<!tpu.dma_semaphore, #tpu.memory_space<semaphore_mem>>
      %dma_start3A_225 = arith.constant 0 : i32
      %dma_start3A_226 = tpu.memref_slice %arg8[%add3A_215, %dma_start3A_225] : memref<4096x384xi32, #tpu.memory_space<hbm>> -> memref<128x384xi32, #tpu.memory_space<hbm>>
      %dma_start3A_227 = arith.constant 0 : i32
      %dma_start3A_228 = tpu.memref_slice %arg8[%add3A_215, %dma_start3A_227] : memref<4096x384xi32, #tpu.memory_space<hbm>> -> memref<128x384xi32, #tpu.memory_space<hbm>>
      tpu.enqueue_dma source(%arg12 : memref<128x384xi32, #tpu.memory_space<vmem>>) target(%dma_start3A_228 : memref<128x384xi32, #tpu.memory_space<hbm>>) target_semaphore(%run_scoped3A : memref<!tpu.dma_semaphore, #tpu.memory_space<semaphore_mem>>)
      %dma_wait3A_229 = arith.constant 0 : i32
      %dma_wait3A_230 = tpu.memref_slice %arg8[%add3A_215, %dma_wait3A_229] : memref<4096x384xi32, #tpu.memory_space<hbm>> -> memref<128x384xi32, #tpu.memory_space<hbm>>
      %dma_wait3A_231 = arith.constant 0 : i32
      %dma_wait3A_232 = tpu.memref_slice %arg8[%add3A_215, %dma_wait3A_231] : memref<4096x384xi32, #tpu.memory_space<hbm>> -> memref<128x384xi32, #tpu.memory_space<hbm>>
      tpu.wait_dma2 semaphore(%run_scoped3A : memref<!tpu.dma_semaphore, #tpu.memory_space<semaphore_mem>>) src(%arg12 : memref<128x384xi32, #tpu.memory_space<vmem>>) dst(%dma_wait3A_232 : memref<128x384xi32, #tpu.memory_space<hbm>>)
      tpu.yield
    }) : () -> ()
    %dma_start3A_216 = arith.constant 0 : i32
    %dma_start3A_217 = arith.constant 0 : i32
    %dma_start3A_218 = tpu.memref_slice %arg4[%dma_start3A_216, %dma_start3A_217] : memref<4096x384xi32, #tpu.memory_space<hbm>> -> memref<4096x384xi32, #tpu.memory_space<hbm>>
    tpu.enqueue_indirect_dma source(%dma_start3A_218 : memref<4096x384xi32, #tpu.memory_space<hbm>>) target(%arg12 : memref<128x384xi32, #tpu.memory_space<vmem>>) offsets(%arg11 : memref<128xi32, #tpu.memory_space<vmem>>) semaphore(%arg13 : memref<!tpu.dma_semaphore, #tpu.memory_space<semaphore_mem>>)
    %dma_wait3A_219 = arith.constant 0 : i32
    %dma_wait3A_220 = arith.constant 0 : i32
    %dma_wait3A_221 = tpu.memref_slice %arg4[%dma_wait3A_219, %dma_wait3A_220] : memref<4096x384xi32, #tpu.memory_space<hbm>> -> memref<4096x384xi32, #tpu.memory_space<hbm>>
    tpu.wait_indirect_dma semaphore(%arg13 : memref<!tpu.dma_semaphore, #tpu.memory_space<semaphore_mem>>) src(%dma_wait3A_221 : memref<4096x384xi32, #tpu.memory_space<hbm>>) dst(%arg12 : memref<128x384xi32, #tpu.memory_space<vmem>>)
    %mul3A_222 = arith.constant 2048 : i32
    %mul3A_223 = arith.muli %arg0, %mul3A_222 : i32
    %add3A_224 = arith.addi %mul3A_223, %mul3A_0 : i32
    "tpu.region"() ({
      %run_scoped3A = tpu.sem_alloc : memref<!tpu.dma_semaphore, #tpu.memory_space<semaphore_mem>>
      %dma_start3A_225 = arith.constant 0 : i32
      %dma_start3A_226 = tpu.memref_slice %arg9[%add3A_224, %dma_start3A_225] : memref<4096x384xi32, #tpu.memory_space<hbm>> -> memref<128x384xi32, #tpu.memory_space<hbm>>
      %dma_start3A_227 = arith.constant 0 : i32
      %dma_start3A_228 = tpu.memref_slice %arg9[%add3A_224, %dma_start3A_227] : memref<4096x384xi32, #tpu.memory_space<hbm>> -> memref<128x384xi32, #tpu.memory_space<hbm>>
      tpu.enqueue_dma source(%arg12 : memref<128x384xi32, #tpu.memory_space<vmem>>) target(%dma_start3A_228 : memref<128x384xi32, #tpu.memory_space<hbm>>) target_semaphore(%run_scoped3A : memref<!tpu.dma_semaphore, #tpu.memory_space<semaphore_mem>>)
      %dma_wait3A_229 = arith.constant 0 : i32
      %dma_wait3A_230 = tpu.memref_slice %arg9[%add3A_224, %dma_wait3A_229] : memref<4096x384xi32, #tpu.memory_space<hbm>> -> memref<128x384xi32, #tpu.memory_space<hbm>>
      %dma_wait3A_231 = arith.constant 0 : i32
      %dma_wait3A_232 = tpu.memref_slice %arg9[%add3A_224, %dma_wait3A_231] : memref<4096x384xi32, #tpu.memory_space<hbm>> -> memref<128x384xi32, #tpu.memory_space<hbm>>
      tpu.wait_dma2 semaphore(%run_scoped3A : memref<!tpu.dma_semaphore, #tpu.memory_space<semaphore_mem>>) src(%arg12 : memref<128x384xi32, #tpu.memory_space<vmem>>) dst(%dma_wait3A_232 : memref<128x384xi32, #tpu.memory_space<hbm>>)
      tpu.yield
    }) : () -> ()
    return
  }
}

#map = affine_map<(d0, d1) -> (0, 0)>
#map1 = affine_map<(d0, d1) -> (0)>
module attributes {stable_mosaic.version = 14 : i64} {
  func.func @scatter_kernel(%arg0: i32, %arg1: i32, %arg2: memref<4096x768xf32, #tpu.memory_space<hbm>>, %arg3: memref<4096xi32, #tpu.memory_space<hbm>>, %arg4: memref<4096x768xf32, #tpu.memory_space<hbm>>, %arg5: memref<128xi32, #tpu.memory_space<vmem>>, %arg6: memref<128xi32, #tpu.memory_space<vmem>>, %arg7: memref<128x768xf32, #tpu.memory_space<vmem>>, %arg8: memref<!tpu.dma_semaphore, #tpu.memory_space<semaphore_mem>>) attributes {dimension_semantics = [#tpu.dimension_semantics<core_parallel>, #tpu.dimension_semantics<subcore_parallel>], iteration_bounds = array<i64: 2, 16>, scalar_prefetch = 0 : i64, scratch_operands = 4 : i64, tpu.core_type = #tpu.core_type<sc_vector_subcore>, window_params = [{transform_indices = #map}, {transform_indices = #map1}, {transform_indices = #map}]} {
    %mul3A = arith.constant 128 : i32
    %mul3A_0 = arith.muli %arg1, %mul3A : i32
    %mul3A_1 = arith.constant 2048 : i32
    %mul3A_2 = arith.muli %arg0, %mul3A_1 : i32
    %add3A = arith.addi %mul3A_2, %mul3A_0 : i32
    "tpu.region"() ({
      %run_scoped3A = tpu.sem_alloc : memref<!tpu.dma_semaphore, #tpu.memory_space<semaphore_mem>>
      %dma_start3A_106 = tpu.memref_slice %arg3[%add3A] : memref<4096xi32, #tpu.memory_space<hbm>> -> memref<128xi32, #tpu.memory_space<hbm>>
      %dma_start3A_107 = tpu.memref_slice %arg3[%add3A] : memref<4096xi32, #tpu.memory_space<hbm>> -> memref<128xi32, #tpu.memory_space<hbm>>
      tpu.enqueue_dma source(%dma_start3A_107 : memref<128xi32, #tpu.memory_space<hbm>>) target(%arg5 : memref<128xi32, #tpu.memory_space<vmem>>) target_semaphore(%run_scoped3A : memref<!tpu.dma_semaphore, #tpu.memory_space<semaphore_mem>>)
      %dma_wait3A_108 = tpu.memref_slice %arg3[%add3A] : memref<4096xi32, #tpu.memory_space<hbm>> -> memref<128xi32, #tpu.memory_space<hbm>>
      %dma_wait3A_109 = tpu.memref_slice %arg3[%add3A] : memref<4096xi32, #tpu.memory_space<hbm>> -> memref<128xi32, #tpu.memory_space<hbm>>
      tpu.wait_dma2 semaphore(%run_scoped3A : memref<!tpu.dma_semaphore, #tpu.memory_space<semaphore_mem>>) src(%dma_wait3A_109 : memref<128xi32, #tpu.memory_space<hbm>>) dst(%arg5 : memref<128xi32, #tpu.memory_space<vmem>>)
      tpu.yield
    }) : () -> ()
    %mul3A_3 = arith.constant 2048 : i32
    %mul3A_4 = arith.muli %arg0, %mul3A_3 : i32
    %get3A = arith.constant 0 : index
    %get3A_5 = tpu.vector_load %arg5[%get3A] {strides = array<i32>} : memref<128xi32, #tpu.memory_space<vmem>>, vector<16xi32>,
    %get3A_6 = vector.shape_cast %get3A_5 : vector<16xi32> to vector<16xi32>
    %mul3A_7 = arith.constant 1 : i32
    %mul3A_8 = vector.broadcast %mul3A_7 : i32 to vector<16xi32>
    %mul3A_9 = arith.muli %get3A_6, %mul3A_8 : vector<16xi32>
    %add3A_10 = vector.broadcast %mul3A_4 : i32 to vector<16xi32>
    %add3A_11 = arith.addi %mul3A_9, %add3A_10 : vector<16xi32>
    %swap3A = arith.constant 0 : index
    %swap3A_12 = tpu.vector_load %arg6[%swap3A] {strides = array<i32>} : memref<128xi32, #tpu.memory_space<vmem>>, vector<16xi32>,
    %swap3A_13 = vector.shape_cast %swap3A_12 : vector<16xi32> to vector<16xi32>
    %swap3A_14 = vector.shape_cast %add3A_11 : vector<16xi32> to vector<16xi32>
    tpu.vector_store %arg6[%swap3A], %swap3A_14 {strides = array<i32>} : memref<128xi32, #tpu.memory_space<vmem>>, vector<16xi32>,
    %get3A_15 = arith.constant 16 : index
    %get3A_16 = tpu.vector_load %arg5[%get3A_15] {strides = array<i32>} : memref<128xi32, #tpu.memory_space<vmem>>, vector<16xi32>,
    %get3A_17 = vector.shape_cast %get3A_16 : vector<16xi32> to vector<16xi32>
    %mul3A_18 = arith.constant 1 : i32
    %mul3A_19 = vector.broadcast %mul3A_18 : i32 to vector<16xi32>
    %mul3A_20 = arith.muli %get3A_17, %mul3A_19 : vector<16xi32>
    %add3A_21 = vector.broadcast %mul3A_4 : i32 to vector<16xi32>
    %add3A_22 = arith.addi %mul3A_20, %add3A_21 : vector<16xi32>
    %swap3A_23 = arith.constant 16 : index
    %swap3A_24 = tpu.vector_load %arg6[%swap3A_23] {strides = array<i32>} : memref<128xi32, #tpu.memory_space<vmem>>, vector<16xi32>,
    %swap3A_25 = vector.shape_cast %swap3A_24 : vector<16xi32> to vector<16xi32>
    %swap3A_26 = vector.shape_cast %add3A_22 : vector<16xi32> to vector<16xi32>
    tpu.vector_store %arg6[%swap3A_23], %swap3A_26 {strides = array<i32>} : memref<128xi32, #tpu.memory_space<vmem>>, vector<16xi32>,
    %get3A_27 = arith.constant 32 : index
    %get3A_28 = tpu.vector_load %arg5[%get3A_27] {strides = array<i32>} : memref<128xi32, #tpu.memory_space<vmem>>, vector<16xi32>,
    %get3A_29 = vector.shape_cast %get3A_28 : vector<16xi32> to vector<16xi32>
    %mul3A_30 = arith.constant 1 : i32
    %mul3A_31 = vector.broadcast %mul3A_30 : i32 to vector<16xi32>
    %mul3A_32 = arith.muli %get3A_29, %mul3A_31 : vector<16xi32>
    %add3A_33 = vector.broadcast %mul3A_4 : i32 to vector<16xi32>
    %add3A_34 = arith.addi %mul3A_32, %add3A_33 : vector<16xi32>
    %swap3A_35 = arith.constant 32 : index
    %swap3A_36 = tpu.vector_load %arg6[%swap3A_35] {strides = array<i32>} : memref<128xi32, #tpu.memory_space<vmem>>, vector<16xi32>,
    %swap3A_37 = vector.shape_cast %swap3A_36 : vector<16xi32> to vector<16xi32>
    %swap3A_38 = vector.shape_cast %add3A_34 : vector<16xi32> to vector<16xi32>
    tpu.vector_store %arg6[%swap3A_35], %swap3A_38 {strides = array<i32>} : memref<128xi32, #tpu.memory_space<vmem>>, vector<16xi32>,
    %get3A_39 = arith.constant 48 : index
    %get3A_40 = tpu.vector_load %arg5[%get3A_39] {strides = array<i32>} : memref<128xi32, #tpu.memory_space<vmem>>, vector<16xi32>,
    %get3A_41 = vector.shape_cast %get3A_40 : vector<16xi32> to vector<16xi32>
    %mul3A_42 = arith.constant 1 : i32
    %mul3A_43 = vector.broadcast %mul3A_42 : i32 to vector<16xi32>
    %mul3A_44 = arith.muli %get3A_41, %mul3A_43 : vector<16xi32>
    %add3A_45 = vector.broadcast %mul3A_4 : i32 to vector<16xi32>
    %add3A_46 = arith.addi %mul3A_44, %add3A_45 : vector<16xi32>
    %swap3A_47 = arith.constant 48 : index
    %swap3A_48 = tpu.vector_load %arg6[%swap3A_47] {strides = array<i32>} : memref<128xi32, #tpu.memory_space<vmem>>, vector<16xi32>,
    %swap3A_49 = vector.shape_cast %swap3A_48 : vector<16xi32> to vector<16xi32>
    %swap3A_50 = vector.shape_cast %add3A_46 : vector<16xi32> to vector<16xi32>
    tpu.vector_store %arg6[%swap3A_47], %swap3A_50 {strides = array<i32>} : memref<128xi32, #tpu.memory_space<vmem>>, vector<16xi32>,
    %get3A_51 = arith.constant 64 : index
    %get3A_52 = tpu.vector_load %arg5[%get3A_51] {strides = array<i32>} : memref<128xi32, #tpu.memory_space<vmem>>, vector<16xi32>,
    %get3A_53 = vector.shape_cast %get3A_52 : vector<16xi32> to vector<16xi32>
    %mul3A_54 = arith.constant 1 : i32
    %mul3A_55 = vector.broadcast %mul3A_54 : i32 to vector<16xi32>
    %mul3A_56 = arith.muli %get3A_53, %mul3A_55 : vector<16xi32>
    %add3A_57 = vector.broadcast %mul3A_4 : i32 to vector<16xi32>
    %add3A_58 = arith.addi %mul3A_56, %add3A_57 : vector<16xi32>
    %swap3A_59 = arith.constant 64 : index
    %swap3A_60 = tpu.vector_load %arg6[%swap3A_59] {strides = array<i32>} : memref<128xi32, #tpu.memory_space<vmem>>, vector<16xi32>,
    %swap3A_61 = vector.shape_cast %swap3A_60 : vector<16xi32> to vector<16xi32>
    %swap3A_62 = vector.shape_cast %add3A_58 : vector<16xi32> to vector<16xi32>
    tpu.vector_store %arg6[%swap3A_59], %swap3A_62 {strides = array<i32>} : memref<128xi32, #tpu.memory_space<vmem>>, vector<16xi32>,
    %get3A_63 = arith.constant 80 : index
    %get3A_64 = tpu.vector_load %arg5[%get3A_63] {strides = array<i32>} : memref<128xi32, #tpu.memory_space<vmem>>, vector<16xi32>,
    %get3A_65 = vector.shape_cast %get3A_64 : vector<16xi32> to vector<16xi32>
    %mul3A_66 = arith.constant 1 : i32
    %mul3A_67 = vector.broadcast %mul3A_66 : i32 to vector<16xi32>
    %mul3A_68 = arith.muli %get3A_65, %mul3A_67 : vector<16xi32>
    %add3A_69 = vector.broadcast %mul3A_4 : i32 to vector<16xi32>
    %add3A_70 = arith.addi %mul3A_68, %add3A_69 : vector<16xi32>
    %swap3A_71 = arith.constant 80 : index
    %swap3A_72 = tpu.vector_load %arg6[%swap3A_71] {strides = array<i32>} : memref<128xi32, #tpu.memory_space<vmem>>, vector<16xi32>,
    %swap3A_73 = vector.shape_cast %swap3A_72 : vector<16xi32> to vector<16xi32>
    %swap3A_74 = vector.shape_cast %add3A_70 : vector<16xi32> to vector<16xi32>
    tpu.vector_store %arg6[%swap3A_71], %swap3A_74 {strides = array<i32>} : memref<128xi32, #tpu.memory_space<vmem>>, vector<16xi32>,
    %get3A_75 = arith.constant 96 : index
    %get3A_76 = tpu.vector_load %arg5[%get3A_75] {strides = array<i32>} : memref<128xi32, #tpu.memory_space<vmem>>, vector<16xi32>,
    %get3A_77 = vector.shape_cast %get3A_76 : vector<16xi32> to vector<16xi32>
    %mul3A_78 = arith.constant 1 : i32
    %mul3A_79 = vector.broadcast %mul3A_78 : i32 to vector<16xi32>
    %mul3A_80 = arith.muli %get3A_77, %mul3A_79 : vector<16xi32>
    %add3A_81 = vector.broadcast %mul3A_4 : i32 to vector<16xi32>
    %add3A_82 = arith.addi %mul3A_80, %add3A_81 : vector<16xi32>
    %swap3A_83 = arith.constant 96 : index
    %swap3A_84 = tpu.vector_load %arg6[%swap3A_83] {strides = array<i32>} : memref<128xi32, #tpu.memory_space<vmem>>, vector<16xi32>,
    %swap3A_85 = vector.shape_cast %swap3A_84 : vector<16xi32> to vector<16xi32>
    %swap3A_86 = vector.shape_cast %add3A_82 : vector<16xi32> to vector<16xi32>
    tpu.vector_store %arg6[%swap3A_83], %swap3A_86 {strides = array<i32>} : memref<128xi32, #tpu.memory_space<vmem>>, vector<16xi32>,
    %get3A_87 = arith.constant 112 : index
    %get3A_88 = tpu.vector_load %arg5[%get3A_87] {strides = array<i32>} : memref<128xi32, #tpu.memory_space<vmem>>, vector<16xi32>,
    %get3A_89 = vector.shape_cast %get3A_88 : vector<16xi32> to vector<16xi32>
    %mul3A_90 = arith.constant 1 : i32
    %mul3A_91 = vector.broadcast %mul3A_90 : i32 to vector<16xi32>
    %mul3A_92 = arith.muli %get3A_89, %mul3A_91 : vector<16xi32>
    %add3A_93 = vector.broadcast %mul3A_4 : i32 to vector<16xi32>
    %add3A_94 = arith.addi %mul3A_92, %add3A_93 : vector<16xi32>
    %swap3A_95 = arith.constant 112 : index
    %swap3A_96 = tpu.vector_load %arg6[%swap3A_95] {strides = array<i32>} : memref<128xi32, #tpu.memory_space<vmem>>, vector<16xi32>,
    %swap3A_97 = vector.shape_cast %swap3A_96 : vector<16xi32> to vector<16xi32>
    %swap3A_98 = vector.shape_cast %add3A_94 : vector<16xi32> to vector<16xi32>
    tpu.vector_store %arg6[%swap3A_95], %swap3A_98 {strides = array<i32>} : memref<128xi32, #tpu.memory_space<vmem>>, vector<16xi32>,
    %mul3A_99 = arith.constant 2048 : i32
    %mul3A_100 = arith.muli %arg0, %mul3A_99 : i32
    %add3A_101 = arith.addi %mul3A_100, %mul3A_0 : i32
    "tpu.region"() ({
      %run_scoped3A = tpu.sem_alloc : memref<!tpu.dma_semaphore, #tpu.memory_space<semaphore_mem>>
      %dma_start3A_106 = arith.constant 0 : i32
      %dma_start3A_107 = tpu.memref_slice %arg2[%add3A_101, %dma_start3A_106] : memref<4096x768xf32, #tpu.memory_space<hbm>> -> memref<128x768xf32, #tpu.memory_space<hbm>>
      %dma_start3A_108 = arith.constant 0 : i32
      %dma_start3A_109 = tpu.memref_slice %arg2[%add3A_101, %dma_start3A_108] : memref<4096x768xf32, #tpu.memory_space<hbm>> -> memref<128x768xf32, #tpu.memory_space<hbm>>
      tpu.enqueue_dma source(%dma_start3A_109 : memref<128x768xf32, #tpu.memory_space<hbm>>) target(%arg7 : memref<128x768xf32, #tpu.memory_space<vmem>>) target_semaphore(%run_scoped3A : memref<!tpu.dma_semaphore, #tpu.memory_space<semaphore_mem>>)
      %dma_wait3A_110 = arith.constant 0 : i32
      %dma_wait3A_111 = tpu.memref_slice %arg2[%add3A_101, %dma_wait3A_110] : memref<4096x768xf32, #tpu.memory_space<hbm>> -> memref<128x768xf32, #tpu.memory_space<hbm>>
      %dma_wait3A_112 = arith.constant 0 : i32
      %dma_wait3A_113 = tpu.memref_slice %arg2[%add3A_101, %dma_wait3A_112] : memref<4096x768xf32, #tpu.memory_space<hbm>> -> memref<128x768xf32, #tpu.memory_space<hbm>>
      tpu.wait_dma2 semaphore(%run_scoped3A : memref<!tpu.dma_semaphore, #tpu.memory_space<semaphore_mem>>) src(%dma_wait3A_113 : memref<128x768xf32, #tpu.memory_space<hbm>>) dst(%arg7 : memref<128x768xf32, #tpu.memory_space<vmem>>)
      tpu.yield
    }) : () -> ()
    %dma_start3A = arith.constant 0 : i32
    %dma_start3A_102 = arith.constant 0 : i32
    %dma_start3A_103 = tpu.memref_slice %arg4[%dma_start3A, %dma_start3A_102] : memref<4096x768xf32, #tpu.memory_space<hbm>> -> memref<4096x768xf32, #tpu.memory_space<hbm>>
    tpu.enqueue_indirect_dma source(%arg7 : memref<128x768xf32, #tpu.memory_space<vmem>>) target(%dma_start3A_103 : memref<4096x768xf32, #tpu.memory_space<hbm>>) offsets(%arg6 : memref<128xi32, #tpu.memory_space<vmem>>) semaphore(%arg8 : memref<!tpu.dma_semaphore, #tpu.memory_space<semaphore_mem>>)
    %dma_wait3A = arith.constant 0 : i32
    %dma_wait3A_104 = arith.constant 0 : i32
    %dma_wait3A_105 = tpu.memref_slice %arg4[%dma_wait3A, %dma_wait3A_104] : memref<4096x768xf32, #tpu.memory_space<hbm>> -> memref<4096x768xf32, #tpu.memory_space<hbm>>
    tpu.wait_indirect_dma semaphore(%arg8 : memref<!tpu.dma_semaphore, #tpu.memory_space<semaphore_mem>>) src(%arg7 : memref<128x768xf32, #tpu.memory_space<vmem>>) dst(%dma_wait3A_105 : memref<4096x768xf32, #tpu.memory_space<hbm>>)
    return
  }
}

module attributes {stable_mosaic.version = 14 : i64} {
  func.func @_route_kernel(%arg0: i32, %arg1: i32, %arg2: memref<1x256x768xf32, #tpu.memory_space<vmem>>, %arg3: memref<1x256x768xf32, #tpu.memory_space<vmem>>, %arg4: memref<768x8xf32, #tpu.memory_space<vmem>>, %arg5: memref<1x256x1xf32, #tpu.memory_space<vmem>>, %arg6: memref<1x256x1xf32, #tpu.memory_space<vmem>>) attributes {dimension_semantics = [#tpu.dimension_semantics<arbitrary>, #tpu.dimension_semantics<arbitrary>], iteration_bounds = array<i64: 2, 8>, scalar_prefetch = 0 : i64, scratch_operands = 0 : i64, tpu.core_type = #tpu.core_type<tc>, window_params = [{transform_indices = @transform_0, window_bounds = array<i64: 1, 256, 768>}, {transform_indices = @transform_1, window_bounds = array<i64: 1, 256, 768>}, {pipeline_mode = #tpu.pipeline_mode<synchronous>, transform_indices = @transform_2, window_bounds = array<i64: 768, 8>}, {transform_indices = @transform_3, window_bounds = array<i64: 1, 256, 1>}, {transform_indices = @transform_4, window_bounds = array<i64: 1, 256, 1>}]} {
    %get3A = arith.constant 0 : index
    %get3A_0 = arith.constant 0 : index
    %get3A_1 = arith.constant 0 : index
    %get3A_2 = vector.load %arg2[%get3A, %get3A_0, %get3A_1] : memref<1x256x768xf32, #tpu.memory_space<vmem>>, vector<1x256x768xf32>
    %get3A_3 = vector.shape_cast %get3A_2 : vector<1x256x768xf32> to vector<256x768xf32>
    %get3A_4 = arith.constant 0 : index
    %get3A_5 = arith.constant 0 : index
    %get3A_6 = vector.load %arg4[%get3A_4, %get3A_5] : memref<768x8xf32, #tpu.memory_space<vmem>>, vector<768x8xf32>
    %dot_general3A = arith.constant dense<0.000000e+00> : vector<256x8xf32>
    %dot_general3A_7 = tpu.matmul %get3A_3, %get3A_6, %dot_general3A {dimension_numbers = #tpu.dot_dimension_numbers<[1], [0], [0], [1], [0, 0, 1, 1], [], []>, transpose_lhs_hint = false} : vector<256x768xf32>, vector<768x8xf32>, vector<256x8xf32> -> vector<256x8xf32>
    %iota3A = tpu.iota {dimensions = array<i32: 1>} : vector<256x8xi32>
    %reduce_max3A = arith.constant dense<0xFF800000> : vector<256xf32>
    %reduce_max3A_8 = vector.multi_reduction <maximumf>, %dot_general3A_7, %reduce_max3A [1] : vector<256x8xf32> to vector<256xf32>
    %broadcast_in_dim3A = vector.shape_cast %reduce_max3A_8 : vector<256xf32> to vector<256x1xf32>
    %eq3A = vector.broadcast %broadcast_in_dim3A : vector<256x1xf32> to vector<256x8xf32>
    %eq3A_9 = arith.cmpf oeq, %dot_general3A_7, %eq3A : vector<256x8xf32>
    %jit3A = arith.constant 8 : i32
    %broadcast_in_dim3A_10 = vector.broadcast %jit3A : i32 to vector<256x8xi32>
    %select_n3A = arith.select %eq3A_9, %iota3A, %broadcast_in_dim3A_10 : vector<256x8xi1>, vector<256x8xi32>
    %reduce_min3A = arith.constant dense<2147483647> : vector<256xi32>
    %reduce_min3A_11 = vector.multi_reduction <minsi>, %select_n3A, %reduce_min3A [1] : vector<256x8xi32> to vector<256xi32>
    %broadcast_in_dim3A_12 = vector.shape_cast %reduce_min3A_11 : vector<256xi32> to vector<256x1xi32>
    %convert_element_type3A = arith.sitofp %broadcast_in_dim3A_12 : vector<256x1xi32> to vector<256x1xf32>
    %swap3A = arith.constant 0 : index
    %swap3A_13 = arith.constant 0 : index
    %swap3A_14 = arith.constant 0 : index
    %swap3A_15 = vector.load %arg5[%swap3A, %swap3A_13, %swap3A_14] : memref<1x256x1xf32, #tpu.memory_space<vmem>>, vector<1x256x1xf32>
    %swap3A_16 = vector.shape_cast %swap3A_15 : vector<1x256x1xf32> to vector<256x1xf32>
    %swap3A_17 = vector.shape_cast %convert_element_type3A : vector<256x1xf32> to vector<1x256x1xf32>
    tpu.vector_store %arg5[%swap3A, %swap3A_13, %swap3A_14], %swap3A_17 {strides = array<i32>} : memref<1x256x1xf32, #tpu.memory_space<vmem>>, vector<1x256x1xf32>,
    %get3A_18 = arith.constant 0 : index
    %get3A_19 = arith.constant 0 : index
    %get3A_20 = arith.constant 0 : index
    %get3A_21 = vector.load %arg3[%get3A_18, %get3A_19, %get3A_20] : memref<1x256x768xf32, #tpu.memory_space<vmem>>, vector<1x256x768xf32>
    %get3A_22 = vector.shape_cast %get3A_21 : vector<1x256x768xf32> to vector<256x768xf32>
    %get3A_23 = arith.constant 0 : index
    %get3A_24 = arith.constant 0 : index
    %get3A_25 = vector.load %arg4[%get3A_23, %get3A_24] : memref<768x8xf32, #tpu.memory_space<vmem>>, vector<768x8xf32>
    %dot_general3A_26 = arith.constant dense<0.000000e+00> : vector<256x8xf32>
    %dot_general3A_27 = tpu.matmul %get3A_22, %get3A_25, %dot_general3A_26 {dimension_numbers = #tpu.dot_dimension_numbers<[1], [0], [0], [1], [0, 0, 1, 1], [], []>, transpose_lhs_hint = false} : vector<256x768xf32>, vector<768x8xf32>, vector<256x8xf32> -> vector<256x8xf32>
    %iota3A_28 = tpu.iota {dimensions = array<i32: 1>} : vector<256x8xi32>
    %reduce_max3A_29 = arith.constant dense<0xFF800000> : vector<256xf32>
    %reduce_max3A_30 = vector.multi_reduction <maximumf>, %dot_general3A_27, %reduce_max3A_29 [1] : vector<256x8xf32> to vector<256xf32>
    %broadcast_in_dim3A_31 = vector.shape_cast %reduce_max3A_30 : vector<256xf32> to vector<256x1xf32>
    %eq3A_32 = vector.broadcast %broadcast_in_dim3A_31 : vector<256x1xf32> to vector<256x8xf32>
    %eq3A_33 = arith.cmpf oeq, %dot_general3A_27, %eq3A_32 : vector<256x8xf32>
    %jit3A_34 = arith.constant 8 : i32
    %broadcast_in_dim3A_35 = vector.broadcast %jit3A_34 : i32 to vector<256x8xi32>
    %select_n3A_36 = arith.select %eq3A_33, %iota3A_28, %broadcast_in_dim3A_35 : vector<256x8xi1>, vector<256x8xi32>
    %reduce_min3A_37 = arith.constant dense<2147483647> : vector<256xi32>
    %reduce_min3A_38 = vector.multi_reduction <minsi>, %select_n3A_36, %reduce_min3A_37 [1] : vector<256x8xi32> to vector<256xi32>
    %broadcast_in_dim3A_39 = vector.shape_cast %reduce_min3A_38 : vector<256xi32> to vector<256x1xi32>
    %convert_element_type3A_40 = arith.sitofp %broadcast_in_dim3A_39 : vector<256x1xi32> to vector<256x1xf32>
    %swap3A_41 = arith.constant 0 : index
    %swap3A_42 = arith.constant 0 : index
    %swap3A_43 = arith.constant 0 : index
    %swap3A_44 = vector.load %arg6[%swap3A_41, %swap3A_42, %swap3A_43] : memref<1x256x1xf32, #tpu.memory_space<vmem>>, vector<1x256x1xf32>
    %swap3A_45 = vector.shape_cast %swap3A_44 : vector<1x256x1xf32> to vector<256x1xf32>
    %swap3A_46 = vector.shape_cast %convert_element_type3A_40 : vector<256x1xf32> to vector<1x256x1xf32>
    tpu.vector_store %arg6[%swap3A_41, %swap3A_42, %swap3A_43], %swap3A_46 {strides = array<i32>} : memref<1x256x1xf32, #tpu.memory_space<vmem>>, vector<1x256x1xf32>,
    return
  }
  func.func @transform_0(%arg0: i32, %arg1: i32) -> (i32, i32, i32) {
    %c0_i32 = arith.constant 0 : i32
    %c0_i32_0 = arith.constant 0 : i32
    return %arg0, %arg1, %c0_i32 : i32, i32, i32
  }
  func.func @transform_1(%arg0: i32, %arg1: i32) -> (i32, i32, i32) {
    %c0_i32 = arith.constant 0 : i32
    %c0_i32_0 = arith.constant 0 : i32
    return %arg0, %arg1, %c0_i32 : i32, i32, i32
  }
  func.func @transform_2(%arg0: i32, %arg1: i32) -> (i32, i32) {
    %c0_i32 = arith.constant 0 : i32
    %c0_i32_0 = arith.constant 0 : i32
    %c0_i32_1 = arith.constant 0 : i32
    return %c0_i32, %c0_i32_0 : i32, i32
  }
  func.func @transform_3(%arg0: i32, %arg1: i32) -> (i32, i32, i32) {
    %c0_i32 = arith.constant 0 : i32
    %c0_i32_0 = arith.constant 0 : i32
    return %arg0, %arg1, %c0_i32 : i32, i32, i32
  }
  func.func @transform_4(%arg0: i32, %arg1: i32) -> (i32, i32, i32) {
    %c0_i32 = arith.constant 0 : i32
    %c0_i32_0 = arith.constant 0 : i32
    return %arg0, %arg1, %c0_i32 : i32, i32, i32
  }
}

module attributes {stable_mosaic.version = 14 : i64} {
  func.func @_sort_kernel(%arg0: i32, %arg1: memref<1x2048x1xf32, #tpu.memory_space<vmem>>, %arg2: memref<1x2048x1xf32, #tpu.memory_space<vmem>>, %arg3: memref<1x2048x1xf32, #tpu.memory_space<vmem>>, %arg4: memref<1x2048x1xf32, #tpu.memory_space<vmem>>, %arg5: memref<1x2x16xf32, #tpu.memory_space<vmem>>) attributes {dimension_semantics = [#tpu.dimension_semantics<arbitrary>], iteration_bounds = array<i64: 2>, scalar_prefetch = 0 : i64, scratch_operands = 0 : i64, tpu.core_type = #tpu.core_type<tc>, window_params = [{transform_indices = @transform_0, window_bounds = array<i64: 1, 2048, 1>}, {transform_indices = @transform_1, window_bounds = array<i64: 1, 2048, 1>}, {transform_indices = @transform_2, window_bounds = array<i64: 1, 2048, 1>}, {transform_indices = @transform_3, window_bounds = array<i64: 1, 2048, 1>}, {transform_indices = @transform_4, window_bounds = array<i64: 1, 2, 16>}]} {
    %iota3A = tpu.iota {dimensions = array<i32: 0>} : vector<2048x1xi32>
    %iota3A_0 = tpu.iota {dimensions = array<i32: 1>} : vector<1x2048xi32>
    %lt3A = vector.broadcast %iota3A_0 : vector<1x2048xi32> to vector<2048x2048xi32>
    %lt3A_1 = vector.broadcast %iota3A : vector<2048x1xi32> to vector<2048x2048xi32>
    %lt3A_2 = arith.cmpi slt, %lt3A, %lt3A_1 : vector<2048x2048xi32>
    %convert_element_type3A = arith.extui %lt3A_2 : vector<2048x2048xi1> to vector<2048x2048xi32>
    %convert_element_type3A_3 = arith.sitofp %convert_element_type3A : vector<2048x2048xi32> to vector<2048x2048xf32>
    %convert_element_type3A_4 = arith.truncf %convert_element_type3A_3 : vector<2048x2048xf32> to vector<2048x2048xbf16>
    %iota3A_5 = tpu.iota {dimensions = array<i32: 1>} : vector<1x8xi32>
    %convert_element_type3A_6 = arith.sitofp %iota3A_5 : vector<1x8xi32> to vector<1x8xf32>
    %iota3A_7 = tpu.iota {dimensions = array<i32: 0>} : vector<8x1xi32>
    %iota3A_8 = tpu.iota {dimensions = array<i32: 1>} : vector<1x8xi32>
    %lt3A_9 = vector.broadcast %iota3A_7 : vector<8x1xi32> to vector<8x8xi32>
    %lt3A_10 = vector.broadcast %iota3A_8 : vector<1x8xi32> to vector<8x8xi32>
    %lt3A_11 = arith.cmpi slt, %lt3A_9, %lt3A_10 : vector<8x8xi32>
    %convert_element_type3A_12 = arith.extui %lt3A_11 : vector<8x8xi1> to vector<8x8xi32>
    %convert_element_type3A_13 = arith.sitofp %convert_element_type3A_12 : vector<8x8xi32> to vector<8x8xf32>
    %iota3A_14 = tpu.iota {dimensions = array<i32: 1>} : vector<1x2048xi32>
    %convert_element_type3A_15 = arith.sitofp %iota3A_14 : vector<1x2048xi32> to vector<1x2048xf32>
    %iota3A_16 = tpu.iota {dimensions = array<i32: 0>} : vector<2048x1xi32>
    %jit3A = arith.constant 8 : i32
    %div3A = vector.broadcast %jit3A : i32 to vector<2048x1xi32>
    %div3A_17 = arith.divsi %iota3A_16, %div3A : vector<2048x1xi32>
    %sign3A = arith.constant 0 : i32
    %sign3A_18 = vector.broadcast %sign3A : i32 to vector<2048x1xi32>
    %sign3A_19 = arith.cmpi sgt, %iota3A_16, %sign3A_18 : vector<2048x1xi32>
    %sign3A_20 = arith.extui %sign3A_19 : vector<2048x1xi1> to vector<2048x1xi32>
    %sign3A_21 = arith.constant 0 : i32
    %sign3A_22 = vector.broadcast %sign3A_21 : i32 to vector<2048x1xi32>
    %sign3A_23 = arith.cmpi slt, %iota3A_16, %sign3A_22 : vector<2048x1xi32>
    %sign3A_24 = arith.extui %sign3A_23 : vector<2048x1xi1> to vector<2048x1xi32>
    %sign3A_25 = arith.subi %sign3A_20, %sign3A_24 : vector<2048x1xi32>
    %sign3A_26 = arith.constant 0 : i32
    %sign3A_27 = arith.cmpi sgt, %jit3A, %sign3A_26 : i32
    %sign3A_28 = arith.extui %sign3A_27 : i1 to i32
    %sign3A_29 = arith.constant 0 : i32
    %sign3A_30 = arith.cmpi slt, %jit3A, %sign3A_29 : i32
    %sign3A_31 = arith.extui %sign3A_30 : i1 to i32
    %sign3A_32 = arith.subi %sign3A_28, %sign3A_31 : i32
    %ne3A = vector.broadcast %sign3A_32 : i32 to vector<2048x1xi32>
    %ne3A_33 = arith.cmpi ne, %sign3A_25, %ne3A : vector<2048x1xi32>
    %rem3A = vector.broadcast %jit3A : i32 to vector<2048x1xi32>
    %rem3A_34 = arith.remsi %iota3A_16, %rem3A : vector<2048x1xi32>
    %ne3A_35 = arith.constant 0 : i32
    %ne3A_36 = vector.broadcast %ne3A_35 : i32 to vector<2048x1xi32>
    %ne3A_37 = arith.cmpi ne, %rem3A_34, %ne3A_36 : vector<2048x1xi32>
    %and3A = arith.andi %ne3A_33, %ne3A_37 : vector<2048x1xi1>
    %sub3A = arith.constant 1 : i32
    %sub3A_38 = vector.broadcast %sub3A : i32 to vector<2048x1xi32>
    %sub3A_39 = arith.subi %div3A_17, %sub3A_38 : vector<2048x1xi32>
    %select_n3A = arith.select %and3A, %sub3A_39, %div3A_17 : vector<2048x1xi1>, vector<2048x1xi32>
    %convert_element_type3A_40 = arith.sitofp %select_n3A : vector<2048x1xi32> to vector<2048x1xf32>
    %jit3A_41 = arith.constant 8 : i32
    %div3A_42 = vector.broadcast %jit3A_41 : i32 to vector<2048x1xi32>
    %div3A_43 = arith.divsi %iota3A_16, %div3A_42 : vector<2048x1xi32>
    %sign3A_44 = arith.constant 0 : i32
    %sign3A_45 = vector.broadcast %sign3A_44 : i32 to vector<2048x1xi32>
    %sign3A_46 = arith.cmpi sgt, %iota3A_16, %sign3A_45 : vector<2048x1xi32>
    %sign3A_47 = arith.extui %sign3A_46 : vector<2048x1xi1> to vector<2048x1xi32>
    %sign3A_48 = arith.constant 0 : i32
    %sign3A_49 = vector.broadcast %sign3A_48 : i32 to vector<2048x1xi32>
    %sign3A_50 = arith.cmpi slt, %iota3A_16, %sign3A_49 : vector<2048x1xi32>
    %sign3A_51 = arith.extui %sign3A_50 : vector<2048x1xi1> to vector<2048x1xi32>
    %sign3A_52 = arith.subi %sign3A_47, %sign3A_51 : vector<2048x1xi32>
    %sign3A_53 = arith.constant 0 : i32
    %sign3A_54 = arith.cmpi sgt, %jit3A_41, %sign3A_53 : i32
    %sign3A_55 = arith.extui %sign3A_54 : i1 to i32
    %sign3A_56 = arith.constant 0 : i32
    %sign3A_57 = arith.cmpi slt, %jit3A_41, %sign3A_56 : i32
    %sign3A_58 = arith.extui %sign3A_57 : i1 to i32
    %sign3A_59 = arith.subi %sign3A_55, %sign3A_58 : i32
    %ne3A_60 = vector.broadcast %sign3A_59 : i32 to vector<2048x1xi32>
    %ne3A_61 = arith.cmpi ne, %sign3A_52, %ne3A_60 : vector<2048x1xi32>
    %rem3A_62 = vector.broadcast %jit3A_41 : i32 to vector<2048x1xi32>
    %rem3A_63 = arith.remsi %iota3A_16, %rem3A_62 : vector<2048x1xi32>
    %ne3A_64 = arith.constant 0 : i32
    %ne3A_65 = vector.broadcast %ne3A_64 : i32 to vector<2048x1xi32>
    %ne3A_66 = arith.cmpi ne, %rem3A_63, %ne3A_65 : vector<2048x1xi32>
    %and3A_67 = arith.andi %ne3A_61, %ne3A_66 : vector<2048x1xi1>
    %sub3A_68 = arith.constant 1 : i32
    %sub3A_69 = vector.broadcast %sub3A_68 : i32 to vector<2048x1xi32>
    %sub3A_70 = arith.subi %div3A_43, %sub3A_69 : vector<2048x1xi32>
    %select_n3A_71 = arith.select %and3A_67, %sub3A_70, %div3A_43 : vector<2048x1xi1>, vector<2048x1xi32>
    %mul3A = arith.constant 8 : i32
    %mul3A_72 = vector.broadcast %mul3A : i32 to vector<2048x1xi32>
    %mul3A_73 = arith.muli %select_n3A_71, %mul3A_72 : vector<2048x1xi32>
    %sub3A_74 = arith.subi %iota3A_16, %mul3A_73 : vector<2048x1xi32>
    %convert_element_type3A_75 = arith.sitofp %sub3A_74 : vector<2048x1xi32> to vector<2048x1xf32>
    %get3A = arith.constant 0 : index
    %get3A_76 = arith.constant 0 : index
    %get3A_77 = arith.constant 0 : index
    %get3A_78 = vector.load %arg1[%get3A, %get3A_76, %get3A_77] : memref<1x2048x1xf32, #tpu.memory_space<vmem>>, vector<1x2048x1xf32>
    %get3A_79 = vector.shape_cast %get3A_78 : vector<1x2048x1xf32> to vector<2048x1xf32>
    %eq3A = vector.broadcast %get3A_79 : vector<2048x1xf32> to vector<2048x8xf32>
    %eq3A_80 = vector.broadcast %convert_element_type3A_6 : vector<1x8xf32> to vector<2048x8xf32>
    %eq3A_81 = arith.cmpf oeq, %eq3A, %eq3A_80 : vector<2048x8xf32>
    %convert_element_type3A_82 = arith.extui %eq3A_81 : vector<2048x8xi1> to vector<2048x8xi32>
    %convert_element_type3A_83 = arith.sitofp %convert_element_type3A_82 : vector<2048x8xi32> to vector<2048x8xf32>
    %convert_element_type3A_84 = arith.truncf %convert_element_type3A_83 : vector<2048x8xf32> to vector<2048x8xbf16>
    %dot_general3A = arith.constant dense<0.000000e+00> : vector<2048x8xf32>
    %dot_general3A_85 = tpu.matmul %convert_element_type3A_4, %convert_element_type3A_84, %dot_general3A {dimension_numbers = #tpu.dot_dimension_numbers<[1], [0], [0], [1], [0, 0, 1, 1], [], []>, transpose_lhs_hint = false} : vector<2048x2048xbf16>, vector<2048x8xbf16>, vector<2048x8xf32> -> vector<2048x8xf32>
    %convert_element_type3A_86 = arith.extf %convert_element_type3A_84 : vector<2048x8xbf16> to vector<2048x8xf32>
    %reduce_sum3A = arith.constant dense<0.000000e+00> : vector<8xf32>
    %reduce_sum3A_87 = vector.multi_reduction <add>, %convert_element_type3A_86, %reduce_sum3A [0] : vector<2048x8xf32> to vector<8xf32>
    %broadcast_in_dim3A = vector.shape_cast %reduce_sum3A_87 : vector<8xf32> to vector<1x8xf32>
    %dot_general3A_88 = arith.constant dense<0.000000e+00> : vector<1x8xf32>
    %dot_general3A_89 = tpu.matmul %broadcast_in_dim3A, %convert_element_type3A_13, %dot_general3A_88 {dimension_numbers = #tpu.dot_dimension_numbers<[1], [0], [0], [1], [0, 0, 1, 1], [], []>, precision = #tpu.contract_precision<fp32>, transpose_lhs_hint = false} : vector<1x8xf32>, vector<8x8xf32>, vector<1x8xf32> -> vector<1x8xf32>
    %add3A = vector.broadcast %dot_general3A_89 : vector<1x8xf32> to vector<2048x8xf32>
    %add3A_90 = arith.addf %dot_general3A_85, %add3A : vector<2048x8xf32>
    %mul3A_91 = arith.mulf %add3A_90, %convert_element_type3A_86 : vector<2048x8xf32>
    %reduce_sum3A_92 = arith.constant dense<0.000000e+00> : vector<2048xf32>
    %reduce_sum3A_93 = vector.multi_reduction <add>, %mul3A_91, %reduce_sum3A_92 [1] : vector<2048x8xf32> to vector<2048xf32>
    %broadcast_in_dim3A_94 = vector.shape_cast %reduce_sum3A_93 : vector<2048xf32> to vector<2048x1xf32>
    %eq3A_95 = vector.broadcast %broadcast_in_dim3A_94 : vector<2048x1xf32> to vector<2048x2048xf32>
    %eq3A_96 = vector.broadcast %convert_element_type3A_15 : vector<1x2048xf32> to vector<2048x2048xf32>
    %eq3A_97 = arith.cmpf oeq, %eq3A_95, %eq3A_96 : vector<2048x2048xf32>
    %convert_element_type3A_98 = arith.extui %eq3A_97 : vector<2048x2048xi1> to vector<2048x2048xi32>
    %convert_element_type3A_99 = arith.sitofp %convert_element_type3A_98 : vector<2048x2048xi32> to vector<2048x2048xf32>
    %convert_element_type3A_100 = arith.truncf %convert_element_type3A_99 : vector<2048x2048xf32> to vector<2048x2048xbf16>
    %convert_element_type3A_101 = arith.truncf %convert_element_type3A_40 : vector<2048x1xf32> to vector<2048x1xbf16>
    %dot_general3A_102 = arith.constant dense<0.000000e+00> : vector<2048x1xf32>
    %dot_general3A_103 = tpu.matmul %convert_element_type3A_100, %convert_element_type3A_101, %dot_general3A_102 {dimension_numbers = #tpu.dot_dimension_numbers<[0], [0], [1], [1], [0, 1, 1, 1], [], []>, transpose_lhs_hint = false} : vector<2048x2048xbf16>, vector<2048x1xbf16>, vector<2048x1xf32> -> vector<2048x1xf32>
    %mul3A_104 = arith.constant 8.000000e+00 : f32
    %mul3A_105 = vector.broadcast %mul3A_104 : f32 to vector<2048x1xf32>
    %mul3A_106 = arith.mulf %mul3A_105, %dot_general3A_103 : vector<2048x1xf32>
    %convert_element_type3A_107 = arith.truncf %convert_element_type3A_75 : vector<2048x1xf32> to vector<2048x1xbf16>
    %dot_general3A_108 = arith.constant dense<0.000000e+00> : vector<2048x1xf32>
    %dot_general3A_109 = tpu.matmul %convert_element_type3A_100, %convert_element_type3A_107, %dot_general3A_108 {dimension_numbers = #tpu.dot_dimension_numbers<[0], [0], [1], [1], [0, 1, 1, 1], [], []>, transpose_lhs_hint = false} : vector<2048x2048xbf16>, vector<2048x1xbf16>, vector<2048x1xf32> -> vector<2048x1xf32>
    %add3A_110 = arith.addf %mul3A_106, %dot_general3A_109 : vector<2048x1xf32>
    %get3A_111 = arith.constant 0 : index
    %get3A_112 = arith.constant 0 : index
    %get3A_113 = arith.constant 0 : index
    %get3A_114 = vector.load %arg2[%get3A_111, %get3A_112, %get3A_113] : memref<1x2048x1xf32, #tpu.memory_space<vmem>>, vector<1x2048x1xf32>
    %get3A_115 = vector.shape_cast %get3A_114 : vector<1x2048x1xf32> to vector<2048x1xf32>
    %eq3A_116 = vector.broadcast %get3A_115 : vector<2048x1xf32> to vector<2048x8xf32>
    %eq3A_117 = vector.broadcast %convert_element_type3A_6 : vector<1x8xf32> to vector<2048x8xf32>
    %eq3A_118 = arith.cmpf oeq, %eq3A_116, %eq3A_117 : vector<2048x8xf32>
    %convert_element_type3A_119 = arith.extui %eq3A_118 : vector<2048x8xi1> to vector<2048x8xi32>
    %convert_element_type3A_120 = arith.sitofp %convert_element_type3A_119 : vector<2048x8xi32> to vector<2048x8xf32>
    %convert_element_type3A_121 = arith.truncf %convert_element_type3A_120 : vector<2048x8xf32> to vector<2048x8xbf16>
    %dot_general3A_122 = arith.constant dense<0.000000e+00> : vector<2048x8xf32>
    %dot_general3A_123 = tpu.matmul %convert_element_type3A_4, %convert_element_type3A_121, %dot_general3A_122 {dimension_numbers = #tpu.dot_dimension_numbers<[1], [0], [0], [1], [0, 0, 1, 1], [], []>, transpose_lhs_hint = false} : vector<2048x2048xbf16>, vector<2048x8xbf16>, vector<2048x8xf32> -> vector<2048x8xf32>
    %convert_element_type3A_124 = arith.extf %convert_element_type3A_121 : vector<2048x8xbf16> to vector<2048x8xf32>
    %reduce_sum3A_125 = arith.constant dense<0.000000e+00> : vector<8xf32>
    %reduce_sum3A_126 = vector.multi_reduction <add>, %convert_element_type3A_124, %reduce_sum3A_125 [0] : vector<2048x8xf32> to vector<8xf32>
    %broadcast_in_dim3A_127 = vector.shape_cast %reduce_sum3A_126 : vector<8xf32> to vector<1x8xf32>
    %dot_general3A_128 = arith.constant dense<0.000000e+00> : vector<1x8xf32>
    %dot_general3A_129 = tpu.matmul %broadcast_in_dim3A_127, %convert_element_type3A_13, %dot_general3A_128 {dimension_numbers = #tpu.dot_dimension_numbers<[1], [0], [0], [1], [0, 0, 1, 1], [], []>, precision = #tpu.contract_precision<fp32>, transpose_lhs_hint = false} : vector<1x8xf32>, vector<8x8xf32>, vector<1x8xf32> -> vector<1x8xf32>
    %add3A_130 = vector.broadcast %dot_general3A_129 : vector<1x8xf32> to vector<2048x8xf32>
    %add3A_131 = arith.addf %dot_general3A_123, %add3A_130 : vector<2048x8xf32>
    %mul3A_132 = arith.mulf %add3A_131, %convert_element_type3A_124 : vector<2048x8xf32>
    %reduce_sum3A_133 = arith.constant dense<0.000000e+00> : vector<2048xf32>
    %reduce_sum3A_134 = vector.multi_reduction <add>, %mul3A_132, %reduce_sum3A_133 [1] : vector<2048x8xf32> to vector<2048xf32>
    %broadcast_in_dim3A_135 = vector.shape_cast %reduce_sum3A_134 : vector<2048xf32> to vector<2048x1xf32>
    %eq3A_136 = vector.broadcast %broadcast_in_dim3A_135 : vector<2048x1xf32> to vector<2048x2048xf32>
    %eq3A_137 = vector.broadcast %convert_element_type3A_15 : vector<1x2048xf32> to vector<2048x2048xf32>
    %eq3A_138 = arith.cmpf oeq, %eq3A_136, %eq3A_137 : vector<2048x2048xf32>
    %convert_element_type3A_139 = arith.extui %eq3A_138 : vector<2048x2048xi1> to vector<2048x2048xi32>
    %convert_element_type3A_140 = arith.sitofp %convert_element_type3A_139 : vector<2048x2048xi32> to vector<2048x2048xf32>
    %convert_element_type3A_141 = arith.truncf %convert_element_type3A_140 : vector<2048x2048xf32> to vector<2048x2048xbf16>
    %convert_element_type3A_142 = arith.truncf %convert_element_type3A_40 : vector<2048x1xf32> to vector<2048x1xbf16>
    %dot_general3A_143 = arith.constant dense<0.000000e+00> : vector<2048x1xf32>
    %dot_general3A_144 = tpu.matmul %convert_element_type3A_141, %convert_element_type3A_142, %dot_general3A_143 {dimension_numbers = #tpu.dot_dimension_numbers<[0], [0], [1], [1], [0, 1, 1, 1], [], []>, transpose_lhs_hint = false} : vector<2048x2048xbf16>, vector<2048x1xbf16>, vector<2048x1xf32> -> vector<2048x1xf32>
    %mul3A_145 = arith.constant 8.000000e+00 : f32
    %mul3A_146 = vector.broadcast %mul3A_145 : f32 to vector<2048x1xf32>
    %mul3A_147 = arith.mulf %mul3A_146, %dot_general3A_144 : vector<2048x1xf32>
    %convert_element_type3A_148 = arith.truncf %convert_element_type3A_75 : vector<2048x1xf32> to vector<2048x1xbf16>
    %dot_general3A_149 = arith.constant dense<0.000000e+00> : vector<2048x1xf32>
    %dot_general3A_150 = tpu.matmul %convert_element_type3A_141, %convert_element_type3A_148, %dot_general3A_149 {dimension_numbers = #tpu.dot_dimension_numbers<[0], [0], [1], [1], [0, 1, 1, 1], [], []>, transpose_lhs_hint = false} : vector<2048x2048xbf16>, vector<2048x1xbf16>, vector<2048x1xf32> -> vector<2048x1xf32>
    %add3A_151 = arith.addf %mul3A_147, %dot_general3A_150 : vector<2048x1xf32>
    %swap3A = arith.constant 0 : index
    %swap3A_152 = arith.constant 0 : index
    %swap3A_153 = arith.constant 0 : index
    %swap3A_154 = vector.load %arg3[%swap3A, %swap3A_152, %swap3A_153] : memref<1x2048x1xf32, #tpu.memory_space<vmem>>, vector<1x2048x1xf32>
    %swap3A_155 = vector.shape_cast %swap3A_154 : vector<1x2048x1xf32> to vector<2048x1xf32>
    %swap3A_156 = vector.shape_cast %add3A_110 : vector<2048x1xf32> to vector<1x2048x1xf32>
    tpu.vector_store %arg3[%swap3A, %swap3A_152, %swap3A_153], %swap3A_156 {strides = array<i32>} : memref<1x2048x1xf32, #tpu.memory_space<vmem>>, vector<1x2048x1xf32>,
    %swap3A_157 = arith.constant 0 : index
    %swap3A_158 = arith.constant 0 : index
    %swap3A_159 = arith.constant 0 : index
    %swap3A_160 = vector.load %arg4[%swap3A_157, %swap3A_158, %swap3A_159] : memref<1x2048x1xf32, #tpu.memory_space<vmem>>, vector<1x2048x1xf32>
    %swap3A_161 = vector.shape_cast %swap3A_160 : vector<1x2048x1xf32> to vector<2048x1xf32>
    %swap3A_162 = vector.shape_cast %add3A_151 : vector<2048x1xf32> to vector<1x2048x1xf32>
    tpu.vector_store %arg4[%swap3A_157, %swap3A_158, %swap3A_159], %swap3A_162 {strides = array<i32>} : memref<1x2048x1xf32, #tpu.memory_space<vmem>>, vector<1x2048x1xf32>,
    %broadcast_in_dim3A_163 = arith.constant 2.048000e+03 : f32
    %broadcast_in_dim3A_164 = vector.broadcast %broadcast_in_dim3A_163 : f32 to vector<1x8xf32>
    %concatenate3A = tpu.concatenate %dot_general3A_89, %broadcast_in_dim3A_164 in 1 : vector<1x8xf32>, vector<1x8xf32> -> vector<1x16xf32>
    %concatenate3A_165 = tpu.concatenate %dot_general3A_129, %broadcast_in_dim3A_164 in 1 : vector<1x8xf32>, vector<1x8xf32> -> vector<1x16xf32>
    %concatenate3A_166 = tpu.concatenate %concatenate3A, %concatenate3A_165 in 0 : vector<1x16xf32>, vector<1x16xf32> -> vector<2x16xf32>
    %swap3A_167 = arith.constant 0 : index
    %swap3A_168 = arith.constant 0 : index
    %swap3A_169 = arith.constant 0 : index
    %swap3A_170 = vector.load %arg5[%swap3A_167, %swap3A_168, %swap3A_169] : memref<1x2x16xf32, #tpu.memory_space<vmem>>, vector<1x2x16xf32>
    %swap3A_171 = vector.shape_cast %swap3A_170 : vector<1x2x16xf32> to vector<2x16xf32>
    %swap3A_172 = vector.shape_cast %concatenate3A_166 : vector<2x16xf32> to vector<1x2x16xf32>
    tpu.vector_store %arg5[%swap3A_167, %swap3A_168, %swap3A_169], %swap3A_172 {strides = array<i32>} : memref<1x2x16xf32, #tpu.memory_space<vmem>>, vector<1x2x16xf32>,
    return
  }
  func.func @transform_0(%arg0: i32) -> (i32, i32, i32) {
    %c0_i32 = arith.constant 0 : i32
    %c0_i32_0 = arith.constant 0 : i32
    %c0_i32_1 = arith.constant 0 : i32
    return %arg0, %c0_i32, %c0_i32_0 : i32, i32, i32
  }
  func.func @transform_1(%arg0: i32) -> (i32, i32, i32) {
    %c0_i32 = arith.constant 0 : i32
    %c0_i32_0 = arith.constant 0 : i32
    %c0_i32_1 = arith.constant 0 : i32
    return %arg0, %c0_i32, %c0_i32_0 : i32, i32, i32
  }
  func.func @transform_2(%arg0: i32) -> (i32, i32, i32) {
    %c0_i32 = arith.constant 0 : i32
    %c0_i32_0 = arith.constant 0 : i32
    %c0_i32_1 = arith.constant 0 : i32
    return %arg0, %c0_i32, %c0_i32_0 : i32, i32, i32
  }
  func.func @transform_3(%arg0: i32) -> (i32, i32, i32) {
    %c0_i32 = arith.constant 0 : i32
    %c0_i32_0 = arith.constant 0 : i32
    %c0_i32_1 = arith.constant 0 : i32
    return %arg0, %c0_i32, %c0_i32_0 : i32, i32, i32
  }
  func.func @transform_4(%arg0: i32) -> (i32, i32, i32) {
    %c0_i32 = arith.constant 0 : i32
    %c0_i32_0 = arith.constant 0 : i32
    %c0_i32_1 = arith.constant 0 : i32
    return %arg0, %c0_i32, %c0_i32_0 : i32, i32, i32
  }
}

module attributes {stable_mosaic.version = 14 : i64} {
  func.func @_attn_kernel(%arg0: i32, %arg1: i32, %arg2: i32, %arg3: memref<1x256x768xbf16, #tpu.memory_space<vmem>>, %arg4: memref<1x768x64xbf16, #tpu.memory_space<vmem>>, %arg5: memref<1x12x2048x64xbf16, #tpu.memory_space<vmem>>, %arg6: memref<1x12x2048x64xbf16, #tpu.memory_space<vmem>>, %arg7: memref<2x2x16xi32, #tpu.memory_space<smem>>, %arg8: memref<64x768xbf16, #tpu.memory_space<vmem>>, %arg9: memref<1x256x768xf32, #tpu.memory_space<vmem>>) attributes {dimension_semantics = [#tpu.dimension_semantics<arbitrary>, #tpu.dimension_semantics<arbitrary>, #tpu.dimension_semantics<arbitrary>], iteration_bounds = array<i64: 2, 8, 12>, scalar_prefetch = 0 : i64, scratch_operands = 0 : i64, tpu.core_type = #tpu.core_type<tc>, window_params = [{transform_indices = @transform_0, window_bounds = array<i64: 1, 256, 768>}, {transform_indices = @transform_1, window_bounds = array<i64: 1, 768, 64>}, {transform_indices = @transform_2, window_bounds = array<i64: 1, 12, 2048, 64>}, {transform_indices = @transform_3, window_bounds = array<i64: 1, 12, 2048, 64>}, {transform_indices = @transform_4, window_bounds = array<i64: 2, 2, 16>}, {transform_indices = @transform_5, window_bounds = array<i64: 64, 768>}, {transform_indices = @transform_6, window_bounds = array<i64: 1, 256, 768>}]} {
    %mul3A = arith.constant 256 : i32
    %mul3A_0 = arith.muli %arg1, %mul3A : i32
    %scan3A = arith.constant 0 : i32
    %scan3A_1 = arith.constant 0 : i32
    %scan3A_2 = arith.constant 1 : i32
    %scan3A_3 = arith.constant 7 : i32
    %scan3A_4 = arith.addi %scan3A_2, %scan3A_3 : i32
    %scan3A_5 = arith.constant 1 : i32
    %scan3A_6:2 = scf.for %scan3A_130 = %scan3A_2 to %scan3A_4 step %scan3A_5 iter_args(%scan3A_131 = %scan3A, %scan3A_132 = %scan3A_1) -> (i32, i32)  : i32 {
      %get3A_133 = arith.index_cast %arg0 : i32 to index
      %get3A_134 = arith.constant 0 : index
      %get3A_135 = arith.index_cast %scan3A_130 : i32 to index
      %get3A_136 = memref.load %arg7[%get3A_133, %get3A_134, %get3A_135] : memref<2x2x16xi32, #tpu.memory_space<smem>>
      %le3A = arith.cmpi sle, %get3A_136, %mul3A_0 : i32
      %jit3A_137 = arith.constant 1 : i32
      %jit3A_138 = arith.constant 0 : i32
      %select_n3A_139 = arith.select %le3A, %jit3A_137, %jit3A_138 : i32
      %add3A_140 = arith.addi %scan3A_131, %select_n3A_139 : i32
      %add3A_141 = arith.constant 256 : i32
      %add3A_142 = arith.addi %mul3A_0, %add3A_141 : i32
      %lt3A = arith.cmpi slt, %get3A_136, %add3A_142 : i32
      %jit3A_143 = arith.constant 1 : i32
      %jit3A_144 = arith.constant 0 : i32
      %select_n3A_145 = arith.select %lt3A, %jit3A_143, %jit3A_144 : i32
      %add3A_146 = arith.addi %scan3A_132, %select_n3A_145 : i32
      scf.yield %add3A_140, %add3A_146 : i32, i32
    }
    %scan3A_7 = arith.constant 7 : i32
    %get3A = arith.index_cast %arg0 : i32 to index
    %get3A_8 = arith.constant 1 : index
    %get3A_9 = arith.index_cast %scan3A_6#0 : i32 to index
    %get3A_10 = memref.load %arg7[%get3A, %get3A_8, %get3A_9] : memref<2x2x16xi32, #tpu.memory_space<smem>>
    %add3A = arith.constant 1 : i32
    %add3A_11 = arith.addi %scan3A_6#1, %add3A : i32
    %get3A_12 = arith.index_cast %arg0 : i32 to index
    %get3A_13 = arith.constant 1 : index
    %get3A_14 = arith.index_cast %add3A_11 : i32 to index
    %get3A_15 = memref.load %arg7[%get3A_12, %get3A_13, %get3A_14] : memref<2x2x16xi32, #tpu.memory_space<smem>>
    %jit3A = arith.constant 256 : i32
    %div3A = arith.divsi %get3A_10, %jit3A : i32
    %sign3A = arith.constant 0 : i32
    %sign3A_16 = arith.cmpi sgt, %get3A_10, %sign3A : i32
    %sign3A_17 = arith.extui %sign3A_16 : i1 to i32
    %sign3A_18 = arith.constant 0 : i32
    %sign3A_19 = arith.cmpi slt, %get3A_10, %sign3A_18 : i32
    %sign3A_20 = arith.extui %sign3A_19 : i1 to i32
    %sign3A_21 = arith.subi %sign3A_17, %sign3A_20 : i32
    %sign3A_22 = arith.constant 0 : i32
    %sign3A_23 = arith.cmpi sgt, %jit3A, %sign3A_22 : i32
    %sign3A_24 = arith.extui %sign3A_23 : i1 to i32
    %sign3A_25 = arith.constant 0 : i32
    %sign3A_26 = arith.cmpi slt, %jit3A, %sign3A_25 : i32
    %sign3A_27 = arith.extui %sign3A_26 : i1 to i32
    %sign3A_28 = arith.subi %sign3A_24, %sign3A_27 : i32
    %ne3A = arith.cmpi ne, %sign3A_21, %sign3A_28 : i32
    %rem3A = arith.remsi %get3A_10, %jit3A : i32
    %ne3A_29 = arith.constant 0 : i32
    %ne3A_30 = arith.cmpi ne, %rem3A, %ne3A_29 : i32
    %and3A = arith.andi %ne3A, %ne3A_30 : i1
    %sub3A = arith.constant 1 : i32
    %sub3A_31 = arith.subi %div3A, %sub3A : i32
    %select_n3A = arith.select %and3A, %sub3A_31, %div3A : i32
    %add3A_32 = arith.constant 256 : i32
    %add3A_33 = arith.addi %get3A_15, %add3A_32 : i32
    %sub3A_34 = arith.constant 1 : i32
    %sub3A_35 = arith.subi %add3A_33, %sub3A_34 : i32
    %jit3A_36 = arith.constant 256 : i32
    %div3A_37 = arith.divsi %sub3A_35, %jit3A_36 : i32
    %sign3A_38 = arith.constant 0 : i32
    %sign3A_39 = arith.cmpi sgt, %sub3A_35, %sign3A_38 : i32
    %sign3A_40 = arith.extui %sign3A_39 : i1 to i32
    %sign3A_41 = arith.constant 0 : i32
    %sign3A_42 = arith.cmpi slt, %sub3A_35, %sign3A_41 : i32
    %sign3A_43 = arith.extui %sign3A_42 : i1 to i32
    %sign3A_44 = arith.subi %sign3A_40, %sign3A_43 : i32
    %sign3A_45 = arith.constant 0 : i32
    %sign3A_46 = arith.cmpi sgt, %jit3A_36, %sign3A_45 : i32
    %sign3A_47 = arith.extui %sign3A_46 : i1 to i32
    %sign3A_48 = arith.constant 0 : i32
    %sign3A_49 = arith.cmpi slt, %jit3A_36, %sign3A_48 : i32
    %sign3A_50 = arith.extui %sign3A_49 : i1 to i32
    %sign3A_51 = arith.subi %sign3A_47, %sign3A_50 : i32
    %ne3A_52 = arith.cmpi ne, %sign3A_44, %sign3A_51 : i32
    %rem3A_53 = arith.remsi %sub3A_35, %jit3A_36 : i32
    %ne3A_54 = arith.constant 0 : i32
    %ne3A_55 = arith.cmpi ne, %rem3A_53, %ne3A_54 : i32
    %and3A_56 = arith.andi %ne3A_52, %ne3A_55 : i1
    %sub3A_57 = arith.constant 1 : i32
    %sub3A_58 = arith.subi %div3A_37, %sub3A_57 : i32
    %select_n3A_59 = arith.select %and3A_56, %sub3A_58, %div3A_37 : i32
    %iota3A = tpu.iota {dimensions = array<i32: 0>} : vector<256x1xi32>
    %add3A_60 = vector.broadcast %mul3A_0 : i32 to vector<256x1xi32>
    %add3A_61 = arith.addi %add3A_60, %iota3A : vector<256x1xi32>
    %broadcast_in_dim3A = arith.constant 0 : i32
    %broadcast_in_dim3A_62 = vector.broadcast %broadcast_in_dim3A : i32 to vector<256x1xi32>
    %scan3A_63 = arith.constant 1 : i32
    %scan3A_64 = arith.constant 7 : i32
    %scan3A_65 = arith.addi %scan3A_63, %scan3A_64 : i32
    %scan3A_66 = arith.constant 1 : i32
    %scan3A_67 = scf.for %scan3A_130 = %scan3A_63 to %scan3A_65 step %scan3A_66 iter_args(%scan3A_131 = %broadcast_in_dim3A_62) -> (vector<256x1xi32>)  : i32 {
      %get3A_132 = arith.index_cast %arg0 : i32 to index
      %get3A_133 = arith.constant 0 : index
      %get3A_134 = arith.index_cast %scan3A_130 : i32 to index
      %get3A_135 = memref.load %arg7[%get3A_132, %get3A_133, %get3A_134] : memref<2x2x16xi32, #tpu.memory_space<smem>>
      %ge3A = vector.broadcast %get3A_135 : i32 to vector<256x1xi32>
      %ge3A_136 = arith.cmpi sge, %add3A_61, %ge3A : vector<256x1xi32>
      %jit3A_137 = arith.constant 1 : i32
      %jit3A_138 = arith.constant 0 : i32
      %broadcast_in_dim3A_139 = vector.broadcast %jit3A_137 : i32 to vector<256x1xi32>
      %broadcast_in_dim3A_140 = vector.broadcast %jit3A_138 : i32 to vector<256x1xi32>
      %select_n3A_141 = arith.select %ge3A_136, %broadcast_in_dim3A_139, %broadcast_in_dim3A_140 : vector<256x1xi1>, vector<256x1xi32>
      %add3A_142 = arith.addi %scan3A_131, %select_n3A_141 : vector<256x1xi32>
      scf.yield %add3A_142 : vector<256x1xi32>
    }
    %scan3A_68 = arith.constant 7 : i32
    %iota3A_69 = tpu.iota {dimensions = array<i32: 1>} : vector<1x8xi32>
    %eq3A = vector.broadcast %scan3A_67 : vector<256x1xi32> to vector<256x8xi32>
    %eq3A_70 = vector.broadcast %iota3A_69 : vector<1x8xi32> to vector<256x8xi32>
    %eq3A_71 = arith.cmpi eq, %eq3A, %eq3A_70 : vector<256x8xi32>
    %convert_element_type3A = arith.extui %eq3A_71 : vector<256x8xi1> to vector<256x8xi32>
    %convert_element_type3A_72 = arith.sitofp %convert_element_type3A : vector<256x8xi32> to vector<256x8xf32>
    %convert_element_type3A_73 = arith.truncf %convert_element_type3A_72 : vector<256x8xf32> to vector<256x8xbf16>
    %mul3A_74 = arith.constant 1.024000e+03 : bf16
    %mul3A_75 = vector.broadcast %mul3A_74 : bf16 to vector<256x8xbf16>
    %mul3A_76 = arith.mulf %convert_element_type3A_73, %mul3A_75 : vector<256x8xbf16>
    %get3A_77 = arith.constant 0 : index
    %get3A_78 = arith.constant 0 : index
    %get3A_79 = arith.constant 0 : index
    %get3A_80 = vector.load %arg3[%get3A_77, %get3A_78, %get3A_79] : memref<1x256x768xbf16, #tpu.memory_space<vmem>>, vector<1x256x768xbf16>
    %get3A_81 = vector.shape_cast %get3A_80 : vector<1x256x768xbf16> to vector<256x768xbf16>
    %get3A_82 = arith.constant 0 : index
    %get3A_83 = arith.constant 0 : index
    %get3A_84 = arith.constant 0 : index
    %get3A_85 = vector.load %arg4[%get3A_82, %get3A_83, %get3A_84] : memref<1x768x64xbf16, #tpu.memory_space<vmem>>, vector<1x768x64xbf16>
    %get3A_86 = vector.shape_cast %get3A_85 : vector<1x768x64xbf16> to vector<768x64xbf16>
    %dot_general3A = arith.constant dense<0.000000e+00> : vector<256x64xf32>
    %dot_general3A_87 = tpu.matmul %get3A_81, %get3A_86, %dot_general3A {dimension_numbers = #tpu.dot_dimension_numbers<[1], [0], [0], [1], [0, 0, 1, 1], [], []>, transpose_lhs_hint = false} : vector<256x768xbf16>, vector<768x64xbf16>, vector<256x64xf32> -> vector<256x64xf32>
    %mul3A_88 = arith.constant 1.250000e-01 : f32
    %mul3A_89 = vector.broadcast %mul3A_88 : f32 to vector<256x64xf32>
    %mul3A_90 = arith.mulf %dot_general3A_87, %mul3A_89 : vector<256x64xf32>
    %convert_element_type3A_91 = arith.truncf %mul3A_90 : vector<256x64xf32> to vector<256x64xbf16>
    %concatenate3A = tpu.concatenate %convert_element_type3A_91, %mul3A_76 in 1 : vector<256x64xbf16>, vector<256x8xbf16> -> vector<256x72xbf16>
    %broadcast_in_dim3A_92 = arith.constant 0.000000e+00 : f32
    %broadcast_in_dim3A_93 = vector.broadcast %broadcast_in_dim3A_92 : f32 to vector<256x64xf32>
    %broadcast_in_dim3A_94 = arith.constant 0.000000e+00 : f32
    %broadcast_in_dim3A_95 = vector.broadcast %broadcast_in_dim3A_94 : f32 to vector<256x1xf32>
    %while3A = arith.subi %select_n3A_59, %select_n3A : i32
    %while3A_96 = arith.addi %select_n3A, %while3A : i32
    %while3A_97 = arith.constant 1 : i32
    %while3A_98 = arith.divsi %while3A, %while3A_97 : i32
    %while3A_99 = arith.muli %while3A_98, %while3A_97 : i32
    %while3A_100 = arith.addi %select_n3A, %while3A_99 : i32
    %while3A_101 = arith.constant 1 : i32
    %while3A_102:2 = scf.for %while3A_130 = %select_n3A to %while3A_100 step %while3A_101 iter_args(%while3A_131 = %broadcast_in_dim3A_93, %while3A_132 = %broadcast_in_dim3A_95) -> (vector<256x64xf32>, vector<256x1xf32>)  : i32 {
      %mul3A_133 = arith.constant 256 : i32
      %mul3A_134 = arith.muli %while3A_130, %mul3A_133 : i32
      %get3A_135 = arith.constant 0 : index
      %get3A_136 = arith.index_cast %arg2 : i32 to index
      %get3A_137 = arith.index_cast %mul3A_134 : i32 to index
      %get3A_138 = arith.constant 0 : index
      %get3A_139 = vector.load %arg5[%get3A_135, %get3A_136, %get3A_137, %get3A_138] : memref<1x12x2048x64xbf16, #tpu.memory_space<vmem>>, vector<1x1x256x64xbf16>
      %get3A_140 = vector.shape_cast %get3A_139 : vector<1x1x256x64xbf16> to vector<256x64xbf16>
      %get3A_141 = arith.constant 0 : index
      %get3A_142 = arith.index_cast %arg2 : i32 to index
      %get3A_143 = arith.index_cast %mul3A_134 : i32 to index
      %get3A_144 = arith.constant 0 : index
      %get3A_145 = vector.load %arg6[%get3A_141, %get3A_142, %get3A_143, %get3A_144] : memref<1x12x2048x64xbf16, #tpu.memory_space<vmem>>, vector<1x1x256x64xbf16>
      %get3A_146 = vector.shape_cast %get3A_145 : vector<1x1x256x64xbf16> to vector<256x64xbf16>
      %iota3A_147 = tpu.iota {dimensions = array<i32: 0>} : vector<256x1xi32>
      %add3A_148 = vector.broadcast %mul3A_134 : i32 to vector<256x1xi32>
      %add3A_149 = arith.addi %add3A_148, %iota3A_147 : vector<256x1xi32>
      %broadcast_in_dim3A_150 = arith.constant 0 : i32
      %broadcast_in_dim3A_151 = vector.broadcast %broadcast_in_dim3A_150 : i32 to vector<256x1xi32>
      %scan3A_152 = arith.constant 1 : i32
      %scan3A_153 = arith.constant 7 : i32
      %scan3A_154 = arith.addi %scan3A_152, %scan3A_153 : i32
      %scan3A_155 = arith.constant 1 : i32
      %scan3A_156 = scf.for %scan3A_177 = %scan3A_152 to %scan3A_154 step %scan3A_155 iter_args(%scan3A_178 = %broadcast_in_dim3A_151) -> (vector<256x1xi32>)  : i32 {
        %get3A_179 = arith.index_cast %arg0 : i32 to index
        %get3A_180 = arith.constant 1 : index
        %get3A_181 = arith.index_cast %scan3A_177 : i32 to index
        %get3A_182 = memref.load %arg7[%get3A_179, %get3A_180, %get3A_181] : memref<2x2x16xi32, #tpu.memory_space<smem>>
        %ge3A = vector.broadcast %get3A_182 : i32 to vector<256x1xi32>
        %ge3A_183 = arith.cmpi sge, %add3A_149, %ge3A : vector<256x1xi32>
        %jit3A_184 = arith.constant 1 : i32
        %jit3A_185 = arith.constant 0 : i32
        %broadcast_in_dim3A_186 = vector.broadcast %jit3A_184 : i32 to vector<256x1xi32>
        %broadcast_in_dim3A_187 = vector.broadcast %jit3A_185 : i32 to vector<256x1xi32>
        %select_n3A_188 = arith.select %ge3A_183, %broadcast_in_dim3A_186, %broadcast_in_dim3A_187 : vector<256x1xi1>, vector<256x1xi32>
        %add3A_189 = arith.addi %scan3A_178, %select_n3A_188 : vector<256x1xi32>
        scf.yield %add3A_189 : vector<256x1xi32>
      }
      %scan3A_157 = arith.constant 7 : i32
      %eq3A_158 = vector.broadcast %scan3A_156 : vector<256x1xi32> to vector<256x8xi32>
      %eq3A_159 = vector.broadcast %iota3A_69 : vector<1x8xi32> to vector<256x8xi32>
      %eq3A_160 = arith.cmpi eq, %eq3A_158, %eq3A_159 : vector<256x8xi32>
      %convert_element_type3A_161 = arith.extui %eq3A_160 : vector<256x8xi1> to vector<256x8xi32>
      %convert_element_type3A_162 = arith.sitofp %convert_element_type3A_161 : vector<256x8xi32> to vector<256x8xf32>
      %convert_element_type3A_163 = arith.truncf %convert_element_type3A_162 : vector<256x8xf32> to vector<256x8xbf16>
      %concatenate3A_164 = tpu.concatenate %get3A_140, %convert_element_type3A_163 in 1 : vector<256x64xbf16>, vector<256x8xbf16> -> vector<256x72xbf16>
      %dot_general3A_165 = arith.constant dense<0.000000e+00> : vector<256x256xf32>
      %dot_general3A_166 = tpu.matmul %concatenate3A, %concatenate3A_164, %dot_general3A_165 {dimension_numbers = #tpu.dot_dimension_numbers<[1], [1], [0], [0], [0, 0, 1, 0], [], []>, transpose_lhs_hint = false} : vector<256x72xbf16>, vector<256x72xbf16>, vector<256x256xf32> -> vector<256x256xf32>
      %sub3A_167 = arith.constant 1.024000e+03 : f32
      %sub3A_168 = vector.broadcast %sub3A_167 : f32 to vector<256x256xf32>
      %sub3A_169 = arith.subf %dot_general3A_166, %sub3A_168 : vector<256x256xf32>
      %exp3A = math.exp %sub3A_169 : vector<256x256xf32>
      %reduce_sum3A = arith.constant dense<0.000000e+00> : vector<256xf32>
      %reduce_sum3A_170 = vector.multi_reduction <add>, %exp3A, %reduce_sum3A [1] : vector<256x256xf32> to vector<256xf32>
      %broadcast_in_dim3A_171 = vector.shape_cast %reduce_sum3A_170 : vector<256xf32> to vector<256x1xf32>
      %add3A_172 = arith.addf %while3A_132, %broadcast_in_dim3A_171 : vector<256x1xf32>
      %convert_element_type3A_173 = arith.truncf %exp3A : vector<256x256xf32> to vector<256x256xbf16>
      %dot_general3A_174 = arith.constant dense<0.000000e+00> : vector<256x64xf32>
      %dot_general3A_175 = tpu.matmul %convert_element_type3A_173, %get3A_146, %dot_general3A_174 {dimension_numbers = #tpu.dot_dimension_numbers<[1], [0], [0], [1], [0, 0, 1, 1], [], []>, transpose_lhs_hint = false} : vector<256x256xbf16>, vector<256x64xbf16>, vector<256x64xf32> -> vector<256x64xf32>
      %add3A_176 = arith.addf %while3A_131, %dot_general3A_175 : vector<256x64xf32>
      scf.yield %add3A_176, %add3A_172 : vector<256x64xf32>, vector<256x1xf32>
    }
    %while3A_103 = arith.constant 1 : i32
    %while3A_104:2 = scf.for %while3A_130 = %while3A_100 to %while3A_96 step %while3A_103 iter_args(%while3A_131 = %while3A_102#0, %while3A_132 = %while3A_102#1) -> (vector<256x64xf32>, vector<256x1xf32>)  : i32 {
      %mul3A_133 = arith.constant 256 : i32
      %mul3A_134 = arith.muli %while3A_130, %mul3A_133 : i32
      %get3A_135 = arith.constant 0 : index
      %get3A_136 = arith.index_cast %arg2 : i32 to index
      %get3A_137 = arith.index_cast %mul3A_134 : i32 to index
      %get3A_138 = arith.constant 0 : index
      %get3A_139 = vector.load %arg5[%get3A_135, %get3A_136, %get3A_137, %get3A_138] : memref<1x12x2048x64xbf16, #tpu.memory_space<vmem>>, vector<1x1x256x64xbf16>
      %get3A_140 = vector.shape_cast %get3A_139 : vector<1x1x256x64xbf16> to vector<256x64xbf16>
      %get3A_141 = arith.constant 0 : index
      %get3A_142 = arith.index_cast %arg2 : i32 to index
      %get3A_143 = arith.index_cast %mul3A_134 : i32 to index
      %get3A_144 = arith.constant 0 : index
      %get3A_145 = vector.load %arg6[%get3A_141, %get3A_142, %get3A_143, %get3A_144] : memref<1x12x2048x64xbf16, #tpu.memory_space<vmem>>, vector<1x1x256x64xbf16>
      %get3A_146 = vector.shape_cast %get3A_145 : vector<1x1x256x64xbf16> to vector<256x64xbf16>
      %iota3A_147 = tpu.iota {dimensions = array<i32: 0>} : vector<256x1xi32>
      %add3A_148 = vector.broadcast %mul3A_134 : i32 to vector<256x1xi32>
      %add3A_149 = arith.addi %add3A_148, %iota3A_147 : vector<256x1xi32>
      %broadcast_in_dim3A_150 = arith.constant 0 : i32
      %broadcast_in_dim3A_151 = vector.broadcast %broadcast_in_dim3A_150 : i32 to vector<256x1xi32>
      %scan3A_152 = arith.constant 1 : i32
      %scan3A_153 = arith.constant 7 : i32
      %scan3A_154 = arith.addi %scan3A_152, %scan3A_153 : i32
      %scan3A_155 = arith.constant 1 : i32
      %scan3A_156 = scf.for %scan3A_177 = %scan3A_152 to %scan3A_154 step %scan3A_155 iter_args(%scan3A_178 = %broadcast_in_dim3A_151) -> (vector<256x1xi32>)  : i32 {
        %get3A_179 = arith.index_cast %arg0 : i32 to index
        %get3A_180 = arith.constant 1 : index
        %get3A_181 = arith.index_cast %scan3A_177 : i32 to index
        %get3A_182 = memref.load %arg7[%get3A_179, %get3A_180, %get3A_181] : memref<2x2x16xi32, #tpu.memory_space<smem>>
        %ge3A = vector.broadcast %get3A_182 : i32 to vector<256x1xi32>
        %ge3A_183 = arith.cmpi sge, %add3A_149, %ge3A : vector<256x1xi32>
        %jit3A_184 = arith.constant 1 : i32
        %jit3A_185 = arith.constant 0 : i32
        %broadcast_in_dim3A_186 = vector.broadcast %jit3A_184 : i32 to vector<256x1xi32>
        %broadcast_in_dim3A_187 = vector.broadcast %jit3A_185 : i32 to vector<256x1xi32>
        %select_n3A_188 = arith.select %ge3A_183, %broadcast_in_dim3A_186, %broadcast_in_dim3A_187 : vector<256x1xi1>, vector<256x1xi32>
        %add3A_189 = arith.addi %scan3A_178, %select_n3A_188 : vector<256x1xi32>
        scf.yield %add3A_189 : vector<256x1xi32>
      }
      %scan3A_157 = arith.constant 7 : i32
      %eq3A_158 = vector.broadcast %scan3A_156 : vector<256x1xi32> to vector<256x8xi32>
      %eq3A_159 = vector.broadcast %iota3A_69 : vector<1x8xi32> to vector<256x8xi32>
      %eq3A_160 = arith.cmpi eq, %eq3A_158, %eq3A_159 : vector<256x8xi32>
      %convert_element_type3A_161 = arith.extui %eq3A_160 : vector<256x8xi1> to vector<256x8xi32>
      %convert_element_type3A_162 = arith.sitofp %convert_element_type3A_161 : vector<256x8xi32> to vector<256x8xf32>
      %convert_element_type3A_163 = arith.truncf %convert_element_type3A_162 : vector<256x8xf32> to vector<256x8xbf16>
      %concatenate3A_164 = tpu.concatenate %get3A_140, %convert_element_type3A_163 in 1 : vector<256x64xbf16>, vector<256x8xbf16> -> vector<256x72xbf16>
      %dot_general3A_165 = arith.constant dense<0.000000e+00> : vector<256x256xf32>
      %dot_general3A_166 = tpu.matmul %concatenate3A, %concatenate3A_164, %dot_general3A_165 {dimension_numbers = #tpu.dot_dimension_numbers<[1], [1], [0], [0], [0, 0, 1, 0], [], []>, transpose_lhs_hint = false} : vector<256x72xbf16>, vector<256x72xbf16>, vector<256x256xf32> -> vector<256x256xf32>
      %sub3A_167 = arith.constant 1.024000e+03 : f32
      %sub3A_168 = vector.broadcast %sub3A_167 : f32 to vector<256x256xf32>
      %sub3A_169 = arith.subf %dot_general3A_166, %sub3A_168 : vector<256x256xf32>
      %exp3A = math.exp %sub3A_169 : vector<256x256xf32>
      %reduce_sum3A = arith.constant dense<0.000000e+00> : vector<256xf32>
      %reduce_sum3A_170 = vector.multi_reduction <add>, %exp3A, %reduce_sum3A [1] : vector<256x256xf32> to vector<256xf32>
      %broadcast_in_dim3A_171 = vector.shape_cast %reduce_sum3A_170 : vector<256xf32> to vector<256x1xf32>
      %add3A_172 = arith.addf %while3A_132, %broadcast_in_dim3A_171 : vector<256x1xf32>
      %convert_element_type3A_173 = arith.truncf %exp3A : vector<256x256xf32> to vector<256x256xbf16>
      %dot_general3A_174 = arith.constant dense<0.000000e+00> : vector<256x64xf32>
      %dot_general3A_175 = tpu.matmul %convert_element_type3A_173, %get3A_146, %dot_general3A_174 {dimension_numbers = #tpu.dot_dimension_numbers<[1], [0], [0], [1], [0, 0, 1, 1], [], []>, transpose_lhs_hint = false} : vector<256x256xbf16>, vector<256x64xbf16>, vector<256x64xf32> -> vector<256x64xf32>
      %add3A_176 = arith.addf %while3A_131, %dot_general3A_175 : vector<256x64xf32>
      scf.yield %add3A_176, %add3A_172 : vector<256x64xf32>, vector<256x1xf32>
    }
    %gt3A = arith.constant 0.000000e+00 : f32
    %gt3A_105 = vector.broadcast %gt3A : f32 to vector<256x1xf32>
    %gt3A_106 = arith.cmpf ogt, %while3A_104#1, %gt3A_105 : vector<256x1xf32>
    %div3A_107 = arith.constant 1.000000e+00 : f32
    %div3A_108 = vector.broadcast %div3A_107 : f32 to vector<256x1xf32>
    %div3A_109 = arith.divf %div3A_108, %while3A_104#1 : vector<256x1xf32>
    %jit3A_110 = arith.constant 0.000000e+00 : f32
    %broadcast_in_dim3A_111 = vector.broadcast %jit3A_110 : f32 to vector<256x1xf32>
    %select_n3A_112 = arith.select %gt3A_106, %div3A_109, %broadcast_in_dim3A_111 : vector<256x1xi1>, vector<256x1xf32>
    %mul3A_113 = vector.broadcast %select_n3A_112 : vector<256x1xf32> to vector<256x64xf32>
    %mul3A_114 = arith.mulf %while3A_104#0, %mul3A_113 : vector<256x64xf32>
    %convert_element_type3A_115 = arith.truncf %mul3A_114 : vector<256x64xf32> to vector<256x64xbf16>
    %get3A_116 = arith.constant 0 : index
    %get3A_117 = arith.constant 0 : index
    %get3A_118 = vector.load %arg8[%get3A_116, %get3A_117] : memref<64x768xbf16, #tpu.memory_space<vmem>>, vector<64x768xbf16>
    %dot_general3A_119 = arith.constant dense<0.000000e+00> : vector<256x768xf32>
    %dot_general3A_120 = tpu.matmul %convert_element_type3A_115, %get3A_118, %dot_general3A_119 {dimension_numbers = #tpu.dot_dimension_numbers<[1], [0], [0], [1], [0, 0, 1, 1], [], []>, transpose_lhs_hint = false} : vector<256x64xbf16>, vector<64x768xbf16>, vector<256x768xf32> -> vector<256x768xf32>
    %eq3A_121 = arith.constant 0 : i32
    %eq3A_122 = arith.cmpi eq, %arg2, %eq3A_121 : i32
    %convert_element_type3A_123 = arith.extui %eq3A_122 : i1 to i32
    %cond3A = arith.constant 0 : i32
    %cond3A_124 = arith.cmpi ne, %convert_element_type3A_123, %cond3A : i32
    scf.if %cond3A_124 {
      %swap3A = arith.constant 0 : index
      %swap3A_130 = arith.constant 0 : index
      %swap3A_131 = arith.constant 0 : index
      %swap3A_132 = vector.load %arg9[%swap3A, %swap3A_130, %swap3A_131] : memref<1x256x768xf32, #tpu.memory_space<vmem>>, vector<1x256x768xf32>
      %swap3A_133 = vector.shape_cast %swap3A_132 : vector<1x256x768xf32> to vector<256x768xf32>
      %swap3A_134 = vector.shape_cast %dot_general3A_120 : vector<256x768xf32> to vector<1x256x768xf32>
      tpu.vector_store %arg9[%swap3A, %swap3A_130, %swap3A_131], %swap3A_134 {strides = array<i32>} : memref<1x256x768xf32, #tpu.memory_space<vmem>>, vector<1x256x768xf32>,
    } else {
    }
    %ne3A_125 = arith.constant 0 : i32
    %ne3A_126 = arith.cmpi ne, %arg2, %ne3A_125 : i32
    %convert_element_type3A_127 = arith.extui %ne3A_126 : i1 to i32
    %cond3A_128 = arith.constant 0 : i32
    %cond3A_129 = arith.cmpi ne, %convert_element_type3A_127, %cond3A_128 : i32
    scf.if %cond3A_129 {
      %get3A_130 = arith.constant 0 : index
      %get3A_131 = arith.constant 0 : index
      %get3A_132 = arith.constant 0 : index
      %get3A_133 = vector.load %arg9[%get3A_130, %get3A_131, %get3A_132] : memref<1x256x768xf32, #tpu.memory_space<vmem>>, vector<1x256x768xf32>
      %get3A_134 = vector.shape_cast %get3A_133 : vector<1x256x768xf32> to vector<256x768xf32>
      %add3A_135 = arith.addf %get3A_134, %dot_general3A_120 : vector<256x768xf32>
      %swap3A = arith.constant 0 : index
      %swap3A_136 = arith.constant 0 : index
      %swap3A_137 = arith.constant 0 : index
      %swap3A_138 = vector.load %arg9[%swap3A, %swap3A_136, %swap3A_137] : memref<1x256x768xf32, #tpu.memory_space<vmem>>, vector<1x256x768xf32>
      %swap3A_139 = vector.shape_cast %swap3A_138 : vector<1x256x768xf32> to vector<256x768xf32>
      %swap3A_140 = vector.shape_cast %add3A_135 : vector<256x768xf32> to vector<1x256x768xf32>
      tpu.vector_store %arg9[%swap3A, %swap3A_136, %swap3A_137], %swap3A_140 {strides = array<i32>} : memref<1x256x768xf32, #tpu.memory_space<vmem>>, vector<1x256x768xf32>,
    } else {
    }
    return
  }
  func.func @transform_0(%arg0: i32, %arg1: i32, %arg2: i32) -> (i32, i32, i32) {
    %c0_i32 = arith.constant 0 : i32
    %c0_i32_0 = arith.constant 0 : i32
    return %arg0, %arg1, %c0_i32 : i32, i32, i32
  }
  func.func @transform_1(%arg0: i32, %arg1: i32, %arg2: i32) -> (i32, i32, i32) {
    %c0_i32 = arith.constant 0 : i32
    %c0_i32_0 = arith.constant 0 : i32
    %c0_i32_1 = arith.constant 0 : i32
    return %arg2, %c0_i32, %c0_i32_0 : i32, i32, i32
  }
  func.func @transform_2(%arg0: i32, %arg1: i32, %arg2: i32) -> (i32, i32, i32, i32) {
    %c0_i32 = arith.constant 0 : i32
    %c0_i32_0 = arith.constant 0 : i32
    %c0_i32_1 = arith.constant 0 : i32
    %c0_i32_2 = arith.constant 0 : i32
    return %arg0, %c0_i32, %c0_i32_0, %c0_i32_1 : i32, i32, i32, i32
  }
  func.func @transform_3(%arg0: i32, %arg1: i32, %arg2: i32) -> (i32, i32, i32, i32) {
    %c0_i32 = arith.constant 0 : i32
    %c0_i32_0 = arith.constant 0 : i32
    %c0_i32_1 = arith.constant 0 : i32
    %c0_i32_2 = arith.constant 0 : i32
    return %arg0, %c0_i32, %c0_i32_0, %c0_i32_1 : i32, i32, i32, i32
  }
  func.func @transform_4(%arg0: i32, %arg1: i32, %arg2: i32) -> (i32, i32, i32) {
    %c0_i32 = arith.constant 0 : i32
    %c0_i32_0 = arith.constant 0 : i32
    %c0_i32_1 = arith.constant 0 : i32
    %c0_i32_2 = arith.constant 0 : i32
    return %c0_i32, %c0_i32_0, %c0_i32_1 : i32, i32, i32
  }
  func.func @transform_5(%arg0: i32, %arg1: i32, %arg2: i32) -> (i32, i32) {
    %c0_i32 = arith.constant 0 : i32
    %c0_i32_0 = arith.constant 0 : i32
    return %arg2, %c0_i32 : i32, i32
  }
  func.func @transform_6(%arg0: i32, %arg1: i32, %arg2: i32) -> (i32, i32, i32) {
    %c0_i32 = arith.constant 0 : i32
    %c0_i32_0 = arith.constant 0 : i32
    return %arg0, %arg1, %c0_i32 : i32, i32, i32
  }
}

module attributes {stable_mosaic.version = 14 : i64} {
  func.func @_proj_kernel(%arg0: i32, %arg1: i32, %arg2: memref<1x256x768xbf16, #tpu.memory_space<vmem>>, %arg3: memref<1x256x768xbf16, #tpu.memory_space<vmem>>, %arg4: memref<12x768x64xbf16, #tpu.memory_space<vmem>>, %arg5: memref<12x768x64xbf16, #tpu.memory_space<vmem>>, %arg6: memref<1x12x256x64xbf16, #tpu.memory_space<vmem>>, %arg7: memref<1x12x256x64xbf16, #tpu.memory_space<vmem>>) attributes {dimension_semantics = [#tpu.dimension_semantics<arbitrary>, #tpu.dimension_semantics<arbitrary>], iteration_bounds = array<i64: 2, 8>, scalar_prefetch = 0 : i64, scratch_operands = 0 : i64, tpu.core_type = #tpu.core_type<tc>, window_params = [{transform_indices = @transform_0, window_bounds = array<i64: 1, 256, 768>}, {transform_indices = @transform_1, window_bounds = array<i64: 1, 256, 768>}, {pipeline_mode = #tpu.pipeline_mode<synchronous>, transform_indices = @transform_2, window_bounds = array<i64: 12, 768, 64>}, {pipeline_mode = #tpu.pipeline_mode<synchronous>, transform_indices = @transform_3, window_bounds = array<i64: 12, 768, 64>}, {transform_indices = @transform_4, window_bounds = array<i64: 1, 12, 256, 64>}, {transform_indices = @transform_5, window_bounds = array<i64: 1, 12, 256, 64>}]} {
    %get3A = arith.constant 0 : index
    %get3A_0 = arith.constant 0 : index
    %get3A_1 = arith.constant 0 : index
    %get3A_2 = vector.load %arg2[%get3A, %get3A_0, %get3A_1] : memref<1x256x768xbf16, #tpu.memory_space<vmem>>, vector<1x256x768xbf16>
    %get3A_3 = vector.shape_cast %get3A_2 : vector<1x256x768xbf16> to vector<256x768xbf16>
    %get3A_4 = arith.constant 0 : index
    %get3A_5 = arith.constant 0 : index
    %get3A_6 = arith.constant 0 : index
    %get3A_7 = vector.load %arg3[%get3A_4, %get3A_5, %get3A_6] : memref<1x256x768xbf16, #tpu.memory_space<vmem>>, vector<1x256x768xbf16>
    %get3A_8 = vector.shape_cast %get3A_7 : vector<1x256x768xbf16> to vector<256x768xbf16>
    %get3A_9 = arith.constant 0 : index
    %get3A_10 = arith.constant 0 : index
    %get3A_11 = arith.constant 0 : index
    %get3A_12 = vector.load %arg4[%get3A_9, %get3A_10, %get3A_11] : memref<12x768x64xbf16, #tpu.memory_space<vmem>>, vector<1x768x64xbf16>
    %get3A_13 = vector.shape_cast %get3A_12 : vector<1x768x64xbf16> to vector<768x64xbf16>
    %dot_general3A = arith.constant dense<0.000000e+00> : vector<256x64xf32>
    %dot_general3A_14 = tpu.matmul %get3A_3, %get3A_13, %dot_general3A {dimension_numbers = #tpu.dot_dimension_numbers<[1], [0], [0], [1], [0, 0, 1, 1], [], []>, transpose_lhs_hint = false} : vector<256x768xbf16>, vector<768x64xbf16>, vector<256x64xf32> -> vector<256x64xf32>
    %convert_element_type3A = arith.truncf %dot_general3A_14 : vector<256x64xf32> to vector<256x64xbf16>
    %swap3A = arith.constant 0 : index
    %swap3A_15 = arith.constant 0 : index
    %swap3A_16 = arith.constant 0 : index
    %swap3A_17 = arith.constant 0 : index
    %swap3A_18 = vector.load %arg6[%swap3A, %swap3A_15, %swap3A_16, %swap3A_17] : memref<1x12x256x64xbf16, #tpu.memory_space<vmem>>, vector<1x1x256x64xbf16>
    %swap3A_19 = vector.shape_cast %swap3A_18 : vector<1x1x256x64xbf16> to vector<256x64xbf16>
    %swap3A_20 = vector.shape_cast %convert_element_type3A : vector<256x64xbf16> to vector<1x1x256x64xbf16>
    tpu.vector_store %arg6[%swap3A, %swap3A_15, %swap3A_16, %swap3A_17], %swap3A_20 {strides = array<i32>} : memref<1x12x256x64xbf16, #tpu.memory_space<vmem>>, vector<1x1x256x64xbf16>,
    %get3A_21 = arith.constant 0 : index
    %get3A_22 = arith.constant 0 : index
    %get3A_23 = arith.constant 0 : index
    %get3A_24 = vector.load %arg5[%get3A_21, %get3A_22, %get3A_23] : memref<12x768x64xbf16, #tpu.memory_space<vmem>>, vector<1x768x64xbf16>
    %get3A_25 = vector.shape_cast %get3A_24 : vector<1x768x64xbf16> to vector<768x64xbf16>
    %dot_general3A_26 = arith.constant dense<0.000000e+00> : vector<256x64xf32>
    %dot_general3A_27 = tpu.matmul %get3A_8, %get3A_25, %dot_general3A_26 {dimension_numbers = #tpu.dot_dimension_numbers<[1], [0], [0], [1], [0, 0, 1, 1], [], []>, transpose_lhs_hint = false} : vector<256x768xbf16>, vector<768x64xbf16>, vector<256x64xf32> -> vector<256x64xf32>
    %convert_element_type3A_28 = arith.truncf %dot_general3A_27 : vector<256x64xf32> to vector<256x64xbf16>
    %swap3A_29 = arith.constant 0 : index
    %swap3A_30 = arith.constant 0 : index
    %swap3A_31 = arith.constant 0 : index
    %swap3A_32 = arith.constant 0 : index
    %swap3A_33 = vector.load %arg7[%swap3A_29, %swap3A_30, %swap3A_31, %swap3A_32] : memref<1x12x256x64xbf16, #tpu.memory_space<vmem>>, vector<1x1x256x64xbf16>
    %swap3A_34 = vector.shape_cast %swap3A_33 : vector<1x1x256x64xbf16> to vector<256x64xbf16>
    %swap3A_35 = vector.shape_cast %convert_element_type3A_28 : vector<256x64xbf16> to vector<1x1x256x64xbf16>
    tpu.vector_store %arg7[%swap3A_29, %swap3A_30, %swap3A_31, %swap3A_32], %swap3A_35 {strides = array<i32>} : memref<1x12x256x64xbf16, #tpu.memory_space<vmem>>, vector<1x1x256x64xbf16>,
    %get3A_36 = arith.constant 1 : index
    %get3A_37 = arith.constant 0 : index
    %get3A_38 = arith.constant 0 : index
    %get3A_39 = vector.load %arg4[%get3A_36, %get3A_37, %get3A_38] : memref<12x768x64xbf16, #tpu.memory_space<vmem>>, vector<1x768x64xbf16>
    %get3A_40 = vector.shape_cast %get3A_39 : vector<1x768x64xbf16> to vector<768x64xbf16>
    %dot_general3A_41 = arith.constant dense<0.000000e+00> : vector<256x64xf32>
    %dot_general3A_42 = tpu.matmul %get3A_3, %get3A_40, %dot_general3A_41 {dimension_numbers = #tpu.dot_dimension_numbers<[1], [0], [0], [1], [0, 0, 1, 1], [], []>, transpose_lhs_hint = false} : vector<256x768xbf16>, vector<768x64xbf16>, vector<256x64xf32> -> vector<256x64xf32>
    %convert_element_type3A_43 = arith.truncf %dot_general3A_42 : vector<256x64xf32> to vector<256x64xbf16>
    %swap3A_44 = arith.constant 0 : index
    %swap3A_45 = arith.constant 1 : index
    %swap3A_46 = arith.constant 0 : index
    %swap3A_47 = arith.constant 0 : index
    %swap3A_48 = vector.load %arg6[%swap3A_44, %swap3A_45, %swap3A_46, %swap3A_47] : memref<1x12x256x64xbf16, #tpu.memory_space<vmem>>, vector<1x1x256x64xbf16>
    %swap3A_49 = vector.shape_cast %swap3A_48 : vector<1x1x256x64xbf16> to vector<256x64xbf16>
    %swap3A_50 = vector.shape_cast %convert_element_type3A_43 : vector<256x64xbf16> to vector<1x1x256x64xbf16>
    tpu.vector_store %arg6[%swap3A_44, %swap3A_45, %swap3A_46, %swap3A_47], %swap3A_50 {strides = array<i32>} : memref<1x12x256x64xbf16, #tpu.memory_space<vmem>>, vector<1x1x256x64xbf16>,
    %get3A_51 = arith.constant 1 : index
    %get3A_52 = arith.constant 0 : index
    %get3A_53 = arith.constant 0 : index
    %get3A_54 = vector.load %arg5[%get3A_51, %get3A_52, %get3A_53] : memref<12x768x64xbf16, #tpu.memory_space<vmem>>, vector<1x768x64xbf16>
    %get3A_55 = vector.shape_cast %get3A_54 : vector<1x768x64xbf16> to vector<768x64xbf16>
    %dot_general3A_56 = arith.constant dense<0.000000e+00> : vector<256x64xf32>
    %dot_general3A_57 = tpu.matmul %get3A_8, %get3A_55, %dot_general3A_56 {dimension_numbers = #tpu.dot_dimension_numbers<[1], [0], [0], [1], [0, 0, 1, 1], [], []>, transpose_lhs_hint = false} : vector<256x768xbf16>, vector<768x64xbf16>, vector<256x64xf32> -> vector<256x64xf32>
    %convert_element_type3A_58 = arith.truncf %dot_general3A_57 : vector<256x64xf32> to vector<256x64xbf16>
    %swap3A_59 = arith.constant 0 : index
    %swap3A_60 = arith.constant 1 : index
    %swap3A_61 = arith.constant 0 : index
    %swap3A_62 = arith.constant 0 : index
    %swap3A_63 = vector.load %arg7[%swap3A_59, %swap3A_60, %swap3A_61, %swap3A_62] : memref<1x12x256x64xbf16, #tpu.memory_space<vmem>>, vector<1x1x256x64xbf16>
    %swap3A_64 = vector.shape_cast %swap3A_63 : vector<1x1x256x64xbf16> to vector<256x64xbf16>
    %swap3A_65 = vector.shape_cast %convert_element_type3A_58 : vector<256x64xbf16> to vector<1x1x256x64xbf16>
    tpu.vector_store %arg7[%swap3A_59, %swap3A_60, %swap3A_61, %swap3A_62], %swap3A_65 {strides = array<i32>} : memref<1x12x256x64xbf16, #tpu.memory_space<vmem>>, vector<1x1x256x64xbf16>,
    %get3A_66 = arith.constant 2 : index
    %get3A_67 = arith.constant 0 : index
    %get3A_68 = arith.constant 0 : index
    %get3A_69 = vector.load %arg4[%get3A_66, %get3A_67, %get3A_68] : memref<12x768x64xbf16, #tpu.memory_space<vmem>>, vector<1x768x64xbf16>
    %get3A_70 = vector.shape_cast %get3A_69 : vector<1x768x64xbf16> to vector<768x64xbf16>
    %dot_general3A_71 = arith.constant dense<0.000000e+00> : vector<256x64xf32>
    %dot_general3A_72 = tpu.matmul %get3A_3, %get3A_70, %dot_general3A_71 {dimension_numbers = #tpu.dot_dimension_numbers<[1], [0], [0], [1], [0, 0, 1, 1], [], []>, transpose_lhs_hint = false} : vector<256x768xbf16>, vector<768x64xbf16>, vector<256x64xf32> -> vector<256x64xf32>
    %convert_element_type3A_73 = arith.truncf %dot_general3A_72 : vector<256x64xf32> to vector<256x64xbf16>
    %swap3A_74 = arith.constant 0 : index
    %swap3A_75 = arith.constant 2 : index
    %swap3A_76 = arith.constant 0 : index
    %swap3A_77 = arith.constant 0 : index
    %swap3A_78 = vector.load %arg6[%swap3A_74, %swap3A_75, %swap3A_76, %swap3A_77] : memref<1x12x256x64xbf16, #tpu.memory_space<vmem>>, vector<1x1x256x64xbf16>
    %swap3A_79 = vector.shape_cast %swap3A_78 : vector<1x1x256x64xbf16> to vector<256x64xbf16>
    %swap3A_80 = vector.shape_cast %convert_element_type3A_73 : vector<256x64xbf16> to vector<1x1x256x64xbf16>
    tpu.vector_store %arg6[%swap3A_74, %swap3A_75, %swap3A_76, %swap3A_77], %swap3A_80 {strides = array<i32>} : memref<1x12x256x64xbf16, #tpu.memory_space<vmem>>, vector<1x1x256x64xbf16>,
    %get3A_81 = arith.constant 2 : index
    %get3A_82 = arith.constant 0 : index
    %get3A_83 = arith.constant 0 : index
    %get3A_84 = vector.load %arg5[%get3A_81, %get3A_82, %get3A_83] : memref<12x768x64xbf16, #tpu.memory_space<vmem>>, vector<1x768x64xbf16>
    %get3A_85 = vector.shape_cast %get3A_84 : vector<1x768x64xbf16> to vector<768x64xbf16>
    %dot_general3A_86 = arith.constant dense<0.000000e+00> : vector<256x64xf32>
    %dot_general3A_87 = tpu.matmul %get3A_8, %get3A_85, %dot_general3A_86 {dimension_numbers = #tpu.dot_dimension_numbers<[1], [0], [0], [1], [0, 0, 1, 1], [], []>, transpose_lhs_hint = false} : vector<256x768xbf16>, vector<768x64xbf16>, vector<256x64xf32> -> vector<256x64xf32>
    %convert_element_type3A_88 = arith.truncf %dot_general3A_87 : vector<256x64xf32> to vector<256x64xbf16>
    %swap3A_89 = arith.constant 0 : index
    %swap3A_90 = arith.constant 2 : index
    %swap3A_91 = arith.constant 0 : index
    %swap3A_92 = arith.constant 0 : index
    %swap3A_93 = vector.load %arg7[%swap3A_89, %swap3A_90, %swap3A_91, %swap3A_92] : memref<1x12x256x64xbf16, #tpu.memory_space<vmem>>, vector<1x1x256x64xbf16>
    %swap3A_94 = vector.shape_cast %swap3A_93 : vector<1x1x256x64xbf16> to vector<256x64xbf16>
    %swap3A_95 = vector.shape_cast %convert_element_type3A_88 : vector<256x64xbf16> to vector<1x1x256x64xbf16>
    tpu.vector_store %arg7[%swap3A_89, %swap3A_90, %swap3A_91, %swap3A_92], %swap3A_95 {strides = array<i32>} : memref<1x12x256x64xbf16, #tpu.memory_space<vmem>>, vector<1x1x256x64xbf16>,
    %get3A_96 = arith.constant 3 : index
    %get3A_97 = arith.constant 0 : index
    %get3A_98 = arith.constant 0 : index
    %get3A_99 = vector.load %arg4[%get3A_96, %get3A_97, %get3A_98] : memref<12x768x64xbf16, #tpu.memory_space<vmem>>, vector<1x768x64xbf16>
    %get3A_100 = vector.shape_cast %get3A_99 : vector<1x768x64xbf16> to vector<768x64xbf16>
    %dot_general3A_101 = arith.constant dense<0.000000e+00> : vector<256x64xf32>
    %dot_general3A_102 = tpu.matmul %get3A_3, %get3A_100, %dot_general3A_101 {dimension_numbers = #tpu.dot_dimension_numbers<[1], [0], [0], [1], [0, 0, 1, 1], [], []>, transpose_lhs_hint = false} : vector<256x768xbf16>, vector<768x64xbf16>, vector<256x64xf32> -> vector<256x64xf32>
    %convert_element_type3A_103 = arith.truncf %dot_general3A_102 : vector<256x64xf32> to vector<256x64xbf16>
    %swap3A_104 = arith.constant 0 : index
    %swap3A_105 = arith.constant 3 : index
    %swap3A_106 = arith.constant 0 : index
    %swap3A_107 = arith.constant 0 : index
    %swap3A_108 = vector.load %arg6[%swap3A_104, %swap3A_105, %swap3A_106, %swap3A_107] : memref<1x12x256x64xbf16, #tpu.memory_space<vmem>>, vector<1x1x256x64xbf16>
    %swap3A_109 = vector.shape_cast %swap3A_108 : vector<1x1x256x64xbf16> to vector<256x64xbf16>
    %swap3A_110 = vector.shape_cast %convert_element_type3A_103 : vector<256x64xbf16> to vector<1x1x256x64xbf16>
    tpu.vector_store %arg6[%swap3A_104, %swap3A_105, %swap3A_106, %swap3A_107], %swap3A_110 {strides = array<i32>} : memref<1x12x256x64xbf16, #tpu.memory_space<vmem>>, vector<1x1x256x64xbf16>,
    %get3A_111 = arith.constant 3 : index
    %get3A_112 = arith.constant 0 : index
    %get3A_113 = arith.constant 0 : index
    %get3A_114 = vector.load %arg5[%get3A_111, %get3A_112, %get3A_113] : memref<12x768x64xbf16, #tpu.memory_space<vmem>>, vector<1x768x64xbf16>
    %get3A_115 = vector.shape_cast %get3A_114 : vector<1x768x64xbf16> to vector<768x64xbf16>
    %dot_general3A_116 = arith.constant dense<0.000000e+00> : vector<256x64xf32>
    %dot_general3A_117 = tpu.matmul %get3A_8, %get3A_115, %dot_general3A_116 {dimension_numbers = #tpu.dot_dimension_numbers<[1], [0], [0], [1], [0, 0, 1, 1], [], []>, transpose_lhs_hint = false} : vector<256x768xbf16>, vector<768x64xbf16>, vector<256x64xf32> -> vector<256x64xf32>
    %convert_element_type3A_118 = arith.truncf %dot_general3A_117 : vector<256x64xf32> to vector<256x64xbf16>
    %swap3A_119 = arith.constant 0 : index
    %swap3A_120 = arith.constant 3 : index
    %swap3A_121 = arith.constant 0 : index
    %swap3A_122 = arith.constant 0 : index
    %swap3A_123 = vector.load %arg7[%swap3A_119, %swap3A_120, %swap3A_121, %swap3A_122] : memref<1x12x256x64xbf16, #tpu.memory_space<vmem>>, vector<1x1x256x64xbf16>
    %swap3A_124 = vector.shape_cast %swap3A_123 : vector<1x1x256x64xbf16> to vector<256x64xbf16>
    %swap3A_125 = vector.shape_cast %convert_element_type3A_118 : vector<256x64xbf16> to vector<1x1x256x64xbf16>
    tpu.vector_store %arg7[%swap3A_119, %swap3A_120, %swap3A_121, %swap3A_122], %swap3A_125 {strides = array<i32>} : memref<1x12x256x64xbf16, #tpu.memory_space<vmem>>, vector<1x1x256x64xbf16>,
    %get3A_126 = arith.constant 4 : index
    %get3A_127 = arith.constant 0 : index
    %get3A_128 = arith.constant 0 : index
    %get3A_129 = vector.load %arg4[%get3A_126, %get3A_127, %get3A_128] : memref<12x768x64xbf16, #tpu.memory_space<vmem>>, vector<1x768x64xbf16>
    %get3A_130 = vector.shape_cast %get3A_129 : vector<1x768x64xbf16> to vector<768x64xbf16>
    %dot_general3A_131 = arith.constant dense<0.000000e+00> : vector<256x64xf32>
    %dot_general3A_132 = tpu.matmul %get3A_3, %get3A_130, %dot_general3A_131 {dimension_numbers = #tpu.dot_dimension_numbers<[1], [0], [0], [1], [0, 0, 1, 1], [], []>, transpose_lhs_hint = false} : vector<256x768xbf16>, vector<768x64xbf16>, vector<256x64xf32> -> vector<256x64xf32>
    %convert_element_type3A_133 = arith.truncf %dot_general3A_132 : vector<256x64xf32> to vector<256x64xbf16>
    %swap3A_134 = arith.constant 0 : index
    %swap3A_135 = arith.constant 4 : index
    %swap3A_136 = arith.constant 0 : index
    %swap3A_137 = arith.constant 0 : index
    %swap3A_138 = vector.load %arg6[%swap3A_134, %swap3A_135, %swap3A_136, %swap3A_137] : memref<1x12x256x64xbf16, #tpu.memory_space<vmem>>, vector<1x1x256x64xbf16>
    %swap3A_139 = vector.shape_cast %swap3A_138 : vector<1x1x256x64xbf16> to vector<256x64xbf16>
    %swap3A_140 = vector.shape_cast %convert_element_type3A_133 : vector<256x64xbf16> to vector<1x1x256x64xbf16>
    tpu.vector_store %arg6[%swap3A_134, %swap3A_135, %swap3A_136, %swap3A_137], %swap3A_140 {strides = array<i32>} : memref<1x12x256x64xbf16, #tpu.memory_space<vmem>>, vector<1x1x256x64xbf16>,
    %get3A_141 = arith.constant 4 : index
    %get3A_142 = arith.constant 0 : index
    %get3A_143 = arith.constant 0 : index
    %get3A_144 = vector.load %arg5[%get3A_141, %get3A_142, %get3A_143] : memref<12x768x64xbf16, #tpu.memory_space<vmem>>, vector<1x768x64xbf16>
    %get3A_145 = vector.shape_cast %get3A_144 : vector<1x768x64xbf16> to vector<768x64xbf16>
    %dot_general3A_146 = arith.constant dense<0.000000e+00> : vector<256x64xf32>
    %dot_general3A_147 = tpu.matmul %get3A_8, %get3A_145, %dot_general3A_146 {dimension_numbers = #tpu.dot_dimension_numbers<[1], [0], [0], [1], [0, 0, 1, 1], [], []>, transpose_lhs_hint = false} : vector<256x768xbf16>, vector<768x64xbf16>, vector<256x64xf32> -> vector<256x64xf32>
    %convert_element_type3A_148 = arith.truncf %dot_general3A_147 : vector<256x64xf32> to vector<256x64xbf16>
    %swap3A_149 = arith.constant 0 : index
    %swap3A_150 = arith.constant 4 : index
    %swap3A_151 = arith.constant 0 : index
    %swap3A_152 = arith.constant 0 : index
    %swap3A_153 = vector.load %arg7[%swap3A_149, %swap3A_150, %swap3A_151, %swap3A_152] : memref<1x12x256x64xbf16, #tpu.memory_space<vmem>>, vector<1x1x256x64xbf16>
    %swap3A_154 = vector.shape_cast %swap3A_153 : vector<1x1x256x64xbf16> to vector<256x64xbf16>
    %swap3A_155 = vector.shape_cast %convert_element_type3A_148 : vector<256x64xbf16> to vector<1x1x256x64xbf16>
    tpu.vector_store %arg7[%swap3A_149, %swap3A_150, %swap3A_151, %swap3A_152], %swap3A_155 {strides = array<i32>} : memref<1x12x256x64xbf16, #tpu.memory_space<vmem>>, vector<1x1x256x64xbf16>,
    %get3A_156 = arith.constant 5 : index
    %get3A_157 = arith.constant 0 : index
    %get3A_158 = arith.constant 0 : index
    %get3A_159 = vector.load %arg4[%get3A_156, %get3A_157, %get3A_158] : memref<12x768x64xbf16, #tpu.memory_space<vmem>>, vector<1x768x64xbf16>
    %get3A_160 = vector.shape_cast %get3A_159 : vector<1x768x64xbf16> to vector<768x64xbf16>
    %dot_general3A_161 = arith.constant dense<0.000000e+00> : vector<256x64xf32>
    %dot_general3A_162 = tpu.matmul %get3A_3, %get3A_160, %dot_general3A_161 {dimension_numbers = #tpu.dot_dimension_numbers<[1], [0], [0], [1], [0, 0, 1, 1], [], []>, transpose_lhs_hint = false} : vector<256x768xbf16>, vector<768x64xbf16>, vector<256x64xf32> -> vector<256x64xf32>
    %convert_element_type3A_163 = arith.truncf %dot_general3A_162 : vector<256x64xf32> to vector<256x64xbf16>
    %swap3A_164 = arith.constant 0 : index
    %swap3A_165 = arith.constant 5 : index
    %swap3A_166 = arith.constant 0 : index
    %swap3A_167 = arith.constant 0 : index
    %swap3A_168 = vector.load %arg6[%swap3A_164, %swap3A_165, %swap3A_166, %swap3A_167] : memref<1x12x256x64xbf16, #tpu.memory_space<vmem>>, vector<1x1x256x64xbf16>
    %swap3A_169 = vector.shape_cast %swap3A_168 : vector<1x1x256x64xbf16> to vector<256x64xbf16>
    %swap3A_170 = vector.shape_cast %convert_element_type3A_163 : vector<256x64xbf16> to vector<1x1x256x64xbf16>
    tpu.vector_store %arg6[%swap3A_164, %swap3A_165, %swap3A_166, %swap3A_167], %swap3A_170 {strides = array<i32>} : memref<1x12x256x64xbf16, #tpu.memory_space<vmem>>, vector<1x1x256x64xbf16>,
    %get3A_171 = arith.constant 5 : index
    %get3A_172 = arith.constant 0 : index
    %get3A_173 = arith.constant 0 : index
    %get3A_174 = vector.load %arg5[%get3A_171, %get3A_172, %get3A_173] : memref<12x768x64xbf16, #tpu.memory_space<vmem>>, vector<1x768x64xbf16>
    %get3A_175 = vector.shape_cast %get3A_174 : vector<1x768x64xbf16> to vector<768x64xbf16>
    %dot_general3A_176 = arith.constant dense<0.000000e+00> : vector<256x64xf32>
    %dot_general3A_177 = tpu.matmul %get3A_8, %get3A_175, %dot_general3A_176 {dimension_numbers = #tpu.dot_dimension_numbers<[1], [0], [0], [1], [0, 0, 1, 1], [], []>, transpose_lhs_hint = false} : vector<256x768xbf16>, vector<768x64xbf16>, vector<256x64xf32> -> vector<256x64xf32>
    %convert_element_type3A_178 = arith.truncf %dot_general3A_177 : vector<256x64xf32> to vector<256x64xbf16>
    %swap3A_179 = arith.constant 0 : index
    %swap3A_180 = arith.constant 5 : index
    %swap3A_181 = arith.constant 0 : index
    %swap3A_182 = arith.constant 0 : index
    %swap3A_183 = vector.load %arg7[%swap3A_179, %swap3A_180, %swap3A_181, %swap3A_182] : memref<1x12x256x64xbf16, #tpu.memory_space<vmem>>, vector<1x1x256x64xbf16>
    %swap3A_184 = vector.shape_cast %swap3A_183 : vector<1x1x256x64xbf16> to vector<256x64xbf16>
    %swap3A_185 = vector.shape_cast %convert_element_type3A_178 : vector<256x64xbf16> to vector<1x1x256x64xbf16>
    tpu.vector_store %arg7[%swap3A_179, %swap3A_180, %swap3A_181, %swap3A_182], %swap3A_185 {strides = array<i32>} : memref<1x12x256x64xbf16, #tpu.memory_space<vmem>>, vector<1x1x256x64xbf16>,
    %get3A_186 = arith.constant 6 : index
    %get3A_187 = arith.constant 0 : index
    %get3A_188 = arith.constant 0 : index
    %get3A_189 = vector.load %arg4[%get3A_186, %get3A_187, %get3A_188] : memref<12x768x64xbf16, #tpu.memory_space<vmem>>, vector<1x768x64xbf16>
    %get3A_190 = vector.shape_cast %get3A_189 : vector<1x768x64xbf16> to vector<768x64xbf16>
    %dot_general3A_191 = arith.constant dense<0.000000e+00> : vector<256x64xf32>
    %dot_general3A_192 = tpu.matmul %get3A_3, %get3A_190, %dot_general3A_191 {dimension_numbers = #tpu.dot_dimension_numbers<[1], [0], [0], [1], [0, 0, 1, 1], [], []>, transpose_lhs_hint = false} : vector<256x768xbf16>, vector<768x64xbf16>, vector<256x64xf32> -> vector<256x64xf32>
    %convert_element_type3A_193 = arith.truncf %dot_general3A_192 : vector<256x64xf32> to vector<256x64xbf16>
    %swap3A_194 = arith.constant 0 : index
    %swap3A_195 = arith.constant 6 : index
    %swap3A_196 = arith.constant 0 : index
    %swap3A_197 = arith.constant 0 : index
    %swap3A_198 = vector.load %arg6[%swap3A_194, %swap3A_195, %swap3A_196, %swap3A_197] : memref<1x12x256x64xbf16, #tpu.memory_space<vmem>>, vector<1x1x256x64xbf16>
    %swap3A_199 = vector.shape_cast %swap3A_198 : vector<1x1x256x64xbf16> to vector<256x64xbf16>
    %swap3A_200 = vector.shape_cast %convert_element_type3A_193 : vector<256x64xbf16> to vector<1x1x256x64xbf16>
    tpu.vector_store %arg6[%swap3A_194, %swap3A_195, %swap3A_196, %swap3A_197], %swap3A_200 {strides = array<i32>} : memref<1x12x256x64xbf16, #tpu.memory_space<vmem>>, vector<1x1x256x64xbf16>,
    %get3A_201 = arith.constant 6 : index
    %get3A_202 = arith.constant 0 : index
    %get3A_203 = arith.constant 0 : index
    %get3A_204 = vector.load %arg5[%get3A_201, %get3A_202, %get3A_203] : memref<12x768x64xbf16, #tpu.memory_space<vmem>>, vector<1x768x64xbf16>
    %get3A_205 = vector.shape_cast %get3A_204 : vector<1x768x64xbf16> to vector<768x64xbf16>
    %dot_general3A_206 = arith.constant dense<0.000000e+00> : vector<256x64xf32>
    %dot_general3A_207 = tpu.matmul %get3A_8, %get3A_205, %dot_general3A_206 {dimension_numbers = #tpu.dot_dimension_numbers<[1], [0], [0], [1], [0, 0, 1, 1], [], []>, transpose_lhs_hint = false} : vector<256x768xbf16>, vector<768x64xbf16>, vector<256x64xf32> -> vector<256x64xf32>
    %convert_element_type3A_208 = arith.truncf %dot_general3A_207 : vector<256x64xf32> to vector<256x64xbf16>
    %swap3A_209 = arith.constant 0 : index
    %swap3A_210 = arith.constant 6 : index
    %swap3A_211 = arith.constant 0 : index
    %swap3A_212 = arith.constant 0 : index
    %swap3A_213 = vector.load %arg7[%swap3A_209, %swap3A_210, %swap3A_211, %swap3A_212] : memref<1x12x256x64xbf16, #tpu.memory_space<vmem>>, vector<1x1x256x64xbf16>
    %swap3A_214 = vector.shape_cast %swap3A_213 : vector<1x1x256x64xbf16> to vector<256x64xbf16>
    %swap3A_215 = vector.shape_cast %convert_element_type3A_208 : vector<256x64xbf16> to vector<1x1x256x64xbf16>
    tpu.vector_store %arg7[%swap3A_209, %swap3A_210, %swap3A_211, %swap3A_212], %swap3A_215 {strides = array<i32>} : memref<1x12x256x64xbf16, #tpu.memory_space<vmem>>, vector<1x1x256x64xbf16>,
    %get3A_216 = arith.constant 7 : index
    %get3A_217 = arith.constant 0 : index
    %get3A_218 = arith.constant 0 : index
    %get3A_219 = vector.load %arg4[%get3A_216, %get3A_217, %get3A_218] : memref<12x768x64xbf16, #tpu.memory_space<vmem>>, vector<1x768x64xbf16>
    %get3A_220 = vector.shape_cast %get3A_219 : vector<1x768x64xbf16> to vector<768x64xbf16>
    %dot_general3A_221 = arith.constant dense<0.000000e+00> : vector<256x64xf32>
    %dot_general3A_222 = tpu.matmul %get3A_3, %get3A_220, %dot_general3A_221 {dimension_numbers = #tpu.dot_dimension_numbers<[1], [0], [0], [1], [0, 0, 1, 1], [], []>, transpose_lhs_hint = false} : vector<256x768xbf16>, vector<768x64xbf16>, vector<256x64xf32> -> vector<256x64xf32>
    %convert_element_type3A_223 = arith.truncf %dot_general3A_222 : vector<256x64xf32> to vector<256x64xbf16>
    %swap3A_224 = arith.constant 0 : index
    %swap3A_225 = arith.constant 7 : index
    %swap3A_226 = arith.constant 0 : index
    %swap3A_227 = arith.constant 0 : index
    %swap3A_228 = vector.load %arg6[%swap3A_224, %swap3A_225, %swap3A_226, %swap3A_227] : memref<1x12x256x64xbf16, #tpu.memory_space<vmem>>, vector<1x1x256x64xbf16>
    %swap3A_229 = vector.shape_cast %swap3A_228 : vector<1x1x256x64xbf16> to vector<256x64xbf16>
    %swap3A_230 = vector.shape_cast %convert_element_type3A_223 : vector<256x64xbf16> to vector<1x1x256x64xbf16>
    tpu.vector_store %arg6[%swap3A_224, %swap3A_225, %swap3A_226, %swap3A_227], %swap3A_230 {strides = array<i32>} : memref<1x12x256x64xbf16, #tpu.memory_space<vmem>>, vector<1x1x256x64xbf16>,
    %get3A_231 = arith.constant 7 : index
    %get3A_232 = arith.constant 0 : index
    %get3A_233 = arith.constant 0 : index
    %get3A_234 = vector.load %arg5[%get3A_231, %get3A_232, %get3A_233] : memref<12x768x64xbf16, #tpu.memory_space<vmem>>, vector<1x768x64xbf16>
    %get3A_235 = vector.shape_cast %get3A_234 : vector<1x768x64xbf16> to vector<768x64xbf16>
    %dot_general3A_236 = arith.constant dense<0.000000e+00> : vector<256x64xf32>
    %dot_general3A_237 = tpu.matmul %get3A_8, %get3A_235, %dot_general3A_236 {dimension_numbers = #tpu.dot_dimension_numbers<[1], [0], [0], [1], [0, 0, 1, 1], [], []>, transpose_lhs_hint = false} : vector<256x768xbf16>, vector<768x64xbf16>, vector<256x64xf32> -> vector<256x64xf32>
    %convert_element_type3A_238 = arith.truncf %dot_general3A_237 : vector<256x64xf32> to vector<256x64xbf16>
    %swap3A_239 = arith.constant 0 : index
    %swap3A_240 = arith.constant 7 : index
    %swap3A_241 = arith.constant 0 : index
    %swap3A_242 = arith.constant 0 : index
    %swap3A_243 = vector.load %arg7[%swap3A_239, %swap3A_240, %swap3A_241, %swap3A_242] : memref<1x12x256x64xbf16, #tpu.memory_space<vmem>>, vector<1x1x256x64xbf16>
    %swap3A_244 = vector.shape_cast %swap3A_243 : vector<1x1x256x64xbf16> to vector<256x64xbf16>
    %swap3A_245 = vector.shape_cast %convert_element_type3A_238 : vector<256x64xbf16> to vector<1x1x256x64xbf16>
    tpu.vector_store %arg7[%swap3A_239, %swap3A_240, %swap3A_241, %swap3A_242], %swap3A_245 {strides = array<i32>} : memref<1x12x256x64xbf16, #tpu.memory_space<vmem>>, vector<1x1x256x64xbf16>,
    %get3A_246 = arith.constant 8 : index
    %get3A_247 = arith.constant 0 : index
    %get3A_248 = arith.constant 0 : index
    %get3A_249 = vector.load %arg4[%get3A_246, %get3A_247, %get3A_248] : memref<12x768x64xbf16, #tpu.memory_space<vmem>>, vector<1x768x64xbf16>
    %get3A_250 = vector.shape_cast %get3A_249 : vector<1x768x64xbf16> to vector<768x64xbf16>
    %dot_general3A_251 = arith.constant dense<0.000000e+00> : vector<256x64xf32>
    %dot_general3A_252 = tpu.matmul %get3A_3, %get3A_250, %dot_general3A_251 {dimension_numbers = #tpu.dot_dimension_numbers<[1], [0], [0], [1], [0, 0, 1, 1], [], []>, transpose_lhs_hint = false} : vector<256x768xbf16>, vector<768x64xbf16>, vector<256x64xf32> -> vector<256x64xf32>
    %convert_element_type3A_253 = arith.truncf %dot_general3A_252 : vector<256x64xf32> to vector<256x64xbf16>
    %swap3A_254 = arith.constant 0 : index
    %swap3A_255 = arith.constant 8 : index
    %swap3A_256 = arith.constant 0 : index
    %swap3A_257 = arith.constant 0 : index
    %swap3A_258 = vector.load %arg6[%swap3A_254, %swap3A_255, %swap3A_256, %swap3A_257] : memref<1x12x256x64xbf16, #tpu.memory_space<vmem>>, vector<1x1x256x64xbf16>
    %swap3A_259 = vector.shape_cast %swap3A_258 : vector<1x1x256x64xbf16> to vector<256x64xbf16>
    %swap3A_260 = vector.shape_cast %convert_element_type3A_253 : vector<256x64xbf16> to vector<1x1x256x64xbf16>
    tpu.vector_store %arg6[%swap3A_254, %swap3A_255, %swap3A_256, %swap3A_257], %swap3A_260 {strides = array<i32>} : memref<1x12x256x64xbf16, #tpu.memory_space<vmem>>, vector<1x1x256x64xbf16>,
    %get3A_261 = arith.constant 8 : index
    %get3A_262 = arith.constant 0 : index
    %get3A_263 = arith.constant 0 : index
    %get3A_264 = vector.load %arg5[%get3A_261, %get3A_262, %get3A_263] : memref<12x768x64xbf16, #tpu.memory_space<vmem>>, vector<1x768x64xbf16>
    %get3A_265 = vector.shape_cast %get3A_264 : vector<1x768x64xbf16> to vector<768x64xbf16>
    %dot_general3A_266 = arith.constant dense<0.000000e+00> : vector<256x64xf32>
    %dot_general3A_267 = tpu.matmul %get3A_8, %get3A_265, %dot_general3A_266 {dimension_numbers = #tpu.dot_dimension_numbers<[1], [0], [0], [1], [0, 0, 1, 1], [], []>, transpose_lhs_hint = false} : vector<256x768xbf16>, vector<768x64xbf16>, vector<256x64xf32> -> vector<256x64xf32>
    %convert_element_type3A_268 = arith.truncf %dot_general3A_267 : vector<256x64xf32> to vector<256x64xbf16>
    %swap3A_269 = arith.constant 0 : index
    %swap3A_270 = arith.constant 8 : index
    %swap3A_271 = arith.constant 0 : index
    %swap3A_272 = arith.constant 0 : index
    %swap3A_273 = vector.load %arg7[%swap3A_269, %swap3A_270, %swap3A_271, %swap3A_272] : memref<1x12x256x64xbf16, #tpu.memory_space<vmem>>, vector<1x1x256x64xbf16>
    %swap3A_274 = vector.shape_cast %swap3A_273 : vector<1x1x256x64xbf16> to vector<256x64xbf16>
    %swap3A_275 = vector.shape_cast %convert_element_type3A_268 : vector<256x64xbf16> to vector<1x1x256x64xbf16>
    tpu.vector_store %arg7[%swap3A_269, %swap3A_270, %swap3A_271, %swap3A_272], %swap3A_275 {strides = array<i32>} : memref<1x12x256x64xbf16, #tpu.memory_space<vmem>>, vector<1x1x256x64xbf16>,
    %get3A_276 = arith.constant 9 : index
    %get3A_277 = arith.constant 0 : index
    %get3A_278 = arith.constant 0 : index
    %get3A_279 = vector.load %arg4[%get3A_276, %get3A_277, %get3A_278] : memref<12x768x64xbf16, #tpu.memory_space<vmem>>, vector<1x768x64xbf16>
    %get3A_280 = vector.shape_cast %get3A_279 : vector<1x768x64xbf16> to vector<768x64xbf16>
    %dot_general3A_281 = arith.constant dense<0.000000e+00> : vector<256x64xf32>
    %dot_general3A_282 = tpu.matmul %get3A_3, %get3A_280, %dot_general3A_281 {dimension_numbers = #tpu.dot_dimension_numbers<[1], [0], [0], [1], [0, 0, 1, 1], [], []>, transpose_lhs_hint = false} : vector<256x768xbf16>, vector<768x64xbf16>, vector<256x64xf32> -> vector<256x64xf32>
    %convert_element_type3A_283 = arith.truncf %dot_general3A_282 : vector<256x64xf32> to vector<256x64xbf16>
    %swap3A_284 = arith.constant 0 : index
    %swap3A_285 = arith.constant 9 : index
    %swap3A_286 = arith.constant 0 : index
    %swap3A_287 = arith.constant 0 : index
    %swap3A_288 = vector.load %arg6[%swap3A_284, %swap3A_285, %swap3A_286, %swap3A_287] : memref<1x12x256x64xbf16, #tpu.memory_space<vmem>>, vector<1x1x256x64xbf16>
    %swap3A_289 = vector.shape_cast %swap3A_288 : vector<1x1x256x64xbf16> to vector<256x64xbf16>
    %swap3A_290 = vector.shape_cast %convert_element_type3A_283 : vector<256x64xbf16> to vector<1x1x256x64xbf16>
    tpu.vector_store %arg6[%swap3A_284, %swap3A_285, %swap3A_286, %swap3A_287], %swap3A_290 {strides = array<i32>} : memref<1x12x256x64xbf16, #tpu.memory_space<vmem>>, vector<1x1x256x64xbf16>,
    %get3A_291 = arith.constant 9 : index
    %get3A_292 = arith.constant 0 : index
    %get3A_293 = arith.constant 0 : index
    %get3A_294 = vector.load %arg5[%get3A_291, %get3A_292, %get3A_293] : memref<12x768x64xbf16, #tpu.memory_space<vmem>>, vector<1x768x64xbf16>
    %get3A_295 = vector.shape_cast %get3A_294 : vector<1x768x64xbf16> to vector<768x64xbf16>
    %dot_general3A_296 = arith.constant dense<0.000000e+00> : vector<256x64xf32>
    %dot_general3A_297 = tpu.matmul %get3A_8, %get3A_295, %dot_general3A_296 {dimension_numbers = #tpu.dot_dimension_numbers<[1], [0], [0], [1], [0, 0, 1, 1], [], []>, transpose_lhs_hint = false} : vector<256x768xbf16>, vector<768x64xbf16>, vector<256x64xf32> -> vector<256x64xf32>
    %convert_element_type3A_298 = arith.truncf %dot_general3A_297 : vector<256x64xf32> to vector<256x64xbf16>
    %swap3A_299 = arith.constant 0 : index
    %swap3A_300 = arith.constant 9 : index
    %swap3A_301 = arith.constant 0 : index
    %swap3A_302 = arith.constant 0 : index
    %swap3A_303 = vector.load %arg7[%swap3A_299, %swap3A_300, %swap3A_301, %swap3A_302] : memref<1x12x256x64xbf16, #tpu.memory_space<vmem>>, vector<1x1x256x64xbf16>
    %swap3A_304 = vector.shape_cast %swap3A_303 : vector<1x1x256x64xbf16> to vector<256x64xbf16>
    %swap3A_305 = vector.shape_cast %convert_element_type3A_298 : vector<256x64xbf16> to vector<1x1x256x64xbf16>
    tpu.vector_store %arg7[%swap3A_299, %swap3A_300, %swap3A_301, %swap3A_302], %swap3A_305 {strides = array<i32>} : memref<1x12x256x64xbf16, #tpu.memory_space<vmem>>, vector<1x1x256x64xbf16>,
    %get3A_306 = arith.constant 10 : index
    %get3A_307 = arith.constant 0 : index
    %get3A_308 = arith.constant 0 : index
    %get3A_309 = vector.load %arg4[%get3A_306, %get3A_307, %get3A_308] : memref<12x768x64xbf16, #tpu.memory_space<vmem>>, vector<1x768x64xbf16>
    %get3A_310 = vector.shape_cast %get3A_309 : vector<1x768x64xbf16> to vector<768x64xbf16>
    %dot_general3A_311 = arith.constant dense<0.000000e+00> : vector<256x64xf32>
    %dot_general3A_312 = tpu.matmul %get3A_3, %get3A_310, %dot_general3A_311 {dimension_numbers = #tpu.dot_dimension_numbers<[1], [0], [0], [1], [0, 0, 1, 1], [], []>, transpose_lhs_hint = false} : vector<256x768xbf16>, vector<768x64xbf16>, vector<256x64xf32> -> vector<256x64xf32>
    %convert_element_type3A_313 = arith.truncf %dot_general3A_312 : vector<256x64xf32> to vector<256x64xbf16>
    %swap3A_314 = arith.constant 0 : index
    %swap3A_315 = arith.constant 10 : index
    %swap3A_316 = arith.constant 0 : index
    %swap3A_317 = arith.constant 0 : index
    %swap3A_318 = vector.load %arg6[%swap3A_314, %swap3A_315, %swap3A_316, %swap3A_317] : memref<1x12x256x64xbf16, #tpu.memory_space<vmem>>, vector<1x1x256x64xbf16>
    %swap3A_319 = vector.shape_cast %swap3A_318 : vector<1x1x256x64xbf16> to vector<256x64xbf16>
    %swap3A_320 = vector.shape_cast %convert_element_type3A_313 : vector<256x64xbf16> to vector<1x1x256x64xbf16>
    tpu.vector_store %arg6[%swap3A_314, %swap3A_315, %swap3A_316, %swap3A_317], %swap3A_320 {strides = array<i32>} : memref<1x12x256x64xbf16, #tpu.memory_space<vmem>>, vector<1x1x256x64xbf16>,
    %get3A_321 = arith.constant 10 : index
    %get3A_322 = arith.constant 0 : index
    %get3A_323 = arith.constant 0 : index
    %get3A_324 = vector.load %arg5[%get3A_321, %get3A_322, %get3A_323] : memref<12x768x64xbf16, #tpu.memory_space<vmem>>, vector<1x768x64xbf16>
    %get3A_325 = vector.shape_cast %get3A_324 : vector<1x768x64xbf16> to vector<768x64xbf16>
    %dot_general3A_326 = arith.constant dense<0.000000e+00> : vector<256x64xf32>
    %dot_general3A_327 = tpu.matmul %get3A_8, %get3A_325, %dot_general3A_326 {dimension_numbers = #tpu.dot_dimension_numbers<[1], [0], [0], [1], [0, 0, 1, 1], [], []>, transpose_lhs_hint = false} : vector<256x768xbf16>, vector<768x64xbf16>, vector<256x64xf32> -> vector<256x64xf32>
    %convert_element_type3A_328 = arith.truncf %dot_general3A_327 : vector<256x64xf32> to vector<256x64xbf16>
    %swap3A_329 = arith.constant 0 : index
    %swap3A_330 = arith.constant 10 : index
    %swap3A_331 = arith.constant 0 : index
    %swap3A_332 = arith.constant 0 : index
    %swap3A_333 = vector.load %arg7[%swap3A_329, %swap3A_330, %swap3A_331, %swap3A_332] : memref<1x12x256x64xbf16, #tpu.memory_space<vmem>>, vector<1x1x256x64xbf16>
    %swap3A_334 = vector.shape_cast %swap3A_333 : vector<1x1x256x64xbf16> to vector<256x64xbf16>
    %swap3A_335 = vector.shape_cast %convert_element_type3A_328 : vector<256x64xbf16> to vector<1x1x256x64xbf16>
    tpu.vector_store %arg7[%swap3A_329, %swap3A_330, %swap3A_331, %swap3A_332], %swap3A_335 {strides = array<i32>} : memref<1x12x256x64xbf16, #tpu.memory_space<vmem>>, vector<1x1x256x64xbf16>,
    %get3A_336 = arith.constant 11 : index
    %get3A_337 = arith.constant 0 : index
    %get3A_338 = arith.constant 0 : index
    %get3A_339 = vector.load %arg4[%get3A_336, %get3A_337, %get3A_338] : memref<12x768x64xbf16, #tpu.memory_space<vmem>>, vector<1x768x64xbf16>
    %get3A_340 = vector.shape_cast %get3A_339 : vector<1x768x64xbf16> to vector<768x64xbf16>
    %dot_general3A_341 = arith.constant dense<0.000000e+00> : vector<256x64xf32>
    %dot_general3A_342 = tpu.matmul %get3A_3, %get3A_340, %dot_general3A_341 {dimension_numbers = #tpu.dot_dimension_numbers<[1], [0], [0], [1], [0, 0, 1, 1], [], []>, transpose_lhs_hint = false} : vector<256x768xbf16>, vector<768x64xbf16>, vector<256x64xf32> -> vector<256x64xf32>
    %convert_element_type3A_343 = arith.truncf %dot_general3A_342 : vector<256x64xf32> to vector<256x64xbf16>
    %swap3A_344 = arith.constant 0 : index
    %swap3A_345 = arith.constant 11 : index
    %swap3A_346 = arith.constant 0 : index
    %swap3A_347 = arith.constant 0 : index
    %swap3A_348 = vector.load %arg6[%swap3A_344, %swap3A_345, %swap3A_346, %swap3A_347] : memref<1x12x256x64xbf16, #tpu.memory_space<vmem>>, vector<1x1x256x64xbf16>
    %swap3A_349 = vector.shape_cast %swap3A_348 : vector<1x1x256x64xbf16> to vector<256x64xbf16>
    %swap3A_350 = vector.shape_cast %convert_element_type3A_343 : vector<256x64xbf16> to vector<1x1x256x64xbf16>
    tpu.vector_store %arg6[%swap3A_344, %swap3A_345, %swap3A_346, %swap3A_347], %swap3A_350 {strides = array<i32>} : memref<1x12x256x64xbf16, #tpu.memory_space<vmem>>, vector<1x1x256x64xbf16>,
    %get3A_351 = arith.constant 11 : index
    %get3A_352 = arith.constant 0 : index
    %get3A_353 = arith.constant 0 : index
    %get3A_354 = vector.load %arg5[%get3A_351, %get3A_352, %get3A_353] : memref<12x768x64xbf16, #tpu.memory_space<vmem>>, vector<1x768x64xbf16>
    %get3A_355 = vector.shape_cast %get3A_354 : vector<1x768x64xbf16> to vector<768x64xbf16>
    %dot_general3A_356 = arith.constant dense<0.000000e+00> : vector<256x64xf32>
    %dot_general3A_357 = tpu.matmul %get3A_8, %get3A_355, %dot_general3A_356 {dimension_numbers = #tpu.dot_dimension_numbers<[1], [0], [0], [1], [0, 0, 1, 1], [], []>, transpose_lhs_hint = false} : vector<256x768xbf16>, vector<768x64xbf16>, vector<256x64xf32> -> vector<256x64xf32>
    %convert_element_type3A_358 = arith.truncf %dot_general3A_357 : vector<256x64xf32> to vector<256x64xbf16>
    %swap3A_359 = arith.constant 0 : index
    %swap3A_360 = arith.constant 11 : index
    %swap3A_361 = arith.constant 0 : index
    %swap3A_362 = arith.constant 0 : index
    %swap3A_363 = vector.load %arg7[%swap3A_359, %swap3A_360, %swap3A_361, %swap3A_362] : memref<1x12x256x64xbf16, #tpu.memory_space<vmem>>, vector<1x1x256x64xbf16>
    %swap3A_364 = vector.shape_cast %swap3A_363 : vector<1x1x256x64xbf16> to vector<256x64xbf16>
    %swap3A_365 = vector.shape_cast %convert_element_type3A_358 : vector<256x64xbf16> to vector<1x1x256x64xbf16>
    tpu.vector_store %arg7[%swap3A_359, %swap3A_360, %swap3A_361, %swap3A_362], %swap3A_365 {strides = array<i32>} : memref<1x12x256x64xbf16, #tpu.memory_space<vmem>>, vector<1x1x256x64xbf16>,
    return
  }
  func.func @transform_0(%arg0: i32, %arg1: i32) -> (i32, i32, i32) {
    %c0_i32 = arith.constant 0 : i32
    %c0_i32_0 = arith.constant 0 : i32
    return %arg0, %arg1, %c0_i32 : i32, i32, i32
  }
  func.func @transform_1(%arg0: i32, %arg1: i32) -> (i32, i32, i32) {
    %c0_i32 = arith.constant 0 : i32
    %c0_i32_0 = arith.constant 0 : i32
    return %arg0, %arg1, %c0_i32 : i32, i32, i32
  }
  func.func @transform_2(%arg0: i32, %arg1: i32) -> (i32, i32, i32) {
    %c0_i32 = arith.constant 0 : i32
    %c0_i32_0 = arith.constant 0 : i32
    %c0_i32_1 = arith.constant 0 : i32
    %c0_i32_2 = arith.constant 0 : i32
    return %c0_i32, %c0_i32_0, %c0_i32_1 : i32, i32, i32
  }
  func.func @transform_3(%arg0: i32, %arg1: i32) -> (i32, i32, i32) {
    %c0_i32 = arith.constant 0 : i32
    %c0_i32_0 = arith.constant 0 : i32
    %c0_i32_1 = arith.constant 0 : i32
    %c0_i32_2 = arith.constant 0 : i32
    return %c0_i32, %c0_i32_0, %c0_i32_1 : i32, i32, i32
  }
  func.func @transform_4(%arg0: i32, %arg1: i32) -> (i32, i32, i32, i32) {
    %c0_i32 = arith.constant 0 : i32
    %c0_i32_0 = arith.constant 0 : i32
    %c0_i32_1 = arith.constant 0 : i32
    return %arg0, %c0_i32, %arg1, %c0_i32_0 : i32, i32, i32, i32
  }
  func.func @transform_5(%arg0: i32, %arg1: i32) -> (i32, i32, i32, i32) {
    %c0_i32 = arith.constant 0 : i32
    %c0_i32_0 = arith.constant 0 : i32
    %c0_i32_1 = arith.constant 0 : i32
    return %arg0, %c0_i32, %arg1, %c0_i32_0 : i32, i32, i32, i32
  }
}

</mosaic_0001>

<sc_bundles>
// kernel: kernel.11.cloned.1.call-start
scs
__scs_entry_jumppad:
0x0: {  	(pc) =	sbr.rel $0x88, $3  }
0x1: {  	(tag) =	ssettag $0x0;
	lr =	simm.s32 $0x1  }
0x2: {  	[smem:$0x3F99] =	sst lr;
	_ =	strace $0xD0000000  }
0x3: {  	_ = 	snop  }
0x4: {  	_ = 	snop  }
0x5: {  	_ = 	snop  }
0x6: {  	_ = 	snop  }
0x7: {  	_ = 	snop  }
__scs_overlays_trampoline_lowered:
0x8: {  	[smem:$0x3FA8] =	sst s0  }
0x9: {  	[smem:$0x3FA9] =	sst s1  }
0xa: {  	[smem:$0x3FAA] =	sst s2  }
0xb: {  	[smem:$0x3FAB] =	sst s3  }
0xc: {  	[smem:$0x3FAC] =	sst s4  }
0xd: {  	[smem:$0x3FAD] =	sst s5  }
0xe: {  	[smem:$0x3FAE] =	sst s6  }
0xf: {  	[smem:$0x3FAF] =	sst s7  }
0x10: {  	[smem:$0x3FB0] =	sst s8  }
0x11: {  	[smem:$0x3FB1] =	sst s9;
	s0 =	simm.s32 @!p0 $0x0  }
0x12: {  	s1 =	sld [smem:$0x3F97];
	s0 =	simm.s32 @p0 $0x1  }
0x13: {  	[smem:$0x3FB2] =	sst s0;
	s0 =	simm.s32 @!p1 $0x0  }
0x14: {  	s2 =	sld [smem:$0x3F96];
	s0 =	simm.s32 @p1 $0x1  }
0x15: {  	[smem:$0x3FB3] =	sst s0;
	s0 =	simm.s32 @!p2 $0x0  }
0x16: {  	s3 =	sld [smem:$0x3FDB];
	s0 =	simm.s32 @p2 $0x1  }
0x17: {  	s4 =	simm.s32 $0x1BF5;
	[smem:$0x3FB5] =	sst s0  }
0x18: {  	s0 =	sld [smem:$0x3F98];
	_ =	swait.ge [sflag:s4], $0x0  }
0x19: {  	s7 =	sld [smem:$0x3F99]  }
0x1a: {  	s8 =	sadd.s32 $0xFFFFE003, lr  }
0x1b: {  	s9 =	sadd.s32 $0xFFFFFEF7, lr;
	s5 =	simm.s32 $0xFFFFFFFF;
	p2 =	slt.u32 s8, $0xFFFFF086  }
0x1c: {  	p1 =	slt.u32 s9, $0xF7A;
	s5 =	simm.s32 @!p2 $0x0  }
0x1d: {  	s5 =	simm.s32 @p1 $0x1;
	p0 =	seq.s32 s7, s2  }
0x1e: {  	s7 =	smul.u32 @!p0 $0xF7A, s2;
	p2 =	seq.s32 @!p0 s5, $0x0  }
0x1f: {  	s9 =	smul.u32 $0xF7A, s1;
	s8 =	simm.s32 @!p0 $0x1BF5;
	p2 =	por !p2, p0  }
0x20: {  	[sflag:s8] =	ssyncset.s32 @!p0 $0xFFFFF086;
	s6 =	sadd.s32 @!p0 s3, s7;
	s7 =	simm.s32 @!p0 $0x108  }
0x21: {  	s3 =	sadd.s32 s3, s9;
	s6 =	sadd.s32 @!p0 $0x88, s6;
	s7 =	simm.s32 @p2 $0x1082  }
0x22: {  	[simem:s7], [sflag:s8] =	dma.local @!p0 [hbm:s6], $0xF7A  }
0x23: {  	s9 =	sor.u32 $0xD0000000, s2;
	s6 =	simm.s32 $0x108;
	_ =	swait.ge @!p0 [sflag:s8], $0x0  }
0x24: {  	s3 =	sadd.s32 $0x88, s3;
	s6 =	simm.s32 @!p1 $0x1082;
	[sflag:s4] =	ssyncset.s32 $0xFFFFF086  }
0x25: {  	[simem:s6], [sflag:s4] =	dma.local [hbm:s3], $0xF7A  }
0x26: {  	[smem:$0x3F99] =	sst s1;
	(tag) =	ssettag s2;
	_ =	strace s9  }
0x27: {  	s1 =	sld [smem:$0x3FA9]  }
0x28: {  	s2 =	sld [smem:$0x3FAA]  }
0x29: {  	s4 =	sld [smem:$0x3FAC]  }
0x2a: {  	p0 =	seq.s32 s5, $0x0;
	s5 =	sld [smem:$0x3FAD]  }
0x2b: {  	s6 =	sld [smem:$0x3FAE]  }
0x2c: {  	s7 =	sld [smem:$0x3FAF]  }
0x2d: {  	s3 =	simm.s32 $0x108;
	s8 =	sld [smem:$0x3FB0]  }
0x2e: {  	s3 =	simm.s32 @!p0 $0x1082;
	s9 =	sld [smem:$0x3FB1]  }
0x2f: {  	lr =	sadd.s32 s0, s3;
	s0 =	sld [smem:$0x3FA8]  }
0x30: {  	s3 =	sld [smem:$0x3FAB]  }
0x31: {  	[smem:$0x3FB4] =	sst s10  }
0x32: {  	s10 =	sld [smem:$0x3FB2];
	_ =	sdelay $0x3  }
0x33: {  	p0 =	seq.s32 s10, $0x1;
	s10 =	sld [smem:$0x3FB4];
	_ =	sdelay $0x3  }
0x34: {  	[smem:$0x3FB4] =	sst s10  }
0x35: {  	s10 =	sld [smem:$0x3FB3];
	_ =	sdelay $0x3  }
0x36: {  	p1 =	seq.s32 s10, $0x1;
	s10 =	sld [smem:$0x3FB4];
	_ =	sdelay $0x3  }
0x37: {  	[smem:$0x3FB4] =	sst s10  }
0x38: {  	s10 =	sld [smem:$0x3FB5]  }
0x39: {  	_ = 	snop;
	(pc) =	sbr.ind lr, $3  }
0x3a: {  	_ = 	snop  }
0x3b: {  	_ = 	snop  }
0x3c: {  	p2 =	seq.s32 s10, $0x1;
	s10 =	sld [smem:$0x3FB4]  }
0x3d: {  	_ =	shalt  }
0x3e: {  	_ =	shalt  }
0x3f: {  	_ =	shalt  }
0x40: {  	_ =	shalt  }
0x41: {  	_ =	shalt  }
0x42: {  	_ =	shalt  }
0x43: {  	_ =	shalt  }
0x44: {  	_ =	shalt  }
0x45: {  	_ =	shalt  }
0x46: {  	_ =	shalt  }
0x47: {  	_ =	shalt  }
0x48: {  	_ =	shalt  }
0x49: {  	_ =	shalt  }
0x4a: {  	_ =	shalt  }
0x4b: {  	_ =	shalt  }
0x4c: {  	_ =	shalt  }
0x4d: {  	_ =	shalt  }
0x4e: {  	_ =	shalt  }
0x4f: {  	_ =	shalt  }
0x50: {  	_ =	shalt  }
0x51: {  	_ =	shalt  }
0x52: {  	_ =	shalt  }
0x53: {  	_ =	shalt  }
0x54: {  	_ =	shalt  }
0x55: {  	_ =	shalt  }
0x56: {  	_ =	shalt  }
0x57: {  	_ =	shalt  }
0x58: {  	_ =	shalt  }
0x59: {  	_ =	shalt  }
0x5a: {  	_ =	shalt  }
0x5b: {  	_ =	shalt  }
0x5c: {  	_ =	shalt  }
0x5d: {  	_ =	shalt  }
0x5e: {  	_ =	shalt  }
0x5f: {  	_ =	shalt  }
0x60: {  	_ =	shalt  }
0x61: {  	_ =	shalt  }
0x62: {  	_ =	shalt  }
0x63: {  	_ =	shalt  }
0x64: {  	_ =	shalt  }
0x65: {  	_ =	shalt  }
0x66: {  	_ =	shalt  }
0x67: {  	_ =	shalt  }
0x68: {  	_ =	shalt  }
0x69: {  	_ =	shalt  }
0x6a: {  	_ =	shalt  }
0x6b: {  	_ =	shalt  }
0x6c: {  	_ =	shalt  }
0x6d: {  	_ =	shalt  }
0x6e: {  	_ =	shalt  }
0x6f: {  	_ =	shalt  }
0x70: {  	_ =	shalt  }
0x71: {  	_ =	shalt  }
0x72: {  	_ =	shalt  }
0x73: {  	_ =	shalt  }
0x74: {  	_ =	shalt  }
0x75: {  	_ =	shalt  }
0x76: {  	_ =	shalt  }
0x77: {  	_ =	shalt  }
0x78: {  	_ =	shalt  }
0x79: {  	_ =	shalt  }
0x7a: {  	_ =	shalt  }
0x7b: {  	_ =	shalt  }
0x7c: {  	_ =	shalt  }
0x7d: {  	_ =	shalt  }
0x7e: {  	_ =	shalt  }
0x7f: {  	_ =	shalt  }
0x80: {  	_ =	shalt  }
0x81: {  	_ =	shalt  }
0x82: {  	_ =	shalt  }
0x83: {  	_ =	shalt  }
0x84: {  	_ =	shalt  }
0x85: {  	_ =	shalt  }
0x86: {  	_ =	shalt  }
0x87: {  	_ =	shalt  }
.Lfunc_end0:
.L_simem_size_0:
called_computation.1_lowered:
.L_overlay_start_0:
0x88: {  	s2 =	sld [smem:$0x3FD9]  }
0x89: {  	s3 =	sld [smem:$0x3FFE];
	_ =	sdelay $0x1  }
0x8a: {  	s1 =	srdreg.scid  }
0x8b: {  	s0 =	sand.u32 $0x1, s1  }
0x8c: {  	s17 =	sshll.u32 s0, $0xA;
	s2 =	sadd.s32 s3, s2  }
0x8d: {  	s2 =	sadd.s32 s2, s17  }
0x8e: {  	[smem:$0x3FC0] =	sst s2  }
0x8f: {  	_ = 	snop  }
0x90: {  	s2 =	sld [smem:$0x3FD0];
	(tm) =	ssettm $0x1  }
0x91: {  	s18 =	sld [smem:$0x3FFB];
	_ =	sdelay $0x3  }
0x92: {  	_ =	strace s18  }
0x93: {  	s3 =	sld [smem:$0x3FFC];
	_ =	sdelay $0x3  }
0x94: {  	_ =	strace s3  }
0x95: {  	s3 =	sld [smem:$0x3FFD];
	_ =	sdelay $0x3  }
0x96: {  	_ =	strace s3  }
0x97: {  	_ =	strace $0x8FFFFFFF  }
0x98: {  	s19 =	sld [smem:$0x3FDB];
	_ =	sdelay $0x1  }
0x99: {  	s4 =	simm.s32 $_scs_section_size  }
0x9a: {  	s5 =	simm.s32 $_size__tile_overlayer_lowered;
	s6 =	simm.s32 $_tile_overlayer_lowered  }
0x9b: {  	s22 =	simm.s32 $0x1BFF;
	s21 =	sshll.u32 s6, $0x1;
	s3 =	sadd.s32 s4, s19  }
0x9c: {  	s7 =	simm.s32 $0x0;
	s20 =	sshll.u32 s5, $0x1;
	s5 =	sadd.s32 s21, s3  }
0x9d: {  	[timem:s7], [sflag:s22] =	dma.local [hbm:s5], s20  }
0x9e: {  	_ =	swait.ge [sflag:s22], s20  }
0x9f: {  	s4 =	ssub.s32 $0x0, s20;
	[sflag:s22] =	ssyncset.done $0x0  }
0xa0: {  	[sflag:s22] =	ssyncadd.s32 s4;
	_ =	sdelay $0x1  }
0xa1: {  	s23 =	simm.s32 $0x1B8B  }
0xa2: {  	_ =	swait.ge [sflag:s23], $0x1  }
0xa3: {  	[sflag:s23] =	ssyncset.done $0x0  }
0xa4: {  	s25 =	simm.s32 $0x1B8E;
	s24 =	sld [smem:$0x3FFE];
	[sflag:s23] =	ssyncadd.s32 $0xFFFFFFFF  }
0xa5: {  	s26 =	simm.s32 $execute0_lowered;
	[smem:$0x3FD2] =	sst s25  }
0xa6: {  	s5 =	sshll.u32 s26, $0x1;
	_ =	strace $0x80000049;
	[dreg:$0x1] =	wrdreg $0xFFFFFFFF  }
0xa7: {  	s28 =	simm.s32 $_size_execute0_lowered;
	s3 =	sadd.s32 s3, s5;
	[dreg:$0x0] =	wrdreg $0x0  }
0xa8: {  	s5 =	sshll.u32 s28, $0x1;
	[dreg:$0x2] =	wrdreg s3  }
0xa9: {  	[dreg:$0x3] =	wrdreg s5  }
0xaa: {  	[dreg:$0x4] =	wrdreg $0xC0  }
0xab: {  	_ =	task [dreg:s7], $0x5FFFF  }
0xac: {  	[dreg:$0x1] =	wrdreg $0xFFFFFFFF  }
0xad: {  	[dreg:$0x0] =	wrdreg $0x60  }
0xae: {  	[dreg:$0x2] =	wrdreg s24  }
0xaf: {  	[dreg:$0x3] =	wrdreg s2  }
0xb0: {  	[dreg:$0x4] =	wrdreg $0x9  }
0xb1: {  	_ =	task.clear_ibuf [dreg:s7], $0x5FFFF;
	_ =	strace $0x90000049  }
0xb2: {  	s29 =	simm.s32 $0x9;
	_ =	strace $0x8000004B  }
0xb3: {  	_ =	swait.ge [sflag:s29], $0x1  }
0xb4: {  	[sflag:s29] =	ssyncadd.s32 $0xFFFFFFFF  }
0xb5: {  	_ =	strace $0x9000004B  }
0xb6: {  	_ =	sfence  }
0xb7: {  	s30 =	sld [smem:$0x0];
	_ =	sdelay $0x2  }
0xb8: {  	s31 =	sshll.u32 s1, $0xD;
	s1 =	sshrl.u32 s1, $0x2  }
0xb9: {  	s3 =	sand.u32 $0x4000, s31;
	s1 =	sadd.s32 s1, s30  }
0xba: {  	s0 =	sor.u32 s3, s0;
	s1 =	sshll.u32 s1, $0x11  }
0xbb: {  	s0 =	sor.u32 s1, s0  }
0xbc: {  	s0 =	sadd.s32 $0x8F2B, s0  }
0xbd: {  	[sflag:s0] =	ssyncadd.remote.s32 $0x1  }
0xbe: {  	_ =	sfence.sel $0xFFFF  }
0xbf: {  	[dreg:$0x0] =	wrdreg $0xFFFFFFFF;
	(pc) =	sbr.abs _section_cstart, $3  }
0xc0: {  	[dreg:$0x1] =	wrdreg $0xFFFFFFFF  }
0xc1: {  	_ =	task.clear_ibuf [dreg:s7], $0x2FFFF;
	_ =	strace $0x9FFFFFFF  }
0xc2: {  	(tm) =	ssettm $0x7FFFFFFF  }
0xc3: {  	_ =	shalt  }
tec
execute0_lowered:
.L_overlay_start_1:
0x0: {  	(tag) =	ssettag $0x1  }
0x1: {  	s1 =	srdreg.scid  }
0x2: {  	s0 =	stileid.u32;
	s4 =	sand.u32 $0x1, s1  }
0x3: {  	s2 =	sshll.u32 s0, $0x7;
	s1 =	sshll.u32 s4, $0xB  }
0x4: {  	s5 =	rddreg [dreg:$0x0];
	s3 =	sor.u32 s2, s1  }
0x5: {  	s2 =	rddreg [dreg:$0x1];
	s6 =	sshrl.u32 s3, $0x3;
	s3 =	simm.s32 $0x0  }
0x6: {  	s25 =	simm.s32 $0x900;
	[smem:$0x7FF] =	sst s3  }
0x7: {  	s26 =	simm.s32 $0x1100;
	_ =	strace $0x8000004A;
	[dreg:$0x5] =	wrdreg s25  }
0x8: {  	s0 =	simm.s32 $0x1900;
	[dreg:$0x6] =	wrdreg s26  }
0x9: {  	s8 =	simm.s32 $0x3100;
	[dreg:$0x7] =	wrdreg s0  }
0xa: {  	s9 =	simm.s32 $0x3900;
	[dreg:$0xa] =	wrdreg s8  }
0xb: {  	s10 =	simm.s32 $0x4100;
	[dreg:$0xb] =	wrdreg s9  }
0xc: {  	s11 =	simm.s32 $0x4900;
	[dreg:$0xc] =	wrdreg s10  }
0xd: {  	s12 =	simm.s32 $0x5100;
	[dreg:$0xd] =	wrdreg s11  }
0xe: {  	s13 =	simm.s32 $0x5900;
	[dreg:$0xe] =	wrdreg s12  }
0xf: {  	s14 =	simm.s32 $0x6100;
	[dreg:$0xf] =	wrdreg s13  }
0x10: {  	s15 =	simm.s32 $0x6900;
	[dreg:$0x10] =	wrdreg s14  }
0x11: {  	s16 =	simm.s32 $0x7100;
	s17 =	simm.s32 $0x7900;
	[dreg:$0x11] =	wrdreg s15  }
0x12: {  	s18 =	simm.s32 $0x8100;
	s19 =	simm.s32 $0x8900;
	[dreg:$0x12] =	wrdreg s16  }
0x13: {  	s20 =	simm.s32 $0x9100;
	s22 =	simm.s32 $0x9900;
	[dreg:$0x13] =	wrdreg s17  }
0x14: {  	s23 =	simm.s32 $0xA100;
	s24 =	simm.s32 $0xA900;
	[dreg:$0x14] =	wrdreg s18  }
0x15: {  	s28 =	simm.s32 $0x16100;
	s29 =	simm.s32 $0x16900;
	[dreg:$0x15] =	wrdreg s19  }
0x16: {  	s30 =	simm.s32 $0x17100;
	s4 =	ssub.s32 $0x2, s4;
	[dreg:$0x16] =	wrdreg s20  }
0x17: {  	s31 =	simm.s32 $0x17900;
	s21 =	sshrl.u32 s4, $0x1;
	[dreg:$0x17] =	wrdreg s22  }
0x18: {  	s7 =	smul.u32 $0x300, s6;
	s6 =	sadd.s32 s6, s5;
	[dreg:$0x18] =	wrdreg s23  }
0x19: {  	v0 =	vmov s1;
	s1 =	simm.s32 $0x1;
	s6 =	sadd.s32 $0x61C00, s6;
	[dreg:$0x19] =	wrdreg s24  }
0x1a: {  	s25 =	simm.s32 $0xB100;
	s8 =	simm.s32 $0xB900;
	s9 =	simm.s32 $0xC100  }
0x1b: {  	s26 =	simm.s32 $0xC900;
	s10 =	simm.s32 $0xD900;
	s11 =	simm.s32 $0xE100  }
0x1c: {  	s12 =	simm.s32 $0xE900;
	s13 =	simm.s32 $0xF100;
	s14 =	simm.s32 $0xF900  }
0x1d: {  	s15 =	simm.s32 $0x10100;
	s16 =	simm.s32 $0x10900;
	s17 =	simm.s32 $0x11100  }
0x1e: {  	s18 =	simm.s32 $0x11900;
	s19 =	simm.s32 $0x12100;
	[dreg:$0x3] =	wrdreg s6  }
0x1f: {  	s20 =	simm.s32 $0x12900;
	s22 =	simm.s32 $0x13900;
	[dreg:$0x1a] =	wrdreg s25  }
0x20: {  	s23 =	simm.s32 $0x14100;
	s24 =	simm.s32 $0x14900;
	[dreg:$0x1b] =	wrdreg s8  }
0x21: {  	s5 =	sadd.s32 s7, s5;
	s6 =	simm.s32 $0x2100;
	[dreg:$0x1c] =	wrdreg s9  }
0x22: {  	s7 =	simm.s32 $0x2900;
	s8 =	simm.s32 $0x100;
	[dreg:$0x1d] =	wrdreg s26  }
0x23: {  	s25 =	simm.s32 $0x15100;
	s26 =	simm.s32 $0x15900;
	[dreg:$0x8] =	wrdreg s6  }
0x24: {  	v3 =	vlaneseq.u32;
	s5 =	sadd.s32 $0x1C00, s5;
	[dreg:$0x9] =	wrdreg s7;
	s6 =	ssub.s32 s4, s21  }
0x25: {  	vm0 =	vmmov $0xffff;
	v2 =	vshrl.u32 v3, $0x3;
	s4 =	sadd.s32 $0x100, s2;
	s7 =	simm.s32 $0x2;
	s21 =	simm.s32 $0x13100  }
0x26: {  	v1 =	vand.u32 $0x7, v3;
	v3 =	vor.u32 $0x8, v3;
	v2 =	vmul.u32 $0x8, v2;
	[dreg:$0x4] =	wrdreg s5;
	s5 =	sadd.s32 $0x200, s2;
	s6 =	smax.u32 s6, $0x1  }
.LBB2_1:
0x27: {  	s0 =	rddreg [dreg:$0x3]  }
0x28: {  	[tilespmem:s3], [sflag:$0x2] =	stream.linear.gather [hbm4b:s0+s3], $0x80, $0x38;
	[tilespmem:$0x18100] =	vst v63  }
0x29: {  	_ =	swait.ge [sflag:s7], $0x80  }
0x2a: {  	[sflag:s7] =	ssyncset.done $0x0  }
0x2b: {  	[sflag:s7] =	ssyncadd.s32 $0xFFFFFF80  }
0x2c: {  	v4 =	vld [tilespmem:$0x0]  }
0x2d: {  	v5 =	vld [tilespmem:$0x10]  }
0x2e: {  	v6 =	vld [tilespmem:$0x20]  }
0x2f: {  	v7 =	vld [tilespmem:$0x30]  }
0x30: {  	v8 =	vld [tilespmem:$0x40]  }
0x31: {  	v9 =	vld [tilespmem:$0x50];
	v4 =	vadd.s32 v0, v4  }
0x32: {  	[tilespmem:$0x80] =	vst v4;
	v4 =	vadd.s32 v0, v5;
	v5 =	vld [tilespmem:$0x60]  }
0x33: {  	v63 =	vld [tilespmem:$0x70];
	[tilespmem:$0x90] =	vst v4;
	v4 =	vadd.s32 v0, v6  }
0x34: {  	[tilespmem:$0xA0] =	vst v4;
	v4 =	vadd.s32 v0, v7  }
0x35: {  	[tilespmem:$0xB0] =	vst v4;
	v4 =	vadd.s32 v0, v8  }
0x36: {  	[tilespmem:$0xC0] =	vst v4;
	v4 =	vadd.s32 v0, v9  }
0x37: {  	[tilespmem:$0xD0] =	vst v4;
	v4 =	vadd.s32 v0, v5  }
0x38: {  	[tilespmem:$0xE0] =	vst v4;
	v4 =	vadd.s32 v0, v63  }
0x39: {  	s9 =	rddreg [dreg:$0x4];
	[tilespmem:$0xF0] =	vst v4  }
0x3a: {  	[tilespmem:s8], [sflag:$0x2] =	stream.linear.gather [hbm4b:s9+s3], $0x18000, $0x38;
	[tilespmem:$0x18100] =	vst v63  }
0x3b: {  	_ =	swait.ge [sflag:s7], $0x18000  }
0x3c: {  	[sflag:s7] =	ssyncset.done $0x0  }
0x3d: {  	[sflag:s7] =	ssyncadd.s32 $0xFFFE8000  }
0x3e: {  	v4 =	vld [tilespmem:$0x80];
	_ =	sdelay $0x4  }
0x3f: {  	v5 =	vshrl.u32 v4, $0x3  }
0x40: {  	v5 =	vmul.u32 $0x30, v5  }
0x41: {  	v4 =	vand.u32 $0x7, v4  }
0x42: {  	v4 =	vor.u32 v4, v5  }
0x43: {  	v5 =	vperm.xlane v4, v1;
	_ =	sdelay $0x1  }
0x44: {  	v5 =	vadd.s32 v2, v5;
	_ =	sdelay $0x3  }
0x45: {  	v4 =	vperm.xlane v4, v3  }
0x46: {  	[hbm4b:s2+s3] =	stream.indirect_vreg.scatter [tilespmem:s8], [sflag:$0x1], $0x80, v5, vm0, $0xb8;
	[tilespmem:$0x18100] =	vst v63  }
0x47: {  	s0 =	rddreg [dreg:$0x5];
	v4 =	vadd.s32 v2, v4  }
0x48: {  	[hbm4b:s4+s3] =	stream.indirect_vreg.scatter [tilespmem:s0], [sflag:$0x1], $0x80, v5, vm0, $0xb8;
	[tilespmem:$0x18100] =	vst v63  }
0x49: {  	s9 =	rddreg [dreg:$0x6]  }
0x4a: {  	[hbm4b:s5+s3] =	stream.indirect_vreg.scatter [tilespmem:s9], [sflag:$0x1], $0x80, v5, vm0, $0xb8;
	[tilespmem:$0x18100] =	vst v63  }
0x4b: {  	s0 =	rddreg [dreg:$0x7]  }
0x4c: {  	[hbm4b:s2+s3] =	stream.indirect_vreg.scatter [tilespmem:s0], [sflag:$0x1], $0x80, v4, vm0, $0xb8;
	[tilespmem:$0x18100] =	vst v63  }
0x4d: {  	s9 =	rddreg [dreg:$0x8]  }
0x4e: {  	[hbm4b:s4+s3] =	stream.indirect_vreg.scatter [tilespmem:s9], [sflag:$0x1], $0x80, v4, vm0, $0xb8;
	[tilespmem:$0x18100] =	vst v63  }
0x4f: {  	s0 =	rddreg [dreg:$0x9]  }
0x50: {  	[hbm4b:s5+s3] =	stream.indirect_vreg.scatter [tilespmem:s0], [sflag:$0x1], $0x80, v4, vm0, $0xb8;
	[tilespmem:$0x18100] =	vst v63  }
0x51: {  	v4 =	vld [tilespmem:$0x90];
	_ =	sdelay $0x4  }
0x52: {  	v5 =	vshrl.u32 v4, $0x3  }
0x53: {  	v5 =	vmul.u32 $0x30, v5  }
0x54: {  	v4 =	vand.u32 $0x7, v4  }
0x55: {  	v4 =	vor.u32 v4, v5  }
0x56: {  	v5 =	vperm.xlane v4, v1;
	_ =	sdelay $0x1  }
0x57: {  	v5 =	vadd.s32 v2, v5;
	_ =	sdelay $0x3  }
0x58: {  	s0 =	rddreg [dreg:$0xa];
	v4 =	vperm.xlane v4, v3  }
0x59: {  	[hbm4b:s2+s3] =	stream.indirect_vreg.scatter [tilespmem:s0], [sflag:$0x1], $0x80, v5, vm0, $0xb8;
	[tilespmem:$0x18100] =	vst v63  }
0x5a: {  	s9 =	rddreg [dreg:$0xb];
	v4 =	vadd.s32 v2, v4  }
0x5b: {  	[hbm4b:s4+s3] =	stream.indirect_vreg.scatter [tilespmem:s9], [sflag:$0x1], $0x80, v5, vm0, $0xb8;
	[tilespmem:$0x18100] =	vst v63  }
0x5c: {  	s0 =	rddreg [dreg:$0xc]  }
0x5d: {  	[hbm4b:s5+s3] =	stream.indirect_vreg.scatter [tilespmem:s0], [sflag:$0x1], $0x80, v5, vm0, $0xb8;
	[tilespmem:$0x18100] =	vst v63  }
0x5e: {  	s9 =	rddreg [dreg:$0xd]  }
0x5f: {  	[hbm4b:s2+s3] =	stream.indirect_vreg.scatter [tilespmem:s9], [sflag:$0x1], $0x80, v4, vm0, $0xb8;
	[tilespmem:$0x18100] =	vst v63  }
0x60: {  	s0 =	rddreg [dreg:$0xe]  }
0x61: {  	[hbm4b:s4+s3] =	stream.indirect_vreg.scatter [tilespmem:s0], [sflag:$0x1], $0x80, v4, vm0, $0xb8;
	[tilespmem:$0x18100] =	vst v63  }
0x62: {  	s9 =	rddreg [dreg:$0xf]  }
0x63: {  	[hbm4b:s5+s3] =	stream.indirect_vreg.scatter [tilespmem:s9], [sflag:$0x1], $0x80, v4, vm0, $0xb8;
	[tilespmem:$0x18100] =	vst v63  }
0x64: {  	v4 =	vld [tilespmem:$0xA0];
	_ =	sdelay $0x4  }
0x65: {  	v5 =	vshrl.u32 v4, $0x3  }
0x66: {  	v5 =	vmul.u32 $0x30, v5  }
0x67: {  	v4 =	vand.u32 $0x7, v4  }
0x68: {  	v4 =	vor.u32 v4, v5  }
0x69: {  	v5 =	vperm.xlane v4, v1;
	_ =	sdelay $0x1  }
0x6a: {  	v5 =	vadd.s32 v2, v5;
	_ =	sdelay $0x3  }
0x6b: {  	s0 =	rddreg [dreg:$0x10];
	v4 =	vperm.xlane v4, v3  }
0x6c: {  	[hbm4b:s2+s3] =	stream.indirect_vreg.scatter [tilespmem:s0], [sflag:$0x1], $0x80, v5, vm0, $0xb8;
	[tilespmem:$0x18100] =	vst v63  }
0x6d: {  	s9 =	rddreg [dreg:$0x11];
	v4 =	vadd.s32 v2, v4  }
0x6e: {  	[hbm4b:s4+s3] =	stream.indirect_vreg.scatter [tilespmem:s9], [sflag:$0x1], $0x80, v5, vm0, $0xb8;
	[tilespmem:$0x18100] =	vst v63  }
0x6f: {  	s0 =	rddreg [dreg:$0x12]  }
0x70: {  	[hbm4b:s5+s3] =	stream.indirect_vreg.scatter [tilespmem:s0], [sflag:$0x1], $0x80, v5, vm0, $0xb8;
	[tilespmem:$0x18100] =	vst v63  }
0x71: {  	s9 =	rddreg [dreg:$0x13]  }
0x72: {  	[hbm4b:s2+s3] =	stream.indirect_vreg.scatter [tilespmem:s9], [sflag:$0x1], $0x80, v4, vm0, $0xb8;
	[tilespmem:$0x18100] =	vst v63  }
0x73: {  	s0 =	rddreg [dreg:$0x14]  }
0x74: {  	[hbm4b:s4+s3] =	stream.indirect_vreg.scatter [tilespmem:s0], [sflag:$0x1], $0x80, v4, vm0, $0xb8;
	[tilespmem:$0x18100] =	vst v63  }
0x75: {  	s9 =	rddreg [dreg:$0x15]  }
0x76: {  	[hbm4b:s5+s3] =	stream.indirect_vreg.scatter [tilespmem:s9], [sflag:$0x1], $0x80, v4, vm0, $0xb8;
	[tilespmem:$0x18100] =	vst v63  }
0x77: {  	v4 =	vld [tilespmem:$0xB0];
	_ =	sdelay $0x4  }
0x78: {  	v5 =	vshrl.u32 v4, $0x3  }
0x79: {  	v5 =	vmul.u32 $0x30, v5  }
0x7a: {  	v4 =	vand.u32 $0x7, v4  }
0x7b: {  	v4 =	vor.u32 v4, v5  }
0x7c: {  	v5 =	vperm.xlane v4, v1;
	_ =	sdelay $0x1  }
0x7d: {  	v5 =	vadd.s32 v2, v5;
	_ =	sdelay $0x3  }
0x7e: {  	s0 =	rddreg [dreg:$0x16];
	v4 =	vperm.xlane v4, v3  }
0x7f: {  	[hbm4b:s2+s3] =	stream.indirect_vreg.scatter [tilespmem:s0], [sflag:$0x1], $0x80, v5, vm0, $0xb8;
	[tilespmem:$0x18100] =	vst v63  }
0x80: {  	s9 =	rddreg [dreg:$0x17];
	v4 =	vadd.s32 v2, v4  }
0x81: {  	[hbm4b:s4+s3] =	stream.indirect_vreg.scatter [tilespmem:s9], [sflag:$0x1], $0x80, v5, vm0, $0xb8;
	[tilespmem:$0x18100] =	vst v63  }
0x82: {  	s0 =	rddreg [dreg:$0x18]  }
0x83: {  	[hbm4b:s5+s3] =	stream.indirect_vreg.scatter [tilespmem:s0], [sflag:$0x1], $0x80, v5, vm0, $0xb8;
	[tilespmem:$0x18100] =	vst v63  }
0x84: {  	s9 =	rddreg [dreg:$0x19]  }
0x85: {  	[hbm4b:s2+s3] =	stream.indirect_vreg.scatter [tilespmem:s9], [sflag:$0x1], $0x80, v4, vm0, $0xb8;
	[tilespmem:$0x18100] =	vst v63  }
0x86: {  	s0 =	rddreg [dreg:$0x1a]  }
0x87: {  	[hbm4b:s4+s3] =	stream.indirect_vreg.scatter [tilespmem:s0], [sflag:$0x1], $0x80, v4, vm0, $0xb8;
	[tilespmem:$0x18100] =	vst v63  }
0x88: {  	s9 =	rddreg [dreg:$0x1b]  }
0x89: {  	[hbm4b:s5+s3] =	stream.indirect_vreg.scatter [tilespmem:s9], [sflag:$0x1], $0x80, v4, vm0, $0xb8;
	[tilespmem:$0x18100] =	vst v63  }
0x8a: {  	v4 =	vld [tilespmem:$0xC0];
	_ =	sdelay $0x4  }
0x8b: {  	v5 =	vshrl.u32 v4, $0x3  }
0x8c: {  	v5 =	vmul.u32 $0x30, v5  }
0x8d: {  	v4 =	vand.u32 $0x7, v4  }
0x8e: {  	v4 =	vor.u32 v4, v5  }
0x8f: {  	v5 =	vperm.xlane v4, v1;
	_ =	sdelay $0x1  }
0x90: {  	v5 =	vadd.s32 v2, v5;
	_ =	sdelay $0x3  }
0x91: {  	s0 =	rddreg [dreg:$0x1c];
	v4 =	vperm.xlane v4, v3  }
0x92: {  	[hbm4b:s2+s3] =	stream.indirect_vreg.scatter [tilespmem:s0], [sflag:$0x1], $0x80, v5, vm0, $0xb8;
	[tilespmem:$0x18100] =	vst v63  }
0x93: {  	s9 =	rddreg [dreg:$0x1d];
	v4 =	vadd.s32 v2, v4  }
0x94: {  	[hbm4b:s4+s3] =	stream.indirect_vreg.scatter [tilespmem:s9], [sflag:$0x1], $0x80, v5, vm0, $0xb8;
	[tilespmem:$0x18100] =	vst v63  }
0x95: {  	s9 =	simm.s32 $0xD100  }
0x96: {  	[hbm4b:s5+s3] =	stream.indirect_vreg.scatter [tilespmem:s9], [sflag:$0x1], $0x80, v5, vm0, $0xb8;
	[tilespmem:$0x18100] =	vst v63  }
0x97: {  	_ = 	snop  }
0x98: {  	[hbm4b:s2+s3] =	stream.indirect_vreg.scatter [tilespmem:s10], [sflag:$0x1], $0x80, v4, vm0, $0xb8;
	[tilespmem:$0x18100] =	vst v63  }
0x99: {  	_ = 	snop  }
0x9a: {  	[hbm4b:s4+s3] =	stream.indirect_vreg.scatter [tilespmem:s11], [sflag:$0x1], $0x80, v4, vm0, $0xb8;
	[tilespmem:$0x18100] =	vst v63  }
0x9b: {  	_ = 	snop  }
0x9c: {  	[hbm4b:s5+s3] =	stream.indirect_vreg.scatter [tilespmem:s12], [sflag:$0x1], $0x80, v4, vm0, $0xb8;
	[tilespmem:$0x18100] =	vst v63  }
0x9d: {  	v4 =	vld [tilespmem:$0xD0];
	_ =	sdelay $0x4  }
0x9e: {  	v5 =	vshrl.u32 v4, $0x3  }
0x9f: {  	v5 =	vmul.u32 $0x30, v5  }
0xa0: {  	v4 =	vand.u32 $0x7, v4  }
0xa1: {  	v4 =	vor.u32 v4, v5  }
0xa2: {  	v5 =	vperm.xlane v4, v1;
	_ =	sdelay $0x1  }
0xa3: {  	v5 =	vadd.s32 v2, v5;
	_ =	sdelay $0x3  }
0xa4: {  	v4 =	vperm.xlane v4, v3  }
0xa5: {  	[hbm4b:s2+s3] =	stream.indirect_vreg.scatter [tilespmem:s13], [sflag:$0x1], $0x80, v5, vm0, $0xb8;
	[tilespmem:$0x18100] =	vst v63  }
0xa6: {  	v4 =	vadd.s32 v2, v4  }
0xa7: {  	[hbm4b:s4+s3] =	stream.indirect_vreg.scatter [tilespmem:s14], [sflag:$0x1], $0x80, v5, vm0, $0xb8;
	[tilespmem:$0x18100] =	vst v63  }
0xa8: {  	_ = 	snop  }
0xa9: {  	[hbm4b:s5+s3] =	stream.indirect_vreg.scatter [tilespmem:s15], [sflag:$0x1], $0x80, v5, vm0, $0xb8;
	[tilespmem:$0x18100] =	vst v63  }
0xaa: {  	_ = 	snop  }
0xab: {  	[hbm4b:s2+s3] =	stream.indirect_vreg.scatter [tilespmem:s16], [sflag:$0x1], $0x80, v4, vm0, $0xb8;
	[tilespmem:$0x18100] =	vst v63  }
0xac: {  	_ = 	snop  }
0xad: {  	[hbm4b:s4+s3] =	stream.indirect_vreg.scatter [tilespmem:s17], [sflag:$0x1], $0x80, v4, vm0, $0xb8;
	[tilespmem:$0x18100] =	vst v63  }
0xae: {  	_ = 	snop  }
0xaf: {  	[hbm4b:s5+s3] =	stream.indirect_vreg.scatter [tilespmem:s18], [sflag:$0x1], $0x80, v4, vm0, $0xb8;
	[tilespmem:$0x18100] =	vst v63  }
0xb0: {  	v4 =	vld [tilespmem:$0xE0];
	_ =	sdelay $0x4  }
0xb1: {  	v5 =	vshrl.u32 v4, $0x3  }
0xb2: {  	v5 =	vmul.u32 $0x30, v5  }
0xb3: {  	v4 =	vand.u32 $0x7, v4  }
0xb4: {  	v4 =	vor.u32 v4, v5  }
0xb5: {  	v5 =	vperm.xlane v4, v1;
	_ =	sdelay $0x1  }
0xb6: {  	v5 =	vadd.s32 v2, v5;
	_ =	sdelay $0x3  }
0xb7: {  	v4 =	vperm.xlane v4, v3  }
0xb8: {  	[hbm4b:s2+s3] =	stream.indirect_vreg.scatter [tilespmem:s19], [sflag:$0x1], $0x80, v5, vm0, $0xb8;
	[tilespmem:$0x18100] =	vst v63  }
0xb9: {  	v4 =	vadd.s32 v2, v4  }
0xba: {  	[hbm4b:s4+s3] =	stream.indirect_vreg.scatter [tilespmem:s20], [sflag:$0x1], $0x80, v5, vm0, $0xb8;
	[tilespmem:$0x18100] =	vst v63  }
0xbb: {  	_ = 	snop  }
0xbc: {  	[hbm4b:s5+s3] =	stream.indirect_vreg.scatter [tilespmem:s21], [sflag:$0x1], $0x80, v5, vm0, $0xb8;
	[tilespmem:$0x18100] =	vst v63  }
0xbd: {  	_ = 	snop  }
0xbe: {  	[hbm4b:s2+s3] =	stream.indirect_vreg.scatter [tilespmem:s22], [sflag:$0x1], $0x80, v4, vm0, $0xb8;
	[tilespmem:$0x18100] =	vst v63  }
0xbf: {  	_ = 	snop  }
0xc0: {  	[hbm4b:s4+s3] =	stream.indirect_vreg.scatter [tilespmem:s23], [sflag:$0x1], $0x80, v4, vm0, $0xb8;
	[tilespmem:$0x18100] =	vst v63  }
0xc1: {  	_ = 	snop  }
0xc2: {  	[hbm4b:s5+s3] =	stream.indirect_vreg.scatter [tilespmem:s24], [sflag:$0x1], $0x80, v4, vm0, $0xb8;
	[tilespmem:$0x18100] =	vst v63  }
0xc3: {  	v4 =	vld [tilespmem:$0xF0];
	_ =	sdelay $0x4  }
0xc4: {  	v5 =	vshrl.u32 v4, $0x3  }
0xc5: {  	v5 =	vmul.u32 $0x30, v5  }
0xc6: {  	v4 =	vand.u32 $0x7, v4  }
0xc7: {  	v4 =	vor.u32 v4, v5  }
0xc8: {  	v5 =	vperm.xlane v4, v1;
	_ =	sdelay $0x1  }
0xc9: {  	v5 =	vadd.s32 v2, v5;
	_ =	sdelay $0x3  }
0xca: {  	v4 =	vperm.xlane v4, v3  }
0xcb: {  	[hbm4b:s2+s3] =	stream.indirect_vreg.scatter [tilespmem:s25], [sflag:$0x1], $0x80, v5, vm0, $0xb8;
	[tilespmem:$0x18100] =	vst v63  }
0xcc: {  	v4 =	vadd.s32 v2, v4  }
0xcd: {  	[hbm4b:s4+s3] =	stream.indirect_vreg.scatter [tilespmem:s26], [sflag:$0x1], $0x80, v5, vm0, $0xb8;
	[tilespmem:$0x18100] =	vst v63  }
0xce: {  	_ = 	snop  }
0xcf: {  	[hbm4b:s5+s3] =	stream.indirect_vreg.scatter [tilespmem:s28], [sflag:$0x1], $0x80, v5, vm0, $0xb8;
	[tilespmem:$0x18100] =	vst v63  }
0xd0: {  	_ = 	snop  }
0xd1: {  	[hbm4b:s2+s3] =	stream.indirect_vreg.scatter [tilespmem:s29], [sflag:$0x1], $0x80, v4, vm0, $0xb8;
	[tilespmem:$0x18100] =	vst v63  }
0xd2: {  	p0 =	sne.s32 s6, $0x1  }
0xd3: {  	[hbm4b:s4+s3] =	stream.indirect_vreg.scatter [tilespmem:s30], [sflag:$0x1], $0x80, v4, vm0, $0xb8;
	[tilespmem:$0x18100] =	vst v63  }
.Ltmp0:
0xd4: {  	_ = 	snop;
	(pc) =	sbr.rel @p0 .LBB2_1-.Ltmp0, $4  }
0xd5: {  	[hbm4b:s5+s3] =	stream.indirect_vreg.scatter [tilespmem:s31], [sflag:$0x1], $0x80, v4, vm0, $0xb8;
	[tilespmem:$0x18100] =	vst v63  }
0xd6: {  	_ =	swait.ge [sflag:s1], $0x18000  }
0xd7: {  	[sflag:s1] =	ssyncset.done $0x0  }
0xd8: {  	s6 =	sadd.s32 $0xFFFFFFFF, s6;
	[sflag:s1] =	ssyncadd.s32 $0xFFFE8000  }
0xd9: {  	_ =	sfence.sel $0x180000  }
0xda: {  	[bflag:$0x0] =	sbarrier.arrive $0xFFFF  }
0xdb: {  	_ =	strace $0x9000004A  }
0xdc: {  	s0 =	stileid.u32;
	[bflag:$0x2] =	sbarrier.arrive $0xFFFF  }
0xdd: {  	p0 =	sne.s32 s0, $0x0;
	s0 =	rddreg [dreg:$0x2]  }
0xde: {  	s0 =	sadd.s32 @!p0 $0x100000, s0  }
0xdf: {  	[sflag:s0] =	ssyncadd.tile.s32 @!p0 $0x1;
	_ =	shalt  }
.Lfunc_end2:
_tile_overlayer_lowered:
.L_overlay_start_2:
0xe0: {  	(tag) =	ssettag $0x2  }
0xe1: {  	s0 =	rddreg [dreg:$0x0];
	s2 =	stileid.u32  }
0xe2: {  	s1 =	rddreg [dreg:$0x1];
	p0 =	sne.s32 s2, $0x0  }
0xe3: {  	s3 =	rddreg [dreg:$0x2];
	[bflag:$0x3] =	sbarrier.arrive $0xFFFF;
	s2 =	simm.s32 @!p0 $0x1C02  }
0xe4: {  	[timem:s3], [sflag:s2] =	dma.local @!p0 [hbm:s0], s1  }
0xe5: {  	s0 =	simm.s32 @!p0 $0x2  }
0xe6: {  	_ =	swait.ge @!p0 [sflag:s0], s1  }
0xe7: {  	s1 =	ssub.s32 @!p0 $0x0, s1;
	[sflag:s0] =	ssyncset.done @!p0 $0x0  }
0xe8: {  	[sflag:s0] =	ssyncadd.s32 @!p0 s1  }
0xe9: {  	[bflag:$0x3] =	sbarrier.arrive $0xFFFF  }
0xea: {  	_ =	shalt  }

// kernel: kernel.8.cloned.1.call-start
scs
__scs_entry_jumppad:
0x0: {  	(pc) =	sbr.rel $0x88, $3  }
0x1: {  	(tag) =	ssettag $0x0;
	lr =	simm.s32 $0x1  }
0x2: {  	[smem:$0x3F99] =	sst lr;
	_ =	strace $0xD0000000  }
0x3: {  	_ = 	snop  }
0x4: {  	_ = 	snop  }
0x5: {  	_ = 	snop  }
0x6: {  	_ = 	snop  }
0x7: {  	_ = 	snop  }
__scs_overlays_trampoline_lowered:
0x8: {  	[smem:$0x3FA8] =	sst s0  }
0x9: {  	[smem:$0x3FA9] =	sst s1  }
0xa: {  	[smem:$0x3FAA] =	sst s2  }
0xb: {  	[smem:$0x3FAB] =	sst s3  }
0xc: {  	[smem:$0x3FAC] =	sst s4  }
0xd: {  	[smem:$0x3FAD] =	sst s5  }
0xe: {  	[smem:$0x3FAE] =	sst s6  }
0xf: {  	[smem:$0x3FAF] =	sst s7  }
0x10: {  	[smem:$0x3FB0] =	sst s8  }
0x11: {  	[smem:$0x3FB1] =	sst s9;
	s0 =	simm.s32 @!p0 $0x0  }
0x12: {  	s1 =	sld [smem:$0x3F97];
	s0 =	simm.s32 @p0 $0x1  }
0x13: {  	[smem:$0x3FB2] =	sst s0;
	s0 =	simm.s32 @!p1 $0x0  }
0x14: {  	s2 =	sld [smem:$0x3F96];
	s0 =	simm.s32 @p1 $0x1  }
0x15: {  	[smem:$0x3FB3] =	sst s0;
	s0 =	simm.s32 @!p2 $0x0  }
0x16: {  	s3 =	sld [smem:$0x3FDB];
	s0 =	simm.s32 @p2 $0x1  }
0x17: {  	s4 =	simm.s32 $0x1BF5;
	[smem:$0x3FB5] =	sst s0  }
0x18: {  	s0 =	sld [smem:$0x3F98];
	_ =	swait.ge [sflag:s4], $0x0  }
0x19: {  	s7 =	sld [smem:$0x3F99]  }
0x1a: {  	s8 =	sadd.s32 $0xFFFFE003, lr  }
0x1b: {  	s9 =	sadd.s32 $0xFFFFFEF7, lr;
	s5 =	simm.s32 $0xFFFFFFFF;
	p2 =	slt.u32 s8, $0xFFFFF086  }
0x1c: {  	p1 =	slt.u32 s9, $0xF7A;
	s5 =	simm.s32 @!p2 $0x0  }
0x1d: {  	s5 =	simm.s32 @p1 $0x1;
	p0 =	seq.s32 s7, s2  }
0x1e: {  	s7 =	smul.u32 @!p0 $0xF7A, s2;
	p2 =	seq.s32 @!p0 s5, $0x0  }
0x1f: {  	s9 =	smul.u32 $0xF7A, s1;
	s8 =	simm.s32 @!p0 $0x1BF5;
	p2 =	por !p2, p0  }
0x20: {  	[sflag:s8] =	ssyncset.s32 @!p0 $0xFFFFF086;
	s6 =	sadd.s32 @!p0 s3, s7;
	s7 =	simm.s32 @!p0 $0x108  }
0x21: {  	s3 =	sadd.s32 s3, s9;
	s6 =	sadd.s32 @!p0 $0x88, s6;
	s7 =	simm.s32 @p2 $0x1082  }
0x22: {  	[simem:s7], [sflag:s8] =	dma.local @!p0 [hbm:s6], $0xF7A  }
0x23: {  	s9 =	sor.u32 $0xD0000000, s2;
	s6 =	simm.s32 $0x108;
	_ =	swait.ge @!p0 [sflag:s8], $0x0  }
0x24: {  	s3 =	sadd.s32 $0x88, s3;
	s6 =	simm.s32 @!p1 $0x1082;
	[sflag:s4] =	ssyncset.s32 $0xFFFFF086  }
0x25: {  	[simem:s6], [sflag:s4] =	dma.local [hbm:s3], $0xF7A  }
0x26: {  	[smem:$0x3F99] =	sst s1;
	(tag) =	ssettag s2;
	_ =	strace s9  }
0x27: {  	s1 =	sld [smem:$0x3FA9]  }
0x28: {  	s2 =	sld [smem:$0x3FAA]  }
0x29: {  	s4 =	sld [smem:$0x3FAC]  }
0x2a: {  	p0 =	seq.s32 s5, $0x0;
	s5 =	sld [smem:$0x3FAD]  }
0x2b: {  	s6 =	sld [smem:$0x3FAE]  }
0x2c: {  	s7 =	sld [smem:$0x3FAF]  }
0x2d: {  	s3 =	simm.s32 $0x108;
	s8 =	sld [smem:$0x3FB0]  }
0x2e: {  	s3 =	simm.s32 @!p0 $0x1082;
	s9 =	sld [smem:$0x3FB1]  }
0x2f: {  	lr =	sadd.s32 s0, s3;
	s0 =	sld [smem:$0x3FA8]  }
0x30: {  	s3 =	sld [smem:$0x3FAB]  }
0x31: {  	[smem:$0x3FB4] =	sst s10  }
0x32: {  	s10 =	sld [smem:$0x3FB2];
	_ =	sdelay $0x3  }
0x33: {  	p0 =	seq.s32 s10, $0x1;
	s10 =	sld [smem:$0x3FB4];
	_ =	sdelay $0x3  }
0x34: {  	[smem:$0x3FB4] =	sst s10  }
0x35: {  	s10 =	sld [smem:$0x3FB3];
	_ =	sdelay $0x3  }
0x36: {  	p1 =	seq.s32 s10, $0x1;
	s10 =	sld [smem:$0x3FB4];
	_ =	sdelay $0x3  }
0x37: {  	[smem:$0x3FB4] =	sst s10  }
0x38: {  	s10 =	sld [smem:$0x3FB5]  }
0x39: {  	_ = 	snop;
	(pc) =	sbr.ind lr, $3  }
0x3a: {  	_ = 	snop  }
0x3b: {  	_ = 	snop  }
0x3c: {  	p2 =	seq.s32 s10, $0x1;
	s10 =	sld [smem:$0x3FB4]  }
0x3d: {  	_ =	shalt  }
0x3e: {  	_ =	shalt  }
0x3f: {  	_ =	shalt  }
0x40: {  	_ =	shalt  }
0x41: {  	_ =	shalt  }
0x42: {  	_ =	shalt  }
0x43: {  	_ =	shalt  }
0x44: {  	_ =	shalt  }
0x45: {  	_ =	shalt  }
0x46: {  	_ =	shalt  }
0x47: {  	_ =	shalt  }
0x48: {  	_ =	shalt  }
0x49: {  	_ =	shalt  }
0x4a: {  	_ =	shalt  }
0x4b: {  	_ =	shalt  }
0x4c: {  	_ =	shalt  }
0x4d: {  	_ =	shalt  }
0x4e: {  	_ =	shalt  }
0x4f: {  	_ =	shalt  }
0x50: {  	_ =	shalt  }
0x51: {  	_ =	shalt  }
0x52: {  	_ =	shalt  }
0x53: {  	_ =	shalt  }
0x54: {  	_ =	shalt  }
0x55: {  	_ =	shalt  }
0x56: {  	_ =	shalt  }
0x57: {  	_ =	shalt  }
0x58: {  	_ =	shalt  }
0x59: {  	_ =	shalt  }
0x5a: {  	_ =	shalt  }
0x5b: {  	_ =	shalt  }
0x5c: {  	_ =	shalt  }
0x5d: {  	_ =	shalt  }
0x5e: {  	_ =	shalt  }
0x5f: {  	_ =	shalt  }
0x60: {  	_ =	shalt  }
0x61: {  	_ =	shalt  }
0x62: {  	_ =	shalt  }
0x63: {  	_ =	shalt  }
0x64: {  	_ =	shalt  }
0x65: {  	_ =	shalt  }
0x66: {  	_ =	shalt  }
0x67: {  	_ =	shalt  }
0x68: {  	_ =	shalt  }
0x69: {  	_ =	shalt  }
0x6a: {  	_ =	shalt  }
0x6b: {  	_ =	shalt  }
0x6c: {  	_ =	shalt  }
0x6d: {  	_ =	shalt  }
0x6e: {  	_ =	shalt  }
0x6f: {  	_ =	shalt  }
0x70: {  	_ =	shalt  }
0x71: {  	_ =	shalt  }
0x72: {  	_ =	shalt  }
0x73: {  	_ =	shalt  }
0x74: {  	_ =	shalt  }
0x75: {  	_ =	shalt  }
0x76: {  	_ =	shalt  }
0x77: {  	_ =	shalt  }
0x78: {  	_ =	shalt  }
0x79: {  	_ =	shalt  }
0x7a: {  	_ =	shalt  }
0x7b: {  	_ =	shalt  }
0x7c: {  	_ =	shalt  }
0x7d: {  	_ =	shalt  }
0x7e: {  	_ =	shalt  }
0x7f: {  	_ =	shalt  }
0x80: {  	_ =	shalt  }
0x81: {  	_ =	shalt  }
0x82: {  	_ =	shalt  }
0x83: {  	_ =	shalt  }
0x84: {  	_ =	shalt  }
0x85: {  	_ =	shalt  }
0x86: {  	_ =	shalt  }
0x87: {  	_ =	shalt  }
.Lfunc_end0:
.L_simem_size_0:
called_computation_lowered:
.L_overlay_start_0:
0x88: {  	s2 =	sld [smem:$0x3FD9]  }
0x89: {  	s3 =	sld [smem:$0x3FFE];
	_ =	sdelay $0x1  }
0x8a: {  	s1 =	srdreg.scid  }
0x8b: {  	s0 =	sand.u32 $0x1, s1  }
0x8c: {  	s17 =	sshll.u32 s0, $0xA;
	s2 =	sadd.s32 s3, s2  }
0x8d: {  	s2 =	sadd.s32 s2, s17  }
0x8e: {  	[smem:$0x3FC0] =	sst s2  }
0x8f: {  	_ = 	snop  }
0x90: {  	s2 =	sld [smem:$0x3FD0];
	(tm) =	ssettm $0x1  }
0x91: {  	s18 =	sld [smem:$0x3FFB];
	_ =	sdelay $0x3  }
0x92: {  	_ =	strace s18  }
0x93: {  	s3 =	sld [smem:$0x3FFC];
	_ =	sdelay $0x3  }
0x94: {  	_ =	strace s3  }
0x95: {  	s3 =	sld [smem:$0x3FFD];
	_ =	sdelay $0x3  }
0x96: {  	_ =	strace s3  }
0x97: {  	_ =	strace $0x8FFFFFFF  }
0x98: {  	s19 =	sld [smem:$0x3FDB];
	_ =	sdelay $0x1  }
0x99: {  	s4 =	simm.s32 $_scs_section_size  }
0x9a: {  	s5 =	simm.s32 $_size__tile_overlayer_lowered;
	s6 =	simm.s32 $_tile_overlayer_lowered  }
0x9b: {  	s22 =	simm.s32 $0x1BFF;
	s21 =	sshll.u32 s6, $0x1;
	s3 =	sadd.s32 s4, s19  }
0x9c: {  	s7 =	simm.s32 $0x0;
	s20 =	sshll.u32 s5, $0x1;
	s5 =	sadd.s32 s21, s3  }
0x9d: {  	[timem:s7], [sflag:s22] =	dma.local [hbm:s5], s20  }
0x9e: {  	_ =	swait.ge [sflag:s22], s20  }
0x9f: {  	s4 =	ssub.s32 $0x0, s20;
	[sflag:s22] =	ssyncset.done $0x0  }
0xa0: {  	[sflag:s22] =	ssyncadd.s32 s4;
	_ =	sdelay $0x1  }
0xa1: {  	s23 =	simm.s32 $0x1B8B  }
0xa2: {  	_ =	swait.ge [sflag:s23], $0x1  }
0xa3: {  	[sflag:s23] =	ssyncset.done $0x0  }
0xa4: {  	s25 =	simm.s32 $0x1B8E;
	s24 =	sld [smem:$0x3FFE];
	[sflag:s23] =	ssyncadd.s32 $0xFFFFFFFF  }
0xa5: {  	s26 =	simm.s32 $execute0_lowered;
	[smem:$0x3FD2] =	sst s25  }
0xa6: {  	s5 =	sshll.u32 s26, $0x1;
	_ =	strace $0x80000046;
	[dreg:$0x1] =	wrdreg $0xFFFFFFFF  }
0xa7: {  	s28 =	simm.s32 $_size_execute0_lowered;
	s3 =	sadd.s32 s3, s5;
	[dreg:$0x0] =	wrdreg $0x0  }
0xa8: {  	s5 =	sshll.u32 s28, $0x1;
	[dreg:$0x2] =	wrdreg s3  }
0xa9: {  	[dreg:$0x3] =	wrdreg s5  }
0xaa: {  	[dreg:$0x4] =	wrdreg $0xC0  }
0xab: {  	_ =	task [dreg:s7], $0x5FFFF  }
0xac: {  	[dreg:$0x1] =	wrdreg $0xFFFFFFFF  }
0xad: {  	[dreg:$0x0] =	wrdreg $0x60  }
0xae: {  	[dreg:$0x2] =	wrdreg s2  }
0xaf: {  	[dreg:$0x3] =	wrdreg s24  }
0xb0: {  	[dreg:$0x4] =	wrdreg $0x9  }
0xb1: {  	_ =	task.clear_ibuf [dreg:s7], $0x5FFFF;
	_ =	strace $0x90000046  }
0xb2: {  	s29 =	simm.s32 $0x9;
	_ =	strace $0x80000048  }
0xb3: {  	_ =	swait.ge [sflag:s29], $0x1  }
0xb4: {  	[sflag:s29] =	ssyncadd.s32 $0xFFFFFFFF  }
0xb5: {  	_ =	strace $0x90000048  }
0xb6: {  	_ =	sfence  }
0xb7: {  	s30 =	sld [smem:$0x0];
	_ =	sdelay $0x2  }
0xb8: {  	s31 =	sshll.u32 s1, $0xD;
	s1 =	sshrl.u32 s1, $0x2  }
0xb9: {  	s3 =	sand.u32 $0x4000, s31;
	s1 =	sadd.s32 s1, s30  }
0xba: {  	s0 =	sor.u32 s3, s0;
	s1 =	sshll.u32 s1, $0x11  }
0xbb: {  	s0 =	sor.u32 s1, s0  }
0xbc: {  	s0 =	sadd.s32 $0x8F2B, s0  }
0xbd: {  	[sflag:s0] =	ssyncadd.remote.s32 $0x1  }
0xbe: {  	_ =	sfence.sel $0xFFFF  }
0xbf: {  	[dreg:$0x0] =	wrdreg $0xFFFFFFFF;
	(pc) =	sbr.abs _section_cstart, $3  }
0xc0: {  	[dreg:$0x1] =	wrdreg $0xFFFFFFFF  }
0xc1: {  	_ =	task.clear_ibuf [dreg:s7], $0x2FFFF;
	_ =	strace $0x9FFFFFFF  }
0xc2: {  	(tm) =	ssettm $0x7FFFFFFF  }
0xc3: {  	_ =	shalt  }
tec
execute0_lowered:
.L_overlay_start_1:
0x0: {  	(tag) =	ssettag $0x1  }
0x1: {  	s0 =	srdreg.scid;
	s2 =	rddreg [dreg:$0x0]  }
0x2: {  	s3 =	stileid.u32;
	s1 =	rddreg [dreg:$0x1];
	s10 =	simm.s32 $0x2  }
0x3: {  	s16 =	simm.s32 $0x1;
	s15 =	simm.s32 $0x100;
	s0 =	sand.u32 $0x1, s0  }
0x4: {  	s30 =	simm.s32 $0xD00;
	s4 =	sshll.u32 s3, $0x7;
	s17 =	sshll.u32 s0, $0xB  }
0x5: {  	s3 =	simm.s32 $0x0;
	s5 =	sadd.s32 $0x31C00, s1;
	s4 =	sor.u32 s4, s17  }
0x6: {  	[smem:$0x7FF] =	sst s3;
	s0 =	ssub.s32 $0x2, s0;
	s6 =	sshrl.u32 s4, $0x3  }
0x7: {  	_ =	strace $0x80000047;
	s7 =	smul.u32 $0x180, s6;
	s8 =	sadd.s32 s6, s1  }
0x8: {  	s24 =	sshrl.u32 s0, $0x1;
	s4 =	sadd.s32 $0x1C00, s1;
	s25 =	sadd.s32 $0x61C00, s8  }
0x9: {  	s28 =	sadd.s32 $0x61E00, s8;
	s9 =	sadd.s32 s7, s1;
	[dreg:$0x3] =	wrdreg s25  }
0xa: {  	s0 =	ssub.s32 s0, s24;
	[dreg:$0x5] =	wrdreg s28;
	s26 =	sadd.s32 $0x62000, s9  }
0xb: {  	v3 =	vlaneseq.u32;
	vm0 =	vmmov $0xffff;
	s6 =	sadd.s32 $0x100, s2;
	s29 =	sadd.s32 $0x92000, s9;
	[dreg:$0x4] =	wrdreg s26  }
0xc: {  	vm1 =	vmmov $0xff;
	v2 =	vshrl.u32 v3, $0x3;
	v1 =	vand.u32 $0x7, v3;
	s8 =	sadd.s32 $0x31D00, s1;
	s31 =	sadd.s32 $0xC2000, s9;
	[dreg:$0x6] =	wrdreg s29  }
0xd: {  	v3 =	vor.u32 $0x8, v3;
	v2 =	vmul.u32 $0x8, v2;
	v0 =	vmov s17;
	s7 =	sadd.s32 $0x1D00, s1;
	s9 =	smax.u32 s0, $0x1;
	[dreg:$0x7] =	wrdreg s31  }
.LBB2_1:
0xe: {  	s23 =	rddreg [dreg:$0x3]  }
0xf: {  	[tilespmem:s3], [sflag:$0x2] =	stream.linear.gather [hbm4b:s23+s3], $0x80, $0x38;
	[tilespmem:$0xC100] =	vst v63  }
0x10: {  	_ =	swait.ge [sflag:s10], $0x80  }
0x11: {  	[sflag:s10] =	ssyncset.done $0x0  }
0x12: {  	[sflag:s10] =	ssyncadd.s32 $0xFFFFFF80  }
0x13: {  	v4 =	vld [tilespmem:$0x0];
	_ =	sdelay $0x3  }
0x14: {  	v5 =	vld [tilespmem:$0x10]  }
0x15: {  	v7 =	vld [tilespmem:$0x20];
	v6 =	vadd.s32 v0, v4  }
0x16: {  	v8 =	vld [tilespmem:$0x30];
	v9 =	vshrl.u32 v6, $0x3  }
0x17: {  	v10 =	vld [tilespmem:$0x40];
	v9 =	vmul.u32 $0x18, v9  }
0x18: {  	v11 =	vld [tilespmem:$0x50];
	v4 =	vand.u32 $0x7, v4  }
0x19: {  	v52 =	vld [tilespmem:$0x60];
	v5 =	vadd.s32 v0, v5;
	[tilespmem:$0x80] =	vst v6;
	v4 =	vor.u32 v4, v9  }
0x1a: {  	v53 =	vld [tilespmem:$0x70];
	[tilespmem:$0x90] =	vst v5;
	v5 =	vadd.s32 v0, v7;
	v9 =	vperm.xlane v4, v1  }
0x1b: {  	[tilespmem:$0xA0] =	vst v5;
	v5 =	vadd.s32 v0, v8  }
0x1c: {  	[tilespmem:$0xB0] =	vst v5;
	v5 =	vadd.s32 v0, v10;
	v54 =	vadd.s32 v2, v9  }
0x1d: {  	[tilespmem:$0xC0] =	vst v5;
	v5 =	vadd.s32 v0, v11  }
0x1e: {  	[tilespmem:$0xD0] =	vst v5;
	v5 =	vadd.s32 v0, v52;
	v4 =	vperm.xlane v4, v3  }
0x1f: {  	[tilespmem:$0xE0] =	vst v5;
	v5 =	vadd.s32 v0, v53  }
0x20: {  	[tilespmem:$0xF0] =	vst v5;
	v4 =	vadd.s32 v2, v4  }
0x21: {  	[tilespmem:s15], [sflag:$0x1] =	stream.indirect_vreg.gather [hbm4b:s2+s3], $0x80, v54, vm0, $0xb8;
	[tilespmem:$0xC100] =	vst v63  }
0x22: {  	s0 =	simm.s32 $0x900  }
0x23: {  	[tilespmem:s0], [sflag:$0x1] =	stream.indirect_vreg.gather [hbm4b:s6+s3], $0x80, v54, vm1, $0xb8;
	[tilespmem:$0xC100] =	vst v63  }
0x24: {  	s24 =	simm.s32 $0xD00  }
0x25: {  	[tilespmem:s24], [sflag:$0x1] =	stream.indirect_vreg.gather [hbm4b:s2+s3], $0x80, v4, vm0, $0xb8;
	[tilespmem:$0xC100] =	vst v63  }
0x26: {  	s25 =	simm.s32 $0x1500  }
0x27: {  	[tilespmem:s25], [sflag:$0x1] =	stream.indirect_vreg.gather [hbm4b:s6+s3], $0x80, v4, vm1, $0xb8;
	[tilespmem:$0xC100] =	vst v63  }
0x28: {  	v4 =	vld [tilespmem:$0x90];
	_ =	sdelay $0x4  }
0x29: {  	v5 =	vshrl.u32 v4, $0x3  }
0x2a: {  	v5 =	vmul.u32 $0x18, v5  }
0x2b: {  	v4 =	vand.u32 $0x7, v4  }
0x2c: {  	v4 =	vor.u32 v4, v5  }
0x2d: {  	v5 =	vperm.xlane v4, v1;
	_ =	sdelay $0x1  }
0x2e: {  	v5 =	vadd.s32 v2, v5;
	_ =	sdelay $0x1  }
0x2f: {  	v4 =	vperm.xlane v4, v3;
	_ =	sdelay $0x1  }
0x30: {  	s26 =	simm.s32 $0x1900;
	v4 =	vadd.s32 v2, v4  }
0x31: {  	[tilespmem:s26], [sflag:$0x1] =	stream.indirect_vreg.gather [hbm4b:s2+s3], $0x80, v5, vm0, $0xb8;
	[tilespmem:$0xC100] =	vst v63  }
0x32: {  	s28 =	simm.s32 $0x2100  }
0x33: {  	[tilespmem:s28], [sflag:$0x1] =	stream.indirect_vreg.gather [hbm4b:s6+s3], $0x80, v5, vm1, $0xb8;
	[tilespmem:$0xC100] =	vst v63  }
0x34: {  	s1 =	simm.s32 $0x2500  }
0x35: {  	[tilespmem:s1], [sflag:$0x1] =	stream.indirect_vreg.gather [hbm4b:s2+s3], $0x80, v4, vm0, $0xb8;
	[tilespmem:$0xC100] =	vst v63  }
0x36: {  	s11 =	simm.s32 $0x2D00  }
0x37: {  	[tilespmem:s11], [sflag:$0x1] =	stream.indirect_vreg.gather [hbm4b:s6+s3], $0x80, v4, vm1, $0xb8;
	[tilespmem:$0xC100] =	vst v63  }
0x38: {  	v4 =	vld [tilespmem:$0xA0];
	_ =	sdelay $0x4  }
0x39: {  	v5 =	vshrl.u32 v4, $0x3  }
0x3a: {  	v5 =	vmul.u32 $0x18, v5  }
0x3b: {  	v4 =	vand.u32 $0x7, v4  }
0x3c: {  	v4 =	vor.u32 v4, v5  }
0x3d: {  	v5 =	vperm.xlane v4, v1;
	_ =	sdelay $0x1  }
0x3e: {  	v5 =	vadd.s32 v2, v5;
	_ =	sdelay $0x1  }
0x3f: {  	v4 =	vperm.xlane v4, v3;
	_ =	sdelay $0x1  }
0x40: {  	s1 =	simm.s32 $0x3100;
	v4 =	vadd.s32 v2, v4  }
0x41: {  	[tilespmem:s1], [sflag:$0x1] =	stream.indirect_vreg.gather [hbm4b:s2+s3], $0x80, v5, vm0, $0xb8;
	[tilespmem:$0xC100] =	vst v63  }
0x42: {  	s11 =	simm.s32 $0x3900  }
0x43: {  	[tilespmem:s11], [sflag:$0x1] =	stream.indirect_vreg.gather [hbm4b:s6+s3], $0x80, v5, vm1, $0xb8;
	[tilespmem:$0xC100] =	vst v63  }
0x44: {  	s12 =	simm.s32 $0x3D00  }
0x45: {  	[tilespmem:s12], [sflag:$0x1] =	stream.indirect_vreg.gather [hbm4b:s2+s3], $0x80, v4, vm0, $0xb8;
	[tilespmem:$0xC100] =	vst v63  }
0x46: {  	s13 =	simm.s32 $0x4500  }
0x47: {  	[tilespmem:s13], [sflag:$0x1] =	stream.indirect_vreg.gather [hbm4b:s6+s3], $0x80, v4, vm1, $0xb8;
	[tilespmem:$0xC100] =	vst v63  }
0x48: {  	v4 =	vld [tilespmem:$0xB0];
	_ =	sdelay $0x4  }
0x49: {  	v5 =	vshrl.u32 v4, $0x3  }
0x4a: {  	v5 =	vmul.u32 $0x18, v5  }
0x4b: {  	v4 =	vand.u32 $0x7, v4  }
0x4c: {  	v4 =	vor.u32 v4, v5  }
0x4d: {  	v5 =	vperm.xlane v4, v1;
	_ =	sdelay $0x1  }
0x4e: {  	v5 =	vadd.s32 v2, v5;
	_ =	sdelay $0x1  }
0x4f: {  	v4 =	vperm.xlane v4, v3;
	_ =	sdelay $0x1  }
0x50: {  	s14 =	simm.s32 $0x4900;
	v4 =	vadd.s32 v2, v4  }
0x51: {  	[tilespmem:s14], [sflag:$0x1] =	stream.indirect_vreg.gather [hbm4b:s2+s3], $0x80, v5, vm0, $0xb8;
	[tilespmem:$0xC100] =	vst v63  }
0x52: {  	s17 =	simm.s32 $0x5100  }
0x53: {  	[tilespmem:s17], [sflag:$0x1] =	stream.indirect_vreg.gather [hbm4b:s6+s3], $0x80, v5, vm1, $0xb8;
	[tilespmem:$0xC100] =	vst v63  }
0x54: {  	s22 =	simm.s32 $0x5500  }
0x55: {  	[tilespmem:s22], [sflag:$0x1] =	stream.indirect_vreg.gather [hbm4b:s2+s3], $0x80, v4, vm0, $0xb8;
	[tilespmem:$0xC100] =	vst v63  }
0x56: {  	s23 =	simm.s32 $0x5D00  }
0x57: {  	[tilespmem:s23], [sflag:$0x1] =	stream.indirect_vreg.gather [hbm4b:s6+s3], $0x80, v4, vm1, $0xb8;
	[tilespmem:$0xC100] =	vst v63  }
0x58: {  	v4 =	vld [tilespmem:$0xC0];
	_ =	sdelay $0x4  }
0x59: {  	v5 =	vshrl.u32 v4, $0x3  }
0x5a: {  	v5 =	vmul.u32 $0x18, v5  }
0x5b: {  	v4 =	vand.u32 $0x7, v4  }
0x5c: {  	v4 =	vor.u32 v4, v5  }
0x5d: {  	v5 =	vperm.xlane v4, v1;
	_ =	sdelay $0x1  }
0x5e: {  	v5 =	vadd.s32 v2, v5;
	_ =	sdelay $0x1  }
0x5f: {  	v4 =	vperm.xlane v4, v3;
	_ =	sdelay $0x1  }
0x60: {  	s28 =	simm.s32 $0x6100;
	v4 =	vadd.s32 v2, v4  }
0x61: {  	[tilespmem:s28], [sflag:$0x1] =	stream.indirect_vreg.gather [hbm4b:s2+s3], $0x80, v5, vm0, $0xb8;
	[tilespmem:$0xC100] =	vst v63  }
0x62: {  	s11 =	simm.s32 $0x6900  }
0x63: {  	[tilespmem:s11], [sflag:$0x1] =	stream.indirect_vreg.gather [hbm4b:s6+s3], $0x80, v5, vm1, $0xb8;
	[tilespmem:$0xC100] =	vst v63  }
0x64: {  	s12 =	simm.s32 $0x6D00  }
0x65: {  	[tilespmem:s12], [sflag:$0x1] =	stream.indirect_vreg.gather [hbm4b:s2+s3], $0x80, v4, vm0, $0xb8;
	[tilespmem:$0xC100] =	vst v63  }
0x66: {  	s17 =	simm.s32 $0x7500  }
0x67: {  	[tilespmem:s17], [sflag:$0x1] =	stream.indirect_vreg.gather [hbm4b:s6+s3], $0x80, v4, vm1, $0xb8;
	[tilespmem:$0xC100] =	vst v63  }
0x68: {  	v4 =	vld [tilespmem:$0xD0];
	_ =	sdelay $0x4  }
0x69: {  	v5 =	vshrl.u32 v4, $0x3  }
0x6a: {  	v5 =	vmul.u32 $0x18, v5  }
0x6b: {  	v4 =	vand.u32 $0x7, v4  }
0x6c: {  	v4 =	vor.u32 v4, v5  }
0x6d: {  	v5 =	vperm.xlane v4, v1;
	_ =	sdelay $0x1  }
0x6e: {  	v5 =	vadd.s32 v2, v5;
	_ =	sdelay $0x1  }
0x6f: {  	v4 =	vperm.xlane v4, v3;
	_ =	sdelay $0x1  }
0x70: {  	s23 =	simm.s32 $0x7900;
	v4 =	vadd.s32 v2, v4  }
0x71: {  	[tilespmem:s23], [sflag:$0x1] =	stream.indirect_vreg.gather [hbm4b:s2+s3], $0x80, v5, vm0, $0xb8;
	[tilespmem:$0xC100] =	vst v63  }
0x72: {  	s11 =	simm.s32 $0x8100  }
0x73: {  	[tilespmem:s11], [sflag:$0x1] =	stream.indirect_vreg.gather [hbm4b:s6+s3], $0x80, v5, vm1, $0xb8;
	[tilespmem:$0xC100] =	vst v63  }
0x74: {  	s12 =	simm.s32 $0x8500  }
0x75: {  	[tilespmem:s12], [sflag:$0x1] =	stream.indirect_vreg.gather [hbm4b:s2+s3], $0x80, v4, vm0, $0xb8;
	[tilespmem:$0xC100] =	vst v63  }
0x76: {  	s11 =	simm.s32 $0x8D00  }
0x77: {  	[tilespmem:s11], [sflag:$0x1] =	stream.indirect_vreg.gather [hbm4b:s6+s3], $0x80, v4, vm1, $0xb8;
	[tilespmem:$0xC100] =	vst v63  }
0x78: {  	v4 =	vld [tilespmem:$0xE0];
	_ =	sdelay $0x4  }
0x79: {  	v5 =	vshrl.u32 v4, $0x3  }
0x7a: {  	v5 =	vmul.u32 $0x18, v5  }
0x7b: {  	v4 =	vand.u32 $0x7, v4  }
0x7c: {  	v4 =	vor.u32 v4, v5  }
0x7d: {  	v5 =	vperm.xlane v4, v1;
	_ =	sdelay $0x1  }
0x7e: {  	v5 =	vadd.s32 v2, v5;
	_ =	sdelay $0x1  }
0x7f: {  	v4 =	vperm.xlane v4, v3;
	_ =	sdelay $0x1  }
0x80: {  	s12 =	simm.s32 $0x9100;
	v4 =	vadd.s32 v2, v4  }
0x81: {  	[tilespmem:s12], [sflag:$0x1] =	stream.indirect_vreg.gather [hbm4b:s2+s3], $0x80, v5, vm0, $0xb8;
	[tilespmem:$0xC100] =	vst v63  }
0x82: {  	s12 =	simm.s32 $0x9900  }
0x83: {  	[tilespmem:s12], [sflag:$0x1] =	stream.indirect_vreg.gather [hbm4b:s6+s3], $0x80, v5, vm1, $0xb8;
	[tilespmem:$0xC100] =	vst v63  }
0x84: {  	s12 =	simm.s32 $0x9D00  }
0x85: {  	[tilespmem:s12], [sflag:$0x1] =	stream.indirect_vreg.gather [hbm4b:s2+s3], $0x80, v4, vm0, $0xb8;
	[tilespmem:$0xC100] =	vst v63  }
0x86: {  	s12 =	simm.s32 $0xA500  }
0x87: {  	[tilespmem:s12], [sflag:$0x1] =	stream.indirect_vreg.gather [hbm4b:s6+s3], $0x80, v4, vm1, $0xb8;
	[tilespmem:$0xC100] =	vst v63  }
0x88: {  	v4 =	vld [tilespmem:$0xF0];
	_ =	sdelay $0x4  }
0x89: {  	v5 =	vshrl.u32 v4, $0x3  }
0x8a: {  	v5 =	vmul.u32 $0x18, v5  }
0x8b: {  	v4 =	vand.u32 $0x7, v4  }
0x8c: {  	v4 =	vor.u32 v4, v5  }
0x8d: {  	v5 =	vperm.xlane v4, v1;
	_ =	sdelay $0x1  }
0x8e: {  	v5 =	vadd.s32 v2, v5;
	_ =	sdelay $0x1  }
0x8f: {  	v4 =	vperm.xlane v4, v3;
	_ =	sdelay $0x1  }
0x90: {  	s23 =	simm.s32 $0xA900;
	v4 =	vadd.s32 v2, v4  }
0x91: {  	[tilespmem:s23], [sflag:$0x1] =	stream.indirect_vreg.gather [hbm4b:s2+s3], $0x80, v5, vm0, $0xb8;
	[tilespmem:$0xC100] =	vst v63  }
0x92: {  	s23 =	simm.s32 $0xB100  }
0x93: {  	[tilespmem:s23], [sflag:$0x1] =	stream.indirect_vreg.gather [hbm4b:s6+s3], $0x80, v5, vm1, $0xb8;
	[tilespmem:$0xC100] =	vst v63  }
0x94: {  	s23 =	simm.s32 $0xB500  }
0x95: {  	[tilespmem:s23], [sflag:$0x1] =	stream.indirect_vreg.gather [hbm4b:s2+s3], $0x80, v4, vm0, $0xb8;
	[tilespmem:$0xC100] =	vst v63  }
0x96: {  	s23 =	simm.s32 $0xBD00  }
0x97: {  	[tilespmem:s23], [sflag:$0x1] =	stream.indirect_vreg.gather [hbm4b:s6+s3], $0x80, v4, vm1, $0xb8;
	[tilespmem:$0xC100] =	vst v63  }
0x98: {  	_ =	swait.ge [sflag:s16], $0xC000  }
0x99: {  	[sflag:s16] =	ssyncset.done $0x0  }
0x9a: {  	s23 =	rddreg [dreg:$0x4];
	[sflag:s16] =	ssyncadd.s32 $0xFFFF4000  }
0x9b: {  	[hbm4b:s23+s3] =	stream.linear.scatter [tilespmem:s15], [sflag:$0x2], $0xC000, $0x38;
	[tilespmem:$0xC100] =	vst v63  }
0x9c: {  	_ =	swait.ge [sflag:s10], $0xC000  }
0x9d: {  	[sflag:s10] =	ssyncset.done $0x0  }
0x9e: {  	s23 =	rddreg [dreg:$0x5];
	[sflag:s10] =	ssyncadd.s32 $0xFFFF4000  }
0x9f: {  	[tilespmem:s3], [sflag:$0x2] =	stream.linear.gather [hbm4b:s23+s3], $0x80, $0x38;
	[tilespmem:$0xC100] =	vst v63  }
0xa0: {  	_ =	swait.ge [sflag:s10], $0x80  }
0xa1: {  	[sflag:s10] =	ssyncset.done $0x0  }
0xa2: {  	[sflag:s10] =	ssyncadd.s32 $0xFFFFFF80  }
0xa3: {  	v4 =	vld [tilespmem:$0x0];
	_ =	sdelay $0x3  }
0xa4: {  	v5 =	vld [tilespmem:$0x10]  }
0xa5: {  	v56 =	vld [tilespmem:$0x20];
	v55 =	vadd.s32 v0, v4  }
0xa6: {  	v57 =	vld [tilespmem:$0x30];
	v58 =	vshrl.u32 v55, $0x3  }
0xa7: {  	v59 =	vld [tilespmem:$0x40];
	v9 =	vmul.u32 $0x18, v58  }
0xa8: {  	v60 =	vld [tilespmem:$0x50];
	v4 =	vand.u32 $0x7, v4  }
0xa9: {  	v61 =	vld [tilespmem:$0x60];
	v5 =	vadd.s32 v0, v5;
	[tilespmem:$0x80] =	vst v55;
	v4 =	vor.u32 v4, v9  }
0xaa: {  	v62 =	vld [tilespmem:$0x70];
	[tilespmem:$0x90] =	vst v5;
	v5 =	vadd.s32 v0, v56;
	v9 =	vperm.xlane v4, v1  }
0xab: {  	[tilespmem:$0xA0] =	vst v5;
	v5 =	vadd.s32 v0, v57  }
0xac: {  	[tilespmem:$0xB0] =	vst v5;
	v5 =	vadd.s32 v0, v59;
	v63 =	vadd.s32 v2, v9  }
0xad: {  	[tilespmem:$0xC0] =	vst v5;
	v5 =	vadd.s32 v0, v60  }
0xae: {  	[tilespmem:$0xD0] =	vst v5;
	v5 =	vadd.s32 v0, v61;
	v4 =	vperm.xlane v4, v3  }
0xaf: {  	[tilespmem:$0xE0] =	vst v5;
	v5 =	vadd.s32 v0, v62  }
0xb0: {  	[tilespmem:$0xF0] =	vst v5;
	v4 =	vadd.s32 v2, v4  }
0xb1: {  	[tilespmem:s15], [sflag:$0x1] =	stream.indirect_vreg.gather [hbm4b:s4+s3], $0x80, v63, vm0, $0xb8;
	[tilespmem:$0xC100] =	vst v63  }
0xb2: {  	s29 =	simm.s32 $0x900  }
0xb3: {  	[tilespmem:s29], [sflag:$0x1] =	stream.indirect_vreg.gather [hbm4b:s7+s3], $0x80, v63, vm1, $0xb8;
	[tilespmem:$0xC100] =	vst v63  }
0xb4: {  	s19 =	simm.s32 $0xD00  }
0xb5: {  	[tilespmem:s19], [sflag:$0x1] =	stream.indirect_vreg.gather [hbm4b:s4+s3], $0x80, v4, vm0, $0xb8;
	[tilespmem:$0xC100] =	vst v63  }
0xb6: {  	s31 =	simm.s32 $0x1500  }
0xb7: {  	[tilespmem:s31], [sflag:$0x1] =	stream.indirect_vreg.gather [hbm4b:s7+s3], $0x80, v4, vm1, $0xb8;
	[tilespmem:$0xC100] =	vst v63  }
0xb8: {  	v4 =	vld [tilespmem:$0x90];
	_ =	sdelay $0x4  }
0xb9: {  	v5 =	vshrl.u32 v4, $0x3  }
0xba: {  	v5 =	vmul.u32 $0x18, v5  }
0xbb: {  	v4 =	vand.u32 $0x7, v4  }
0xbc: {  	v4 =	vor.u32 v4, v5  }
0xbd: {  	v5 =	vperm.xlane v4, v1;
	_ =	sdelay $0x1  }
0xbe: {  	v5 =	vadd.s32 v2, v5;
	_ =	sdelay $0x1  }
0xbf: {  	v4 =	vperm.xlane v4, v3;
	_ =	sdelay $0x1  }
0xc0: {  	s20 =	simm.s32 $0x1900;
	v4 =	vadd.s32 v2, v4  }
0xc1: {  	[tilespmem:s20], [sflag:$0x1] =	stream.indirect_vreg.gather [hbm4b:s4+s3], $0x80, v5, vm0, $0xb8;
	[tilespmem:$0xC100] =	vst v63  }
0xc2: {  	s21 =	simm.s32 $0x2100  }
0xc3: {  	[tilespmem:s21], [sflag:$0x1] =	stream.indirect_vreg.gather [hbm4b:s7+s3], $0x80, v5, vm1, $0xb8;
	[tilespmem:$0xC100] =	vst v63  }
0xc4: {  	s24 =	simm.s32 $0x2500  }
0xc5: {  	[tilespmem:s24], [sflag:$0x1] =	stream.indirect_vreg.gather [hbm4b:s4+s3], $0x80, v4, vm0, $0xb8;
	[tilespmem:$0xC100] =	vst v63  }
0xc6: {  	s18 =	simm.s32 $0x2D00  }
0xc7: {  	[tilespmem:s18], [sflag:$0x1] =	stream.indirect_vreg.gather [hbm4b:s7+s3], $0x80, v4, vm1, $0xb8;
	[tilespmem:$0xC100] =	vst v63  }
0xc8: {  	v4 =	vld [tilespmem:$0xA0];
	_ =	sdelay $0x4  }
0xc9: {  	v5 =	vshrl.u32 v4, $0x3  }
0xca: {  	v5 =	vmul.u32 $0x18, v5  }
0xcb: {  	v4 =	vand.u32 $0x7, v4  }
0xcc: {  	v4 =	vor.u32 v4, v5  }
0xcd: {  	v5 =	vperm.xlane v4, v1;
	_ =	sdelay $0x1  }
0xce: {  	v5 =	vadd.s32 v2, v5;
	_ =	sdelay $0x1  }
0xcf: {  	v4 =	vperm.xlane v4, v3;
	_ =	sdelay $0x1  }
0xd0: {  	s1 =	simm.s32 $0x3100;
	v4 =	vadd.s32 v2, v4  }
0xd1: {  	[tilespmem:s1], [sflag:$0x1] =	stream.indirect_vreg.gather [hbm4b:s4+s3], $0x80, v5, vm0, $0xb8;
	[tilespmem:$0xC100] =	vst v63  }
0xd2: {  	s24 =	simm.s32 $0x3900  }
0xd3: {  	[tilespmem:s24], [sflag:$0x1] =	stream.indirect_vreg.gather [hbm4b:s7+s3], $0x80, v5, vm1, $0xb8;
	[tilespmem:$0xC100] =	vst v63  }
0xd4: {  	s25 =	simm.s32 $0x3D00  }
0xd5: {  	[tilespmem:s25], [sflag:$0x1] =	stream.indirect_vreg.gather [hbm4b:s4+s3], $0x80, v4, vm0, $0xb8;
	[tilespmem:$0xC100] =	vst v63  }
0xd6: {  	s13 =	simm.s32 $0x4500  }
0xd7: {  	[tilespmem:s13], [sflag:$0x1] =	stream.indirect_vreg.gather [hbm4b:s7+s3], $0x80, v4, vm1, $0xb8;
	[tilespmem:$0xC100] =	vst v63  }
0xd8: {  	v4 =	vld [tilespmem:$0xB0];
	_ =	sdelay $0x4  }
0xd9: {  	v5 =	vshrl.u32 v4, $0x3  }
0xda: {  	v5 =	vmul.u32 $0x18, v5  }
0xdb: {  	v4 =	vand.u32 $0x7, v4  }
0xdc: {  	v4 =	vor.u32 v4, v5  }
0xdd: {  	v5 =	vperm.xlane v4, v1;
	_ =	sdelay $0x1  }
0xde: {  	v5 =	vadd.s32 v2, v5;
	_ =	sdelay $0x1  }
0xdf: {  	v4 =	vperm.xlane v4, v3;
	_ =	sdelay $0x1  }
0xe0: {  	s26 =	simm.s32 $0x4900;
	v4 =	vadd.s32 v2, v4  }
0xe1: {  	[tilespmem:s26], [sflag:$0x1] =	stream.indirect_vreg.gather [hbm4b:s4+s3], $0x80, v5, vm0, $0xb8;
	[tilespmem:$0xC100] =	vst v63  }
0xe2: {  	s26 =	simm.s32 $0x5100  }
0xe3: {  	[tilespmem:s26], [sflag:$0x1] =	stream.indirect_vreg.gather [hbm4b:s7+s3], $0x80, v5, vm1, $0xb8;
	[tilespmem:$0xC100] =	vst v63  }
0xe4: {  	s13 =	simm.s32 $0x5500  }
0xe5: {  	[tilespmem:s13], [sflag:$0x1] =	stream.indirect_vreg.gather [hbm4b:s4+s3], $0x80, v4, vm0, $0xb8;
	[tilespmem:$0xC100] =	vst v63  }
0xe6: {  	s14 =	simm.s32 $0x5D00  }
0xe7: {  	[tilespmem:s14], [sflag:$0x1] =	stream.indirect_vreg.gather [hbm4b:s7+s3], $0x80, v4, vm1, $0xb8;
	[tilespmem:$0xC100] =	vst v63  }
0xe8: {  	v4 =	vld [tilespmem:$0xC0];
	_ =	sdelay $0x4  }
0xe9: {  	v5 =	vshrl.u32 v4, $0x3  }
0xea: {  	v5 =	vmul.u32 $0x18, v5  }
0xeb: {  	v4 =	vand.u32 $0x7, v4  }
0xec: {  	v4 =	vor.u32 v4, v5  }
0xed: {  	v5 =	vperm.xlane v4, v1;
	_ =	sdelay $0x1  }
0xee: {  	v5 =	vadd.s32 v2, v5;
	_ =	sdelay $0x1  }
0xef: {  	v4 =	vperm.xlane v4, v3;
	_ =	sdelay $0x1  }
0xf0: {  	s18 =	simm.s32 $0x6100;
	v4 =	vadd.s32 v2, v4  }
0xf1: {  	[tilespmem:s18], [sflag:$0x1] =	stream.indirect_vreg.gather [hbm4b:s4+s3], $0x80, v5, vm0, $0xb8;
	[tilespmem:$0xC100] =	vst v63  }
0xf2: {  	s22 =	simm.s32 $0x6900  }
0xf3: {  	[tilespmem:s22], [sflag:$0x1] =	stream.indirect_vreg.gather [hbm4b:s7+s3], $0x80, v5, vm1, $0xb8;
	[tilespmem:$0xC100] =	vst v63  }
0xf4: {  	s28 =	simm.s32 $0x6D00  }
0xf5: {  	[tilespmem:s28], [sflag:$0x1] =	stream.indirect_vreg.gather [hbm4b:s4+s3], $0x80, v4, vm0, $0xb8;
	[tilespmem:$0xC100] =	vst v63  }
0xf6: {  	s17 =	simm.s32 $0x7500  }
0xf7: {  	[tilespmem:s17], [sflag:$0x1] =	stream.indirect_vreg.gather [hbm4b:s7+s3], $0x80, v4, vm1, $0xb8;
	[tilespmem:$0xC100] =	vst v63  }
0xf8: {  	v4 =	vld [tilespmem:$0xD0];
	_ =	sdelay $0x4  }
0xf9: {  	v5 =	vshrl.u32 v4, $0x3  }
0xfa: {  	v5 =	vmul.u32 $0x18, v5  }
0xfb: {  	v4 =	vand.u32 $0x7, v4  }
0xfc: {  	v4 =	vor.u32 v4, v5  }
0xfd: {  	v5 =	vperm.xlane v4, v1;
	_ =	sdelay $0x1  }
0xfe: {  	v5 =	vadd.s32 v2, v5;
	_ =	sdelay $0x1  }
0xff: {  	v4 =	vperm.xlane v4, v3;
	_ =	sdelay $0x1  }
0x100: {  	s0 =	simm.s32 $0x7900;
	v4 =	vadd.s32 v2, v4  }
0x101: {  	[tilespmem:s0], [sflag:$0x1] =	stream.indirect_vreg.gather [hbm4b:s4+s3], $0x80, v5, vm0, $0xb8;
	[tilespmem:$0xC100] =	vst v63  }
0x102: {  	s0 =	simm.s32 $0x8100  }
0x103: {  	[tilespmem:s0], [sflag:$0x1] =	stream.indirect_vreg.gather [hbm4b:s7+s3], $0x80, v5, vm1, $0xb8;
	[tilespmem:$0xC100] =	vst v63  }
0x104: {  	s1 =	simm.s32 $0x8500  }
0x105: {  	[tilespmem:s1], [sflag:$0x1] =	stream.indirect_vreg.gather [hbm4b:s4+s3], $0x80, v4, vm0, $0xb8;
	[tilespmem:$0xC100] =	vst v63  }
0x106: {  	s11 =	simm.s32 $0x8D00  }
0x107: {  	[tilespmem:s11], [sflag:$0x1] =	stream.indirect_vreg.gather [hbm4b:s7+s3], $0x80, v4, vm1, $0xb8;
	[tilespmem:$0xC100] =	vst v63  }
0x108: {  	v4 =	vld [tilespmem:$0xE0];
	_ =	sdelay $0x4  }
0x109: {  	v5 =	vshrl.u32 v4, $0x3  }
0x10a: {  	v5 =	vmul.u32 $0x18, v5  }
0x10b: {  	v4 =	vand.u32 $0x7, v4  }
0x10c: {  	v4 =	vor.u32 v4, v5  }
0x10d: {  	v5 =	vperm.xlane v4, v1;
	_ =	sdelay $0x1  }
0x10e: {  	v5 =	vadd.s32 v2, v5;
	_ =	sdelay $0x1  }
0x10f: {  	v4 =	vperm.xlane v4, v3;
	_ =	sdelay $0x1  }
0x110: {  	s22 =	simm.s32 $0x9100;
	v4 =	vadd.s32 v2, v4  }
0x111: {  	[tilespmem:s22], [sflag:$0x1] =	stream.indirect_vreg.gather [hbm4b:s4+s3], $0x80, v5, vm0, $0xb8;
	[tilespmem:$0xC100] =	vst v63  }
0x112: {  	s22 =	simm.s32 $0x9900  }
0x113: {  	[tilespmem:s22], [sflag:$0x1] =	stream.indirect_vreg.gather [hbm4b:s7+s3], $0x80, v5, vm1, $0xb8;
	[tilespmem:$0xC100] =	vst v63  }
0x114: {  	s11 =	simm.s32 $0x9D00  }
0x115: {  	[tilespmem:s11], [sflag:$0x1] =	stream.indirect_vreg.gather [hbm4b:s4+s3], $0x80, v4, vm0, $0xb8;
	[tilespmem:$0xC100] =	vst v63  }
0x116: {  	s12 =	simm.s32 $0xA500  }
0x117: {  	[tilespmem:s12], [sflag:$0x1] =	stream.indirect_vreg.gather [hbm4b:s7+s3], $0x80, v4, vm1, $0xb8;
	[tilespmem:$0xC100] =	vst v63  }
0x118: {  	v4 =	vld [tilespmem:$0xF0];
	_ =	sdelay $0x4  }
0x119: {  	v5 =	vshrl.u32 v4, $0x3  }
0x11a: {  	v5 =	vmul.u32 $0x18, v5  }
0x11b: {  	v4 =	vand.u32 $0x7, v4  }
0x11c: {  	v4 =	vor.u32 v4, v5  }
0x11d: {  	v5 =	vperm.xlane v4, v1;
	_ =	sdelay $0x1  }
0x11e: {  	v5 =	vadd.s32 v2, v5;
	_ =	sdelay $0x1  }
0x11f: {  	v4 =	vperm.xlane v4, v3;
	_ =	sdelay $0x1  }
0x120: {  	s12 =	simm.s32 $0xA900;
	v4 =	vadd.s32 v2, v4  }
0x121: {  	[tilespmem:s12], [sflag:$0x1] =	stream.indirect_vreg.gather [hbm4b:s4+s3], $0x80, v5, vm0, $0xb8;
	[tilespmem:$0xC100] =	vst v63  }
0x122: {  	s13 =	simm.s32 $0xB100  }
0x123: {  	[tilespmem:s13], [sflag:$0x1] =	stream.indirect_vreg.gather [hbm4b:s7+s3], $0x80, v5, vm1, $0xb8;
	[tilespmem:$0xC100] =	vst v63  }
0x124: {  	s23 =	simm.s32 $0xB500  }
0x125: {  	[tilespmem:s23], [sflag:$0x1] =	stream.indirect_vreg.gather [hbm4b:s4+s3], $0x80, v4, vm0, $0xb8;
	[tilespmem:$0xC100] =	vst v63  }
0x126: {  	s14 =	simm.s32 $0xBD00  }
0x127: {  	[tilespmem:s14], [sflag:$0x1] =	stream.indirect_vreg.gather [hbm4b:s7+s3], $0x80, v4, vm1, $0xb8;
	[tilespmem:$0xC100] =	vst v63  }
0x128: {  	_ =	swait.ge [sflag:s16], $0xC000  }
0x129: {  	[sflag:s16] =	ssyncset.done $0x0  }
0x12a: {  	s23 =	rddreg [dreg:$0x6];
	[sflag:s16] =	ssyncadd.s32 $0xFFFF4000  }
0x12b: {  	[hbm4b:s23+s3] =	stream.linear.scatter [tilespmem:s15], [sflag:$0x2], $0xC000, $0x38;
	[tilespmem:$0xC100] =	vst v63  }
0x12c: {  	_ =	swait.ge [sflag:s10], $0xC000  }
0x12d: {  	[sflag:s10] =	ssyncset.done $0x0  }
0x12e: {  	[sflag:s10] =	ssyncadd.s32 $0xFFFF4000  }
0x12f: {  	v4 =	vld [tilespmem:$0x80];
	_ =	sdelay $0x4  }
0x130: {  	v5 =	vshrl.u32 v4, $0x3  }
0x131: {  	v5 =	vmul.u32 $0x18, v5  }
0x132: {  	v4 =	vand.u32 $0x7, v4  }
0x133: {  	v4 =	vor.u32 v4, v5  }
0x134: {  	v5 =	vperm.xlane v4, v1;
	_ =	sdelay $0x1  }
0x135: {  	v5 =	vadd.s32 v2, v5;
	_ =	sdelay $0x1  }
0x136: {  	v4 =	vperm.xlane v4, v3;
	_ =	sdelay $0x1  }
0x137: {  	v4 =	vadd.s32 v2, v4  }
0x138: {  	[tilespmem:s15], [sflag:$0x1] =	stream.indirect_vreg.gather [hbm4b:s5+s3], $0x80, v5, vm0, $0xb8;
	[tilespmem:$0xC100] =	vst v63  }
0x139: {  	s29 =	simm.s32 $0x900  }
0x13a: {  	[tilespmem:s29], [sflag:$0x1] =	stream.indirect_vreg.gather [hbm4b:s8+s3], $0x80, v5, vm1, $0xb8;
	[tilespmem:$0xC100] =	vst v63  }
0x13b: {  	_ = 	snop  }
0x13c: {  	[tilespmem:s30], [sflag:$0x1] =	stream.indirect_vreg.gather [hbm4b:s5+s3], $0x80, v4, vm0, $0xb8;
	[tilespmem:$0xC100] =	vst v63  }
0x13d: {  	s29 =	simm.s32 $0x1500  }
0x13e: {  	[tilespmem:s29], [sflag:$0x1] =	stream.indirect_vreg.gather [hbm4b:s8+s3], $0x80, v4, vm1, $0xb8;
	[tilespmem:$0xC100] =	vst v63  }
0x13f: {  	v4 =	vld [tilespmem:$0x90];
	_ =	sdelay $0x4  }
0x140: {  	v5 =	vshrl.u32 v4, $0x3  }
0x141: {  	v5 =	vmul.u32 $0x18, v5  }
0x142: {  	v4 =	vand.u32 $0x7, v4  }
0x143: {  	v4 =	vor.u32 v4, v5  }
0x144: {  	v5 =	vperm.xlane v4, v1;
	_ =	sdelay $0x1  }
0x145: {  	v5 =	vadd.s32 v2, v5;
	_ =	sdelay $0x1  }
0x146: {  	v4 =	vperm.xlane v4, v3;
	_ =	sdelay $0x1  }
0x147: {  	s31 =	simm.s32 $0x1900;
	v4 =	vadd.s32 v2, v4  }
0x148: {  	[tilespmem:s31], [sflag:$0x1] =	stream.indirect_vreg.gather [hbm4b:s5+s3], $0x80, v5, vm0, $0xb8;
	[tilespmem:$0xC100] =	vst v63  }
0x149: {  	s31 =	simm.s32 $0x2100  }
0x14a: {  	[tilespmem:s31], [sflag:$0x1] =	stream.indirect_vreg.gather [hbm4b:s8+s3], $0x80, v5, vm1, $0xb8;
	[tilespmem:$0xC100] =	vst v63  }
0x14b: {  	s29 =	simm.s32 $0x2500  }
0x14c: {  	[tilespmem:s29], [sflag:$0x1] =	stream.indirect_vreg.gather [hbm4b:s5+s3], $0x80, v4, vm0, $0xb8;
	[tilespmem:$0xC100] =	vst v63  }
0x14d: {  	s31 =	simm.s32 $0x2D00  }
0x14e: {  	[tilespmem:s31], [sflag:$0x1] =	stream.indirect_vreg.gather [hbm4b:s8+s3], $0x80, v4, vm1, $0xb8;
	[tilespmem:$0xC100] =	vst v63  }
0x14f: {  	v4 =	vld [tilespmem:$0xA0];
	_ =	sdelay $0x4  }
0x150: {  	v5 =	vshrl.u32 v4, $0x3  }
0x151: {  	v5 =	vmul.u32 $0x18, v5  }
0x152: {  	v4 =	vand.u32 $0x7, v4  }
0x153: {  	v4 =	vor.u32 v4, v5  }
0x154: {  	v5 =	vperm.xlane v4, v1;
	_ =	sdelay $0x1  }
0x155: {  	v5 =	vadd.s32 v2, v5;
	_ =	sdelay $0x1  }
0x156: {  	v4 =	vperm.xlane v4, v3;
	_ =	sdelay $0x1  }
0x157: {  	s29 =	simm.s32 $0x3100;
	v4 =	vadd.s32 v2, v4  }
0x158: {  	[tilespmem:s29], [sflag:$0x1] =	stream.indirect_vreg.gather [hbm4b:s5+s3], $0x80, v5, vm0, $0xb8;
	[tilespmem:$0xC100] =	vst v63  }
0x159: {  	s31 =	simm.s32 $0x3900  }
0x15a: {  	[tilespmem:s31], [sflag:$0x1] =	stream.indirect_vreg.gather [hbm4b:s8+s3], $0x80, v5, vm1, $0xb8;
	[tilespmem:$0xC100] =	vst v63  }
0x15b: {  	s19 =	simm.s32 $0x3D00  }
0x15c: {  	[tilespmem:s19], [sflag:$0x1] =	stream.indirect_vreg.gather [hbm4b:s5+s3], $0x80, v4, vm0, $0xb8;
	[tilespmem:$0xC100] =	vst v63  }
0x15d: {  	s23 =	simm.s32 $0x4500  }
0x15e: {  	[tilespmem:s23], [sflag:$0x1] =	stream.indirect_vreg.gather [hbm4b:s8+s3], $0x80, v4, vm1, $0xb8;
	[tilespmem:$0xC100] =	vst v63  }
0x15f: {  	v4 =	vld [tilespmem:$0xB0];
	_ =	sdelay $0x4  }
0x160: {  	v5 =	vshrl.u32 v4, $0x3  }
0x161: {  	v5 =	vmul.u32 $0x18, v5  }
0x162: {  	v4 =	vand.u32 $0x7, v4  }
0x163: {  	v4 =	vor.u32 v4, v5  }
0x164: {  	v5 =	vperm.xlane v4, v1;
	_ =	sdelay $0x1  }
0x165: {  	v5 =	vadd.s32 v2, v5;
	_ =	sdelay $0x1  }
0x166: {  	v4 =	vperm.xlane v4, v3;
	_ =	sdelay $0x1  }
0x167: {  	s20 =	simm.s32 $0x4900;
	v4 =	vadd.s32 v2, v4  }
0x168: {  	[tilespmem:s20], [sflag:$0x1] =	stream.indirect_vreg.gather [hbm4b:s5+s3], $0x80, v5, vm0, $0xb8;
	[tilespmem:$0xC100] =	vst v63  }
0x169: {  	s21 =	simm.s32 $0x5100  }
0x16a: {  	[tilespmem:s21], [sflag:$0x1] =	stream.indirect_vreg.gather [hbm4b:s8+s3], $0x80, v5, vm1, $0xb8;
	[tilespmem:$0xC100] =	vst v63  }
0x16b: {  	s24 =	simm.s32 $0x5500  }
0x16c: {  	[tilespmem:s24], [sflag:$0x1] =	stream.indirect_vreg.gather [hbm4b:s5+s3], $0x80, v4, vm0, $0xb8;
	[tilespmem:$0xC100] =	vst v63  }
0x16d: {  	s24 =	simm.s32 $0x5D00  }
0x16e: {  	[tilespmem:s24], [sflag:$0x1] =	stream.indirect_vreg.gather [hbm4b:s8+s3], $0x80, v4, vm1, $0xb8;
	[tilespmem:$0xC100] =	vst v63  }
0x16f: {  	v4 =	vld [tilespmem:$0xC0];
	_ =	sdelay $0x4  }
0x170: {  	v5 =	vshrl.u32 v4, $0x3  }
0x171: {  	v5 =	vmul.u32 $0x18, v5  }
0x172: {  	v4 =	vand.u32 $0x7, v4  }
0x173: {  	v4 =	vor.u32 v4, v5  }
0x174: {  	v5 =	vperm.xlane v4, v1;
	_ =	sdelay $0x1  }
0x175: {  	v5 =	vadd.s32 v2, v5;
	_ =	sdelay $0x1  }
0x176: {  	v4 =	vperm.xlane v4, v3;
	_ =	sdelay $0x1  }
0x177: {  	s25 =	simm.s32 $0x6100;
	v4 =	vadd.s32 v2, v4  }
0x178: {  	[tilespmem:s25], [sflag:$0x1] =	stream.indirect_vreg.gather [hbm4b:s5+s3], $0x80, v5, vm0, $0xb8;
	[tilespmem:$0xC100] =	vst v63  }
0x179: {  	s26 =	simm.s32 $0x6900  }
0x17a: {  	[tilespmem:s26], [sflag:$0x1] =	stream.indirect_vreg.gather [hbm4b:s8+s3], $0x80, v5, vm1, $0xb8;
	[tilespmem:$0xC100] =	vst v63  }
0x17b: {  	s28 =	simm.s32 $0x6D00  }
0x17c: {  	[tilespmem:s28], [sflag:$0x1] =	stream.indirect_vreg.gather [hbm4b:s5+s3], $0x80, v4, vm0, $0xb8;
	[tilespmem:$0xC100] =	vst v63  }
0x17d: {  	s25 =	simm.s32 $0x7500  }
0x17e: {  	[tilespmem:s25], [sflag:$0x1] =	stream.indirect_vreg.gather [hbm4b:s8+s3], $0x80, v4, vm1, $0xb8;
	[tilespmem:$0xC100] =	vst v63  }
0x17f: {  	v4 =	vld [tilespmem:$0xD0];
	_ =	sdelay $0x4  }
0x180: {  	v5 =	vshrl.u32 v4, $0x3  }
0x181: {  	v5 =	vmul.u32 $0x18, v5  }
0x182: {  	v4 =	vand.u32 $0x7, v4  }
0x183: {  	v4 =	vor.u32 v4, v5  }
0x184: {  	v5 =	vperm.xlane v4, v1;
	_ =	sdelay $0x1  }
0x185: {  	v5 =	vadd.s32 v2, v5;
	_ =	sdelay $0x1  }
0x186: {  	v4 =	vperm.xlane v4, v3;
	_ =	sdelay $0x1  }
0x187: {  	s26 =	simm.s32 $0x7900;
	v4 =	vadd.s32 v2, v4  }
0x188: {  	[tilespmem:s26], [sflag:$0x1] =	stream.indirect_vreg.gather [hbm4b:s5+s3], $0x80, v5, vm0, $0xb8;
	[tilespmem:$0xC100] =	vst v63  }
0x189: {  	_ = 	snop  }
0x18a: {  	[tilespmem:s0], [sflag:$0x1] =	stream.indirect_vreg.gather [hbm4b:s8+s3], $0x80, v5, vm1, $0xb8;
	[tilespmem:$0xC100] =	vst v63  }
0x18b: {  	_ = 	snop  }
0x18c: {  	[tilespmem:s1], [sflag:$0x1] =	stream.indirect_vreg.gather [hbm4b:s5+s3], $0x80, v4, vm0, $0xb8;
	[tilespmem:$0xC100] =	vst v63  }
0x18d: {  	s28 =	simm.s32 $0x8D00  }
0x18e: {  	[tilespmem:s28], [sflag:$0x1] =	stream.indirect_vreg.gather [hbm4b:s8+s3], $0x80, v4, vm1, $0xb8;
	[tilespmem:$0xC100] =	vst v63  }
0x18f: {  	v4 =	vld [tilespmem:$0xE0];
	_ =	sdelay $0x4  }
0x190: {  	v5 =	vshrl.u32 v4, $0x3  }
0x191: {  	v5 =	vmul.u32 $0x18, v5  }
0x192: {  	v4 =	vand.u32 $0x7, v4  }
0x193: {  	v4 =	vor.u32 v4, v5  }
0x194: {  	v5 =	vperm.xlane v4, v1;
	_ =	sdelay $0x1  }
0x195: {  	v5 =	vadd.s32 v2, v5;
	_ =	sdelay $0x1  }
0x196: {  	v4 =	vperm.xlane v4, v3;
	_ =	sdelay $0x1  }
0x197: {  	s17 =	simm.s32 $0x9100;
	v4 =	vadd.s32 v2, v4  }
0x198: {  	[tilespmem:s17], [sflag:$0x1] =	stream.indirect_vreg.gather [hbm4b:s5+s3], $0x80, v5, vm0, $0xb8;
	[tilespmem:$0xC100] =	vst v63  }
0x199: {  	_ = 	snop  }
0x19a: {  	[tilespmem:s22], [sflag:$0x1] =	stream.indirect_vreg.gather [hbm4b:s8+s3], $0x80, v5, vm1, $0xb8;
	[tilespmem:$0xC100] =	vst v63  }
0x19b: {  	_ = 	snop  }
0x19c: {  	[tilespmem:s11], [sflag:$0x1] =	stream.indirect_vreg.gather [hbm4b:s5+s3], $0x80, v4, vm0, $0xb8;
	[tilespmem:$0xC100] =	vst v63  }
0x19d: {  	s29 =	simm.s32 $0xA500  }
0x19e: {  	[tilespmem:s29], [sflag:$0x1] =	stream.indirect_vreg.gather [hbm4b:s8+s3], $0x80, v4, vm1, $0xb8;
	[tilespmem:$0xC100] =	vst v63  }
0x19f: {  	v4 =	vld [tilespmem:$0xF0];
	_ =	sdelay $0x4  }
0x1a0: {  	v5 =	vshrl.u32 v4, $0x3  }
0x1a1: {  	v5 =	vmul.u32 $0x18, v5  }
0x1a2: {  	v4 =	vand.u32 $0x7, v4  }
0x1a3: {  	v4 =	vor.u32 v4, v5  }
0x1a4: {  	v5 =	vperm.xlane v4, v1;
	_ =	sdelay $0x1  }
0x1a5: {  	v5 =	vadd.s32 v2, v5;
	_ =	sdelay $0x1  }
0x1a6: {  	v4 =	vperm.xlane v4, v3;
	_ =	sdelay $0x1  }
0x1a7: {  	v4 =	vadd.s32 v2, v4  }
0x1a8: {  	[tilespmem:s12], [sflag:$0x1] =	stream.indirect_vreg.gather [hbm4b:s5+s3], $0x80, v5, vm0, $0xb8;
	[tilespmem:$0xC100] =	vst v63  }
0x1a9: {  	_ = 	snop  }
0x1aa: {  	[tilespmem:s13], [sflag:$0x1] =	stream.indirect_vreg.gather [hbm4b:s8+s3], $0x80, v5, vm1, $0xb8;
	[tilespmem:$0xC100] =	vst v63  }
0x1ab: {  	s18 =	simm.s32 $0xB500  }
0x1ac: {  	[tilespmem:s18], [sflag:$0x1] =	stream.indirect_vreg.gather [hbm4b:s5+s3], $0x80, v4, vm0, $0xb8;
	[tilespmem:$0xC100] =	vst v63  }
0x1ad: {  	_ = 	snop  }
0x1ae: {  	[tilespmem:s14], [sflag:$0x1] =	stream.indirect_vreg.gather [hbm4b:s8+s3], $0x80, v4, vm1, $0xb8;
	[tilespmem:$0xC100] =	vst v63  }
0x1af: {  	_ =	swait.ge [sflag:s16], $0xC000  }
0x1b0: {  	p0 =	sne.s32 s9, $0x1;
	[sflag:s16] =	ssyncset.done $0x0  }
.Ltmp0:
0x1b1: {  	s31 =	rddreg [dreg:$0x7];
	[sflag:s16] =	ssyncadd.s32 $0xFFFF4000;
	(pc) =	sbr.rel @p0 .LBB2_1-.Ltmp0, $4  }
0x1b2: {  	[hbm4b:s31+s3] =	stream.linear.scatter [tilespmem:s15], [sflag:$0x2], $0xC000, $0x38;
	[tilespmem:$0xC100] =	vst v63  }
0x1b3: {  	_ =	swait.ge [sflag:s10], $0xC000  }
0x1b4: {  	[sflag:s10] =	ssyncset.done $0x0  }
0x1b5: {  	s9 =	sadd.s32 $0xFFFFFFFF, s9;
	[sflag:s10] =	ssyncadd.s32 $0xFFFF4000  }
0x1b6: {  	_ =	sfence.sel $0x180000  }
0x1b7: {  	[bflag:$0x0] =	sbarrier.arrive $0xFFFF  }
0x1b8: {  	_ =	strace $0x90000047  }
0x1b9: {  	s0 =	stileid.u32;
	[bflag:$0x2] =	sbarrier.arrive $0xFFFF  }
0x1ba: {  	p0 =	sne.s32 s0, $0x0;
	s0 =	rddreg [dreg:$0x2]  }
0x1bb: {  	s0 =	sadd.s32 @!p0 $0x100000, s0  }
0x1bc: {  	[sflag:s0] =	ssyncadd.tile.s32 @!p0 $0x1;
	_ =	shalt  }
.Lfunc_end2:
_tile_overlayer_lowered:
.L_overlay_start_2:
0x1bd: {  	(tag) =	ssettag $0x2  }
0x1be: {  	s0 =	rddreg [dreg:$0x0];
	s2 =	stileid.u32  }
0x1bf: {  	s1 =	rddreg [dreg:$0x1];
	p0 =	sne.s32 s2, $0x0  }
0x1c0: {  	s3 =	rddreg [dreg:$0x2];
	[bflag:$0x3] =	sbarrier.arrive $0xFFFF;
	s2 =	simm.s32 @!p0 $0x1C02  }
0x1c1: {  	[timem:s3], [sflag:s2] =	dma.local @!p0 [hbm:s0], s1  }
0x1c2: {  	s0 =	simm.s32 @!p0 $0x2  }
0x1c3: {  	_ =	swait.ge @!p0 [sflag:s0], s1  }
0x1c4: {  	s1 =	ssub.s32 @!p0 $0x0, s1;
	[sflag:s0] =	ssyncset.done @!p0 $0x0  }
0x1c5: {  	[sflag:s0] =	ssyncadd.s32 @!p0 s1  }
0x1c6: {  	[bflag:$0x3] =	sbarrier.arrive $0xFFFF  }
0x1c7: {  	_ =	shalt  }

</sc_bundles>
